<compile_context>
chip_gen: v7x
topology: tpu7x:2x2x1
jax: 0.10.2.dev20260603
libtpu: 0.0.44.dev20260713+nightly
codegen_flags: <defaults>
</compile_context>

<pallas_src>
import functools

import jax
import jax.numpy as jnp
from jax import lax
from jax.experimental import pallas as pl
from jax.experimental.pallas import tpu as pltpu
from jax.experimental.pallas import tpu_sc as plsc

N_ORIG = 1000000
N_NEW = 1024
D = 64
B = 16384
L = 50

NC = 2
NS = 16
NW = NC * NS

TOKENS = B * L
TPW = TOKENS // NW
CHUNK = 512
NCHUNK = TPW // CHUNK
SUB = 128
NSUB = CHUNK // SUB


def _body(ids_hbm, orig_hbm, new_hbm, out_hbm,
          idx0, idx1, oidx0, oidx1, rows0, rows1,
          gsem0, gsem1, wsem0, wsem1, psem):
    cid = lax.axis_index("c")
    sid = lax.axis_index("s")
    wid = sid * NC + cid
    base = wid * TPW

    idxb = (idx0, idx1)
    oidxb = (oidx0, oidx1)
    rowsb = (rows0, rows1)
    gsems = (gsem0, gsem1)
    wsems = (wsem0, wsem1)

    def load_fire(c, j):
        cb = base + c * CHUNK
        pltpu.sync_copy(ids_hbm.at[pl.ds(cb, CHUNK)], idxb[j])

        @pl.loop(0, CHUNK // 16)
        def _grp(g):
            v = idxb[j][pl.ds(g * 16, 16)]
            oidxb[j][pl.ds(g * 16, 16)] = jnp.where(v >= N_ORIG, 0, v)

        for s in range(NSUB):
            pltpu.async_copy(
                orig_hbm.at[oidxb[j].at[pl.ds(s * SUB, SUB)]],
                rowsb[j].at[pl.ds(s * SUB, SUB)],
                gsems[j],
            )

    def drain_gathers(j):
        for s in range(NSUB):
            pltpu.make_async_copy(
                orig_hbm.at[oidxb[j].at[pl.ds(s * SUB, SUB)]],
                rowsb[j].at[pl.ds(s * SUB, SUB)],
                gsems[j],
            ).wait()

    def fire_writeout(c, j):
        cb = base + c * CHUNK
        pltpu.async_copy(rowsb[j], out_hbm.at[pl.ds(cb, CHUNK)], wsems[j])

    def drain_writeout(c, j):
        cb = base + c * CHUNK
        pltpu.make_async_copy(
            rowsb[j], out_hbm.at[pl.ds(cb, CHUNK)], wsems[j]).wait()

    def patch(c, j):
        cb = base + c * CHUNK

        @pl.loop(0, CHUNK // 16)
        def _fix(g):
            v = idxb[j][pl.ds(g * 16, 16)]
            m = v >= N_ORIG
            cnt = plsc.all_reduce_population_count(m)[0]

            @pl.when(cnt > 0)
            def _():
                for t in range(16):
                    vid = v[t]

                    @pl.when(vid >= N_ORIG)
                    def _():
                        pltpu.async_copy(
                            new_hbm.at[pl.ds(vid - N_ORIG, 1)],
                            out_hbm.at[pl.ds(cb + g * 16 + t, 1)],
                            psem,
                        ).wait()

    load_fire(0, 0)

    @pl.loop(0, NCHUNK // 2)
    def _pair(p):
        for jj in range(2):
            c = 2 * p + jj
            prev = c - 1
            nxt = c + 1
            oj = 1 - jj

            if jj == 0:
                @pl.when(p > 0)
                def _():
                    drain_writeout(prev, oj)
                    patch(prev, oj)
                load_fire(nxt, oj)
            else:
                drain_writeout(prev, oj)
                patch(prev, oj)

                @pl.when(p < NCHUNK // 2 - 1)
                def _():
                    load_fire(nxt, oj)

            drain_gathers(jj)
            fire_writeout(c, jj)

    drain_writeout(NCHUNK - 1, 1)
    patch(NCHUNK - 1, 1)


@functools.partial(jax.jit, static_argnames=())
def kernel(input_ids, original_weight, new_weight):
    ids_flat = input_ids.reshape(TOKENS)
    mesh = plsc.VectorSubcoreMesh(
        core_axis_name="c", subcore_axis_name="s",
        num_cores=NC, num_subcores=NS,
    )
    out = pl.kernel(
        _body,
        out_type=jax.ShapeDtypeStruct((TOKENS, D), jnp.float32),
        mesh=mesh,
        compiler_params=pltpu.CompilerParams(
            use_tc_tiling_on_sc=False, needs_layout_passes=False),
        scratch_types=[
            pltpu.VMEM((CHUNK,), jnp.int32),
            pltpu.VMEM((CHUNK,), jnp.int32),
            pltpu.VMEM((CHUNK,), jnp.int32),
            pltpu.VMEM((CHUNK,), jnp.int32),
            pltpu.VMEM((CHUNK, D), jnp.float32),
            pltpu.VMEM((CHUNK, D), jnp.float32),
            pltpu.SemaphoreType.DMA,
            pltpu.SemaphoreType.DMA,
            pltpu.SemaphoreType.DMA,
            pltpu.SemaphoreType.DMA,
            pltpu.SemaphoreType.DMA,
        ],
    )(ids_flat, original_weight, new_weight)
    return out.reshape(B, L, D)

# --- scband reference (transcript-rebuilt; emitter-appended) ---
"""Pipeline reference for scband-extended-embedding-74242804679058 (READ-ONLY COPY).

The authoritative reference and input builder live on the scoring server;
editing this copy changes nothing except your own understanding.
"""

import jax, jax.numpy as jnp
import numpy as np

N_ORIG = 1000000
N_NEW = 1024
D = 64
B = 16384
L = 50

def setup_inputs(seed: int = 0) -> dict:
    key = jax.random.key(seed)
    k_ids, k_orig, k_new = jax.random.split(key, 3)
    input_ids = jax.random.randint(k_ids, (B, L), 0, N_ORIG + N_NEW, dtype=jnp.int32)
    original_weight = jax.random.normal(k_orig, (N_ORIG, D), dtype=jnp.float32) * 0.02
    new_weight = jax.random.normal(k_new, (N_NEW, D), dtype=jnp.float32) * 0.02
    return {"input_ids": input_ids, "original_weight": original_weight, "new_weight": new_weight}

def reference(input_ids, original_weight, new_weight):
    # is_new_token = input_ids >= num_embeddings(original)
    is_new = input_ids >= N_ORIG
    # Gather from original table for old tokens (clamp indices for safety; results masked out)
    orig_idx = jnp.where(is_new, 0, input_ids)
    new_idx = jnp.where(is_new, input_ids - N_ORIG, 0)
    orig_emb = jnp.take(original_weight, orig_idx, axis=0)
    new_emb = jnp.take(new_weight, new_idx, axis=0)
    # combined_embeddings: old positions get original embedding, new positions get new embedding
    combined = jnp.where(is_new[..., None], new_emb, orig_emb)
    return combined

if __name__ == "__main__":
    import jax
    _d = setup_inputs()
    print(jax.jit(kernel)(*tuple(_d.values())))

</pallas_src>

<mosaic_0001>
#map = affine_map<(d0, d1) -> (0)>
#map1 = affine_map<(d0, d1) -> (0, 0)>
module attributes {stable_mosaic.version = 14 : i64} {
  func.func @_body(%arg0: i32, %arg1: i32, %arg2: memref<819200xi32, #tpu.memory_space<hbm>>, %arg3: memref<1000000x64xf32, #tpu.memory_space<hbm>>, %arg4: memref<1024x64xf32, #tpu.memory_space<hbm>>, %arg5: memref<819200x64xf32, #tpu.memory_space<hbm>>, %arg6: memref<512xi32, #tpu.memory_space<vmem>>, %arg7: memref<512xi32, #tpu.memory_space<vmem>>, %arg8: memref<512xi32, #tpu.memory_space<vmem>>, %arg9: memref<512xi32, #tpu.memory_space<vmem>>, %arg10: memref<512x64xf32, #tpu.memory_space<vmem>>, %arg11: memref<512x64xf32, #tpu.memory_space<vmem>>, %arg12: memref<!tpu.dma_semaphore, #tpu.memory_space<semaphore_mem>>, %arg13: memref<!tpu.dma_semaphore, #tpu.memory_space<semaphore_mem>>, %arg14: memref<!tpu.dma_semaphore, #tpu.memory_space<semaphore_mem>>, %arg15: memref<!tpu.dma_semaphore, #tpu.memory_space<semaphore_mem>>, %arg16: memref<!tpu.dma_semaphore, #tpu.memory_space<semaphore_mem>>) attributes {dimension_semantics = [#tpu.dimension_semantics<core_parallel>, #tpu.dimension_semantics<subcore_parallel>], iteration_bounds = array<i64: 2, 16>, scalar_prefetch = 0 : i64, scratch_operands = 11 : i64, tpu.core_type = #tpu.core_type<sc_vector_subcore>, window_params = [{transform_indices = #map}, {transform_indices = #map1}, {transform_indices = #map1}, {transform_indices = #map1}]} {
    %mul3A = arith.constant 2 : i32
    %mul3A_0 = arith.muli %arg1, %mul3A : i32
    %add3A = arith.addi %mul3A_0, %arg0 : i32
    %mul3A_1 = arith.constant 25600 : i32
    %mul3A_2 = arith.muli %add3A, %mul3A_1 : i32
    %add3A_3 = arith.constant 0 : i32
    %add3A_4 = arith.addi %mul3A_2, %add3A_3 : i32
    "tpu.region"() ({
      %run_scoped3A = tpu.sem_alloc : memref<!tpu.dma_semaphore, #tpu.memory_space<semaphore_mem>>
      %dma_start3A_57 = tpu.memref_slice %arg2[%add3A_4] : memref<819200xi32, #tpu.memory_space<hbm>> -> memref<512xi32, #tpu.memory_space<hbm>>
      %dma_start3A_58 = tpu.memref_slice %arg2[%add3A_4] : memref<819200xi32, #tpu.memory_space<hbm>> -> memref<512xi32, #tpu.memory_space<hbm>>
      tpu.enqueue_dma source(%dma_start3A_58 : memref<512xi32, #tpu.memory_space<hbm>>) target(%arg6 : memref<512xi32, #tpu.memory_space<vmem>>) target_semaphore(%run_scoped3A : memref<!tpu.dma_semaphore, #tpu.memory_space<semaphore_mem>>)
      %dma_wait3A_59 = tpu.memref_slice %arg2[%add3A_4] : memref<819200xi32, #tpu.memory_space<hbm>> -> memref<512xi32, #tpu.memory_space<hbm>>
      %dma_wait3A_60 = tpu.memref_slice %arg2[%add3A_4] : memref<819200xi32, #tpu.memory_space<hbm>> -> memref<512xi32, #tpu.memory_space<hbm>>
      tpu.wait_dma2 semaphore(%run_scoped3A : memref<!tpu.dma_semaphore, #tpu.memory_space<semaphore_mem>>) src(%dma_wait3A_60 : memref<512xi32, #tpu.memory_space<hbm>>) dst(%arg6 : memref<512xi32, #tpu.memory_space<vmem>>)
      tpu.yield
    }) : () -> ()
    %scan3A = arith.constant 0 : i32
    %scan3A_5 = arith.constant 32 : i32
    %scan3A_6 = arith.addi %scan3A, %scan3A_5 : i32
    %scan3A_7 = arith.constant 1 : i32
    scf.for %scan3A_57 = %scan3A to %scan3A_6 step %scan3A_7  : i32 {
      %mul3A_58 = arith.constant 1 : i32
      %mul3A_59 = arith.muli %scan3A_57, %mul3A_58 : i32
      %add3A_60 = arith.constant 0 : i32
      %add3A_61 = arith.addi %add3A_60, %mul3A_59 : i32
      %mul3A_62 = arith.constant 16 : i32
      %mul3A_63 = arith.muli %add3A_61, %mul3A_62 : i32
      %get3A = arith.index_cast %mul3A_63 : i32 to index
      %get3A_64 = tpu.vector_load %arg6[%get3A] {strides = array<i32>} : memref<512xi32, #tpu.memory_space<vmem>>, vector<16xi32>,
      %ge3A = arith.constant 1000000 : i32
      %ge3A_65 = vector.broadcast %ge3A : i32 to vector<16xi32>
      %ge3A_66 = arith.cmpi sge, %get3A_64, %ge3A_65 : vector<16xi32>
      %jit3A = arith.constant 0 : i32
      %broadcast_in_dim3A = vector.broadcast %jit3A : i32 to vector<16xi32>
      %select_n3A = arith.select %ge3A_66, %broadcast_in_dim3A, %get3A_64 : vector<16xi1>, vector<16xi32>
      %mul3A_67 = arith.constant 16 : i32
      %mul3A_68 = arith.muli %add3A_61, %mul3A_67 : i32
      %swap3A = arith.index_cast %mul3A_68 : i32 to index
      %swap3A_69 = tpu.vector_load %arg8[%swap3A] {strides = array<i32>} : memref<512xi32, #tpu.memory_space<vmem>>, vector<16xi32>,
      tpu.vector_store %arg8[%swap3A], %select_n3A {strides = array<i32>} : memref<512xi32, #tpu.memory_space<vmem>>, vector<16xi32>,
    }
    %scan3A_8 = arith.constant 32 : i32
    %dma_start3A = arith.constant 0 : i32
    %dma_start3A_9 = arith.constant 0 : i32
    %dma_start3A_10 = tpu.memref_slice %arg10[%dma_start3A, %dma_start3A_9] : memref<512x64xf32, #tpu.memory_space<vmem>> -> memref<128x64xf32, #tpu.memory_space<vmem>>
    %dma_start3A_11 = arith.constant 0 : i32
    %dma_start3A_12 = tpu.memref_slice %arg8[%dma_start3A_11] : memref<512xi32, #tpu.memory_space<vmem>> -> memref<128xi32, #tpu.memory_space<vmem>>
    %dma_start3A_13 = arith.constant 0 : i32
    %dma_start3A_14 = arith.constant 0 : i32
    %dma_start3A_15 = tpu.memref_slice %arg3[%dma_start3A_13, %dma_start3A_14] : memref<1000000x64xf32, #tpu.memory_space<hbm>> -> memref<1000000x64xf32, #tpu.memory_space<hbm>>
    tpu.enqueue_indirect_dma source(%dma_start3A_15 : memref<1000000x64xf32, #tpu.memory_space<hbm>>) target(%dma_start3A_10 : memref<128x64xf32, #tpu.memory_space<vmem>>) offsets(%dma_start3A_12 : memref<128xi32, #tpu.memory_space<vmem>>) semaphore(%arg12 : memref<!tpu.dma_semaphore, #tpu.memory_space<semaphore_mem>>)
    %dma_start3A_16 = arith.constant 128 : i32
    %dma_start3A_17 = arith.constant 0 : i32
    %dma_start3A_18 = tpu.memref_slice %arg10[%dma_start3A_16, %dma_start3A_17] : memref<512x64xf32, #tpu.memory_space<vmem>> -> memref<128x64xf32, #tpu.memory_space<vmem>>
    %dma_start3A_19 = arith.constant 128 : i32
    %dma_start3A_20 = tpu.memref_slice %arg8[%dma_start3A_19] : memref<512xi32, #tpu.memory_space<vmem>> -> memref<128xi32, #tpu.memory_space<vmem>>
    %dma_start3A_21 = arith.constant 0 : i32
    %dma_start3A_22 = arith.constant 0 : i32
    %dma_start3A_23 = tpu.memref_slice %arg3[%dma_start3A_21, %dma_start3A_22] : memref<1000000x64xf32, #tpu.memory_space<hbm>> -> memref<1000000x64xf32, #tpu.memory_space<hbm>>
    tpu.enqueue_indirect_dma source(%dma_start3A_23 : memref<1000000x64xf32, #tpu.memory_space<hbm>>) target(%dma_start3A_18 : memref<128x64xf32, #tpu.memory_space<vmem>>) offsets(%dma_start3A_20 : memref<128xi32, #tpu.memory_space<vmem>>) semaphore(%arg12 : memref<!tpu.dma_semaphore, #tpu.memory_space<semaphore_mem>>)
    %dma_start3A_24 = arith.constant 256 : i32
    %dma_start3A_25 = arith.constant 0 : i32
    %dma_start3A_26 = tpu.memref_slice %arg10[%dma_start3A_24, %dma_start3A_25] : memref<512x64xf32, #tpu.memory_space<vmem>> -> memref<128x64xf32, #tpu.memory_space<vmem>>
    %dma_start3A_27 = arith.constant 256 : i32
    %dma_start3A_28 = tpu.memref_slice %arg8[%dma_start3A_27] : memref<512xi32, #tpu.memory_space<vmem>> -> memref<128xi32, #tpu.memory_space<vmem>>
    %dma_start3A_29 = arith.constant 0 : i32
    %dma_start3A_30 = arith.constant 0 : i32
    %dma_start3A_31 = tpu.memref_slice %arg3[%dma_start3A_29, %dma_start3A_30] : memref<1000000x64xf32, #tpu.memory_space<hbm>> -> memref<1000000x64xf32, #tpu.memory_space<hbm>>
    tpu.enqueue_indirect_dma source(%dma_start3A_31 : memref<1000000x64xf32, #tpu.memory_space<hbm>>) target(%dma_start3A_26 : memref<128x64xf32, #tpu.memory_space<vmem>>) offsets(%dma_start3A_28 : memref<128xi32, #tpu.memory_space<vmem>>) semaphore(%arg12 : memref<!tpu.dma_semaphore, #tpu.memory_space<semaphore_mem>>)
    %dma_start3A_32 = arith.constant 384 : i32
    %dma_start3A_33 = arith.constant 0 : i32
    %dma_start3A_34 = tpu.memref_slice %arg10[%dma_start3A_32, %dma_start3A_33] : memref<512x64xf32, #tpu.memory_space<vmem>> -> memref<128x64xf32, #tpu.memory_space<vmem>>
    %dma_start3A_35 = arith.constant 384 : i32
    %dma_start3A_36 = tpu.memref_slice %arg8[%dma_start3A_35] : memref<512xi32, #tpu.memory_space<vmem>> -> memref<128xi32, #tpu.memory_space<vmem>>
    %dma_start3A_37 = arith.constant 0 : i32
    %dma_start3A_38 = arith.constant 0 : i32
    %dma_start3A_39 = tpu.memref_slice %arg3[%dma_start3A_37, %dma_start3A_38] : memref<1000000x64xf32, #tpu.memory_space<hbm>> -> memref<1000000x64xf32, #tpu.memory_space<hbm>>
    tpu.enqueue_indirect_dma source(%dma_start3A_39 : memref<1000000x64xf32, #tpu.memory_space<hbm>>) target(%dma_start3A_34 : memref<128x64xf32, #tpu.memory_space<vmem>>) offsets(%dma_start3A_36 : memref<128xi32, #tpu.memory_space<vmem>>) semaphore(%arg12 : memref<!tpu.dma_semaphore, #tpu.memory_space<semaphore_mem>>)
    %scan3A_40 = arith.constant 0 : i32
    %scan3A_41 = arith.constant 25 : i32
    %scan3A_42 = arith.addi %scan3A_40, %scan3A_41 : i32
    %scan3A_43 = arith.constant 1 : i32
    scf.for %scan3A_57 = %scan3A_40 to %scan3A_42 step %scan3A_43  : i32 {
      %mul3A_58 = arith.constant 1 : i32
      %mul3A_59 = arith.muli %scan3A_57, %mul3A_58 : i32
      %add3A_60 = arith.constant 0 : i32
      %add3A_61 = arith.addi %add3A_60, %mul3A_59 : i32
      %mul3A_62 = arith.constant 2 : i32
      %mul3A_63 = arith.muli %mul3A_62, %add3A_61 : i32
      %add3A_64 = arith.constant 0 : i32
      %add3A_65 = arith.addi %mul3A_63, %add3A_64 : i32
      %sub3A = arith.constant 1 : i32
      %sub3A_66 = arith.subi %add3A_65, %sub3A : i32
      %add3A_67 = arith.constant 1 : i32
      %add3A_68 = arith.addi %add3A_65, %add3A_67 : i32
      %gt3A = arith.constant 0 : i32
      %gt3A_69 = arith.cmpi sgt, %add3A_61, %gt3A : i32
      %convert_element_type3A = arith.extui %gt3A_69 : i1 to i32
      %cond3A = arith.constant 0 : i32
      %cond3A_70 = arith.cmpi ne, %convert_element_type3A, %cond3A : i32
      scf.if %cond3A_70 {
        %mul3A_216 = arith.constant 512 : i32
        %mul3A_217 = arith.muli %sub3A_66, %mul3A_216 : i32
        %add3A_218 = arith.addi %mul3A_2, %mul3A_217 : i32
        %dma_wait3A_219 = arith.constant 0 : i32
        %dma_wait3A_220 = tpu.memref_slice %arg5[%add3A_218, %dma_wait3A_219] : memref<819200x64xf32, #tpu.memory_space<hbm>> -> memref<512x64xf32, #tpu.memory_space<hbm>>
        %dma_wait3A_221 = arith.constant 0 : i32
        %dma_wait3A_222 = tpu.memref_slice %arg5[%add3A_218, %dma_wait3A_221] : memref<819200x64xf32, #tpu.memory_space<hbm>> -> memref<512x64xf32, #tpu.memory_space<hbm>>
        tpu.wait_dma2 semaphore(%arg15 : memref<!tpu.dma_semaphore, #tpu.memory_space<semaphore_mem>>) src(%arg11 : memref<512x64xf32, #tpu.memory_space<vmem>>) dst(%dma_wait3A_222 : memref<512x64xf32, #tpu.memory_space<hbm>>)
        %mul3A_223 = arith.constant 512 : i32
        %mul3A_224 = arith.muli %sub3A_66, %mul3A_223 : i32
        %add3A_225 = arith.addi %mul3A_2, %mul3A_224 : i32
        %scan3A_226 = arith.constant 0 : i32
        %scan3A_227 = arith.constant 32 : i32
        %scan3A_228 = arith.addi %scan3A_226, %scan3A_227 : i32
        %scan3A_229 = arith.constant 1 : i32
        scf.for %scan3A_231 = %scan3A_226 to %scan3A_228 step %scan3A_229  : i32 {
          %mul3A_232 = arith.constant 1 : i32
          %mul3A_233 = arith.muli %scan3A_231, %mul3A_232 : i32
          %add3A_234 = arith.constant 0 : i32
          %add3A_235 = arith.addi %add3A_234, %mul3A_233 : i32
          %mul3A_236 = arith.constant 16 : i32
          %mul3A_237 = arith.muli %add3A_235, %mul3A_236 : i32
          %get3A = arith.index_cast %mul3A_237 : i32 to index
          %get3A_238 = tpu.vector_load %arg7[%get3A] {strides = array<i32>} : memref<512xi32, #tpu.memory_space<vmem>>, vector<16xi32>,
          %ge3A = arith.constant 1000000 : i32
          %ge3A_239 = vector.broadcast %ge3A : i32 to vector<16xi32>
          %ge3A_240 = arith.cmpi sge, %get3A_238, %ge3A_239 : vector<16xi32>
          %all_reduce_population_count3A = tpu.all_reduce %ge3A_240 {dim = 0 : i64, kind = #tpu.reduction_kind<sum>} : vector<16xi1> -> vector<16xi32>
          %slice3A = vector.extract_strided_slice %all_reduce_population_count3A {offsets = [0], sizes = [1], strides = [1]} : vector<16xi32> to vector<1xi32>
          %squeeze3A = vector.extract %slice3A[0] : i32 from vector<1xi32>
          %gt3A_241 = arith.constant 0 : i32
          %gt3A_242 = arith.cmpi sgt, %squeeze3A, %gt3A_241 : i32
          %convert_element_type3A_243 = arith.extui %gt3A_242 : i1 to i32
          %cond3A_244 = arith.constant 0 : i32
          %cond3A_245 = arith.cmpi ne, %convert_element_type3A_243, %cond3A_244 : i32
          scf.if %cond3A_245 {
            %slice3A_246 = vector.extract_strided_slice %get3A_238 {offsets = [0], sizes = [1], strides = [1]} : vector<16xi32> to vector<1xi32>
            %squeeze3A_247 = vector.extract %slice3A_246[0] : i32 from vector<1xi32>
            %ge3A_248 = arith.constant 1000000 : i32
            %ge3A_249 = arith.cmpi sge, %squeeze3A_247, %ge3A_248 : i32
            %convert_element_type3A_250 = arith.extui %ge3A_249 : i1 to i32
            %cond3A_251 = arith.constant 0 : i32
            %cond3A_252 = arith.cmpi ne, %convert_element_type3A_250, %cond3A_251 : i32
            scf.if %cond3A_252 {
              %sub3A_358 = arith.constant 1000000 : i32
              %sub3A_359 = arith.subi %squeeze3A_247, %sub3A_358 : i32
              %mul3A_360 = arith.constant 16 : i32
              %mul3A_361 = arith.muli %add3A_235, %mul3A_360 : i32
              %add3A_362 = arith.addi %add3A_225, %mul3A_361 : i32
              %add3A_363 = arith.constant 0 : i32
              %add3A_364 = arith.addi %add3A_362, %add3A_363 : i32
              %dma_start3A_365 = arith.constant 0 : i32
              %dma_start3A_366 = tpu.memref_slice %arg5[%add3A_364, %dma_start3A_365] : memref<819200x64xf32, #tpu.memory_space<hbm>> -> memref<1x64xf32, #tpu.memory_space<hbm>>
              %dma_start3A_367 = arith.constant 0 : i32
              %dma_start3A_368 = tpu.memref_slice %arg4[%sub3A_359, %dma_start3A_367] : memref<1024x64xf32, #tpu.memory_space<hbm>> -> memref<1x64xf32, #tpu.memory_space<hbm>>
              tpu.enqueue_dma source(%dma_start3A_368 : memref<1x64xf32, #tpu.memory_space<hbm>>) target(%dma_start3A_366 : memref<1x64xf32, #tpu.memory_space<hbm>>) target_semaphore(%arg16 : memref<!tpu.dma_semaphore, #tpu.memory_space<semaphore_mem>>)
              %dma_wait3A_369 = arith.constant 0 : i32
              %dma_wait3A_370 = tpu.memref_slice %arg5[%add3A_364, %dma_wait3A_369] : memref<819200x64xf32, #tpu.memory_space<hbm>> -> memref<1x64xf32, #tpu.memory_space<hbm>>
              %dma_wait3A_371 = arith.constant 0 : i32
              %dma_wait3A_372 = tpu.memref_slice %arg4[%sub3A_359, %dma_wait3A_371] : memref<1024x64xf32, #tpu.memory_space<hbm>> -> memref<1x64xf32, #tpu.memory_space<hbm>>
              tpu.wait_dma2 semaphore(%arg16 : memref<!tpu.dma_semaphore, #tpu.memory_space<semaphore_mem>>) src(%dma_wait3A_372 : memref<1x64xf32, #tpu.memory_space<hbm>>) dst(%dma_wait3A_370 : memref<1x64xf32, #tpu.memory_space<hbm>>)
            } else {
            }
            %slice3A_253 = vector.extract_strided_slice %get3A_238 {offsets = [1], sizes = [1], strides = [1]} : vector<16xi32> to vector<1xi32>
            %squeeze3A_254 = vector.extract %slice3A_253[0] : i32 from vector<1xi32>
            %ge3A_255 = arith.constant 1000000 : i32
            %ge3A_256 = arith.cmpi sge, %squeeze3A_254, %ge3A_255 : i32
            %convert_element_type3A_257 = arith.extui %ge3A_256 : i1 to i32
            %cond3A_258 = arith.constant 0 : i32
            %cond3A_259 = arith.cmpi ne, %convert_element_type3A_257, %cond3A_258 : i32
            scf.if %cond3A_259 {
              %sub3A_358 = arith.constant 1000000 : i32
              %sub3A_359 = arith.subi %squeeze3A_254, %sub3A_358 : i32
              %mul3A_360 = arith.constant 16 : i32
              %mul3A_361 = arith.muli %add3A_235, %mul3A_360 : i32
              %add3A_362 = arith.addi %add3A_225, %mul3A_361 : i32
              %add3A_363 = arith.constant 1 : i32
              %add3A_364 = arith.addi %add3A_362, %add3A_363 : i32
              %dma_start3A_365 = arith.constant 0 : i32
              %dma_start3A_366 = tpu.memref_slice %arg5[%add3A_364, %dma_start3A_365] : memref<819200x64xf32, #tpu.memory_space<hbm>> -> memref<1x64xf32, #tpu.memory_space<hbm>>
              %dma_start3A_367 = arith.constant 0 : i32
              %dma_start3A_368 = tpu.memref_slice %arg4[%sub3A_359, %dma_start3A_367] : memref<1024x64xf32, #tpu.memory_space<hbm>> -> memref<1x64xf32, #tpu.memory_space<hbm>>
              tpu.enqueue_dma source(%dma_start3A_368 : memref<1x64xf32, #tpu.memory_space<hbm>>) target(%dma_start3A_366 : memref<1x64xf32, #tpu.memory_space<hbm>>) target_semaphore(%arg16 : memref<!tpu.dma_semaphore, #tpu.memory_space<semaphore_mem>>)
              %dma_wait3A_369 = arith.constant 0 : i32
              %dma_wait3A_370 = tpu.memref_slice %arg5[%add3A_364, %dma_wait3A_369] : memref<819200x64xf32, #tpu.memory_space<hbm>> -> memref<1x64xf32, #tpu.memory_space<hbm>>
              %dma_wait3A_371 = arith.constant 0 : i32
              %dma_wait3A_372 = tpu.memref_slice %arg4[%sub3A_359, %dma_wait3A_371] : memref<1024x64xf32, #tpu.memory_space<hbm>> -> memref<1x64xf32, #tpu.memory_space<hbm>>
              tpu.wait_dma2 semaphore(%arg16 : memref<!tpu.dma_semaphore, #tpu.memory_space<semaphore_mem>>) src(%dma_wait3A_372 : memref<1x64xf32, #tpu.memory_space<hbm>>) dst(%dma_wait3A_370 : memref<1x64xf32, #tpu.memory_space<hbm>>)
            } else {
            }
            %slice3A_260 = vector.extract_strided_slice %get3A_238 {offsets = [2], sizes = [1], strides = [1]} : vector<16xi32> to vector<1xi32>
            %squeeze3A_261 = vector.extract %slice3A_260[0] : i32 from vector<1xi32>
            %ge3A_262 = arith.constant 1000000 : i32
            %ge3A_263 = arith.cmpi sge, %squeeze3A_261, %ge3A_262 : i32
            %convert_element_type3A_264 = arith.extui %ge3A_263 : i1 to i32
            %cond3A_265 = arith.constant 0 : i32
            %cond3A_266 = arith.cmpi ne, %convert_element_type3A_264, %cond3A_265 : i32
            scf.if %cond3A_266 {
              %sub3A_358 = arith.constant 1000000 : i32
              %sub3A_359 = arith.subi %squeeze3A_261, %sub3A_358 : i32
              %mul3A_360 = arith.constant 16 : i32
              %mul3A_361 = arith.muli %add3A_235, %mul3A_360 : i32
              %add3A_362 = arith.addi %add3A_225, %mul3A_361 : i32
              %add3A_363 = arith.constant 2 : i32
              %add3A_364 = arith.addi %add3A_362, %add3A_363 : i32
              %dma_start3A_365 = arith.constant 0 : i32
              %dma_start3A_366 = tpu.memref_slice %arg5[%add3A_364, %dma_start3A_365] : memref<819200x64xf32, #tpu.memory_space<hbm>> -> memref<1x64xf32, #tpu.memory_space<hbm>>
              %dma_start3A_367 = arith.constant 0 : i32
              %dma_start3A_368 = tpu.memref_slice %arg4[%sub3A_359, %dma_start3A_367] : memref<1024x64xf32, #tpu.memory_space<hbm>> -> memref<1x64xf32, #tpu.memory_space<hbm>>
              tpu.enqueue_dma source(%dma_start3A_368 : memref<1x64xf32, #tpu.memory_space<hbm>>) target(%dma_start3A_366 : memref<1x64xf32, #tpu.memory_space<hbm>>) target_semaphore(%arg16 : memref<!tpu.dma_semaphore, #tpu.memory_space<semaphore_mem>>)
              %dma_wait3A_369 = arith.constant 0 : i32
              %dma_wait3A_370 = tpu.memref_slice %arg5[%add3A_364, %dma_wait3A_369] : memref<819200x64xf32, #tpu.memory_space<hbm>> -> memref<1x64xf32, #tpu.memory_space<hbm>>
              %dma_wait3A_371 = arith.constant 0 : i32
              %dma_wait3A_372 = tpu.memref_slice %arg4[%sub3A_359, %dma_wait3A_371] : memref<1024x64xf32, #tpu.memory_space<hbm>> -> memref<1x64xf32, #tpu.memory_space<hbm>>
              tpu.wait_dma2 semaphore(%arg16 : memref<!tpu.dma_semaphore, #tpu.memory_space<semaphore_mem>>) src(%dma_wait3A_372 : memref<1x64xf32, #tpu.memory_space<hbm>>) dst(%dma_wait3A_370 : memref<1x64xf32, #tpu.memory_space<hbm>>)
            } else {
            }
            %slice3A_267 = vector.extract_strided_slice %get3A_238 {offsets = [3], sizes = [1], strides = [1]} : vector<16xi32> to vector<1xi32>
            %squeeze3A_268 = vector.extract %slice3A_267[0] : i32 from vector<1xi32>
            %ge3A_269 = arith.constant 1000000 : i32
            %ge3A_270 = arith.cmpi sge, %squeeze3A_268, %ge3A_269 : i32
            %convert_element_type3A_271 = arith.extui %ge3A_270 : i1 to i32
            %cond3A_272 = arith.constant 0 : i32
            %cond3A_273 = arith.cmpi ne, %convert_element_type3A_271, %cond3A_272 : i32
            scf.if %cond3A_273 {
              %sub3A_358 = arith.constant 1000000 : i32
              %sub3A_359 = arith.subi %squeeze3A_268, %sub3A_358 : i32
              %mul3A_360 = arith.constant 16 : i32
              %mul3A_361 = arith.muli %add3A_235, %mul3A_360 : i32
              %add3A_362 = arith.addi %add3A_225, %mul3A_361 : i32
              %add3A_363 = arith.constant 3 : i32
              %add3A_364 = arith.addi %add3A_362, %add3A_363 : i32
              %dma_start3A_365 = arith.constant 0 : i32
              %dma_start3A_366 = tpu.memref_slice %arg5[%add3A_364, %dma_start3A_365] : memref<819200x64xf32, #tpu.memory_space<hbm>> -> memref<1x64xf32, #tpu.memory_space<hbm>>
              %dma_start3A_367 = arith.constant 0 : i32
              %dma_start3A_368 = tpu.memref_slice %arg4[%sub3A_359, %dma_start3A_367] : memref<1024x64xf32, #tpu.memory_space<hbm>> -> memref<1x64xf32, #tpu.memory_space<hbm>>
              tpu.enqueue_dma source(%dma_start3A_368 : memref<1x64xf32, #tpu.memory_space<hbm>>) target(%dma_start3A_366 : memref<1x64xf32, #tpu.memory_space<hbm>>) target_semaphore(%arg16 : memref<!tpu.dma_semaphore, #tpu.memory_space<semaphore_mem>>)
              %dma_wait3A_369 = arith.constant 0 : i32
              %dma_wait3A_370 = tpu.memref_slice %arg5[%add3A_364, %dma_wait3A_369] : memref<819200x64xf32, #tpu.memory_space<hbm>> -> memref<1x64xf32, #tpu.memory_space<hbm>>
              %dma_wait3A_371 = arith.constant 0 : i32
              %dma_wait3A_372 = tpu.memref_slice %arg4[%sub3A_359, %dma_wait3A_371] : memref<1024x64xf32, #tpu.memory_space<hbm>> -> memref<1x64xf32, #tpu.memory_space<hbm>>
              tpu.wait_dma2 semaphore(%arg16 : memref<!tpu.dma_semaphore, #tpu.memory_space<semaphore_mem>>) src(%dma_wait3A_372 : memref<1x64xf32, #tpu.memory_space<hbm>>) dst(%dma_wait3A_370 : memref<1x64xf32, #tpu.memory_space<hbm>>)
            } else {
            }
            %slice3A_274 = vector.extract_strided_slice %get3A_238 {offsets = [4], sizes = [1], strides = [1]} : vector<16xi32> to vector<1xi32>
            %squeeze3A_275 = vector.extract %slice3A_274[0] : i32 from vector<1xi32>
            %ge3A_276 = arith.constant 1000000 : i32
            %ge3A_277 = arith.cmpi sge, %squeeze3A_275, %ge3A_276 : i32
            %convert_element_type3A_278 = arith.extui %ge3A_277 : i1 to i32
            %cond3A_279 = arith.constant 0 : i32
            %cond3A_280 = arith.cmpi ne, %convert_element_type3A_278, %cond3A_279 : i32
            scf.if %cond3A_280 {
              %sub3A_358 = arith.constant 1000000 : i32
              %sub3A_359 = arith.subi %squeeze3A_275, %sub3A_358 : i32
              %mul3A_360 = arith.constant 16 : i32
              %mul3A_361 = arith.muli %add3A_235, %mul3A_360 : i32
              %add3A_362 = arith.addi %add3A_225, %mul3A_361 : i32
              %add3A_363 = arith.constant 4 : i32
              %add3A_364 = arith.addi %add3A_362, %add3A_363 : i32
              %dma_start3A_365 = arith.constant 0 : i32
              %dma_start3A_366 = tpu.memref_slice %arg5[%add3A_364, %dma_start3A_365] : memref<819200x64xf32, #tpu.memory_space<hbm>> -> memref<1x64xf32, #tpu.memory_space<hbm>>
              %dma_start3A_367 = arith.constant 0 : i32
              %dma_start3A_368 = tpu.memref_slice %arg4[%sub3A_359, %dma_start3A_367] : memref<1024x64xf32, #tpu.memory_space<hbm>> -> memref<1x64xf32, #tpu.memory_space<hbm>>
              tpu.enqueue_dma source(%dma_start3A_368 : memref<1x64xf32, #tpu.memory_space<hbm>>) target(%dma_start3A_366 : memref<1x64xf32, #tpu.memory_space<hbm>>) target_semaphore(%arg16 : memref<!tpu.dma_semaphore, #tpu.memory_space<semaphore_mem>>)
              %dma_wait3A_369 = arith.constant 0 : i32
              %dma_wait3A_370 = tpu.memref_slice %arg5[%add3A_364, %dma_wait3A_369] : memref<819200x64xf32, #tpu.memory_space<hbm>> -> memref<1x64xf32, #tpu.memory_space<hbm>>
              %dma_wait3A_371 = arith.constant 0 : i32
              %dma_wait3A_372 = tpu.memref_slice %arg4[%sub3A_359, %dma_wait3A_371] : memref<1024x64xf32, #tpu.memory_space<hbm>> -> memref<1x64xf32, #tpu.memory_space<hbm>>
              tpu.wait_dma2 semaphore(%arg16 : memref<!tpu.dma_semaphore, #tpu.memory_space<semaphore_mem>>) src(%dma_wait3A_372 : memref<1x64xf32, #tpu.memory_space<hbm>>) dst(%dma_wait3A_370 : memref<1x64xf32, #tpu.memory_space<hbm>>)
            } else {
            }
            %slice3A_281 = vector.extract_strided_slice %get3A_238 {offsets = [5], sizes = [1], strides = [1]} : vector<16xi32> to vector<1xi32>
            %squeeze3A_282 = vector.extract %slice3A_281[0] : i32 from vector<1xi32>
            %ge3A_283 = arith.constant 1000000 : i32
            %ge3A_284 = arith.cmpi sge, %squeeze3A_282, %ge3A_283 : i32
            %convert_element_type3A_285 = arith.extui %ge3A_284 : i1 to i32
            %cond3A_286 = arith.constant 0 : i32
            %cond3A_287 = arith.cmpi ne, %convert_element_type3A_285, %cond3A_286 : i32
            scf.if %cond3A_287 {
              %sub3A_358 = arith.constant 1000000 : i32
              %sub3A_359 = arith.subi %squeeze3A_282, %sub3A_358 : i32
              %mul3A_360 = arith.constant 16 : i32
              %mul3A_361 = arith.muli %add3A_235, %mul3A_360 : i32
              %add3A_362 = arith.addi %add3A_225, %mul3A_361 : i32
              %add3A_363 = arith.constant 5 : i32
              %add3A_364 = arith.addi %add3A_362, %add3A_363 : i32
              %dma_start3A_365 = arith.constant 0 : i32
              %dma_start3A_366 = tpu.memref_slice %arg5[%add3A_364, %dma_start3A_365] : memref<819200x64xf32, #tpu.memory_space<hbm>> -> memref<1x64xf32, #tpu.memory_space<hbm>>
              %dma_start3A_367 = arith.constant 0 : i32
              %dma_start3A_368 = tpu.memref_slice %arg4[%sub3A_359, %dma_start3A_367] : memref<1024x64xf32, #tpu.memory_space<hbm>> -> memref<1x64xf32, #tpu.memory_space<hbm>>
              tpu.enqueue_dma source(%dma_start3A_368 : memref<1x64xf32, #tpu.memory_space<hbm>>) target(%dma_start3A_366 : memref<1x64xf32, #tpu.memory_space<hbm>>) target_semaphore(%arg16 : memref<!tpu.dma_semaphore, #tpu.memory_space<semaphore_mem>>)
              %dma_wait3A_369 = arith.constant 0 : i32
              %dma_wait3A_370 = tpu.memref_slice %arg5[%add3A_364, %dma_wait3A_369] : memref<819200x64xf32, #tpu.memory_space<hbm>> -> memref<1x64xf32, #tpu.memory_space<hbm>>
              %dma_wait3A_371 = arith.constant 0 : i32
              %dma_wait3A_372 = tpu.memref_slice %arg4[%sub3A_359, %dma_wait3A_371] : memref<1024x64xf32, #tpu.memory_space<hbm>> -> memref<1x64xf32, #tpu.memory_space<hbm>>
              tpu.wait_dma2 semaphore(%arg16 : memref<!tpu.dma_semaphore, #tpu.memory_space<semaphore_mem>>) src(%dma_wait3A_372 : memref<1x64xf32, #tpu.memory_space<hbm>>) dst(%dma_wait3A_370 : memref<1x64xf32, #tpu.memory_space<hbm>>)
            } else {
            }
            %slice3A_288 = vector.extract_strided_slice %get3A_238 {offsets = [6], sizes = [1], strides = [1]} : vector<16xi32> to vector<1xi32>
            %squeeze3A_289 = vector.extract %slice3A_288[0] : i32 from vector<1xi32>
            %ge3A_290 = arith.constant 1000000 : i32
            %ge3A_291 = arith.cmpi sge, %squeeze3A_289, %ge3A_290 : i32
            %convert_element_type3A_292 = arith.extui %ge3A_291 : i1 to i32
            %cond3A_293 = arith.constant 0 : i32
            %cond3A_294 = arith.cmpi ne, %convert_element_type3A_292, %cond3A_293 : i32
            scf.if %cond3A_294 {
              %sub3A_358 = arith.constant 1000000 : i32
              %sub3A_359 = arith.subi %squeeze3A_289, %sub3A_358 : i32
              %mul3A_360 = arith.constant 16 : i32
              %mul3A_361 = arith.muli %add3A_235, %mul3A_360 : i32
              %add3A_362 = arith.addi %add3A_225, %mul3A_361 : i32
              %add3A_363 = arith.constant 6 : i32
              %add3A_364 = arith.addi %add3A_362, %add3A_363 : i32
              %dma_start3A_365 = arith.constant 0 : i32
              %dma_start3A_366 = tpu.memref_slice %arg5[%add3A_364, %dma_start3A_365] : memref<819200x64xf32, #tpu.memory_space<hbm>> -> memref<1x64xf32, #tpu.memory_space<hbm>>
              %dma_start3A_367 = arith.constant 0 : i32
              %dma_start3A_368 = tpu.memref_slice %arg4[%sub3A_359, %dma_start3A_367] : memref<1024x64xf32, #tpu.memory_space<hbm>> -> memref<1x64xf32, #tpu.memory_space<hbm>>
              tpu.enqueue_dma source(%dma_start3A_368 : memref<1x64xf32, #tpu.memory_space<hbm>>) target(%dma_start3A_366 : memref<1x64xf32, #tpu.memory_space<hbm>>) target_semaphore(%arg16 : memref<!tpu.dma_semaphore, #tpu.memory_space<semaphore_mem>>)
              %dma_wait3A_369 = arith.constant 0 : i32
              %dma_wait3A_370 = tpu.memref_slice %arg5[%add3A_364, %dma_wait3A_369] : memref<819200x64xf32, #tpu.memory_space<hbm>> -> memref<1x64xf32, #tpu.memory_space<hbm>>
              %dma_wait3A_371 = arith.constant 0 : i32
              %dma_wait3A_372 = tpu.memref_slice %arg4[%sub3A_359, %dma_wait3A_371] : memref<1024x64xf32, #tpu.memory_space<hbm>> -> memref<1x64xf32, #tpu.memory_space<hbm>>
              tpu.wait_dma2 semaphore(%arg16 : memref<!tpu.dma_semaphore, #tpu.memory_space<semaphore_mem>>) src(%dma_wait3A_372 : memref<1x64xf32, #tpu.memory_space<hbm>>) dst(%dma_wait3A_370 : memref<1x64xf32, #tpu.memory_space<hbm>>)
            } else {
            }
            %slice3A_295 = vector.extract_strided_slice %get3A_238 {offsets = [7], sizes = [1], strides = [1]} : vector<16xi32> to vector<1xi32>
            %squeeze3A_296 = vector.extract %slice3A_295[0] : i32 from vector<1xi32>
            %ge3A_297 = arith.constant 1000000 : i32
            %ge3A_298 = arith.cmpi sge, %squeeze3A_296, %ge3A_297 : i32
            %convert_element_type3A_299 = arith.extui %ge3A_298 : i1 to i32
            %cond3A_300 = arith.constant 0 : i32
            %cond3A_301 = arith.cmpi ne, %convert_element_type3A_299, %cond3A_300 : i32
            scf.if %cond3A_301 {
              %sub3A_358 = arith.constant 1000000 : i32
              %sub3A_359 = arith.subi %squeeze3A_296, %sub3A_358 : i32
              %mul3A_360 = arith.constant 16 : i32
              %mul3A_361 = arith.muli %add3A_235, %mul3A_360 : i32
              %add3A_362 = arith.addi %add3A_225, %mul3A_361 : i32
              %add3A_363 = arith.constant 7 : i32
              %add3A_364 = arith.addi %add3A_362, %add3A_363 : i32
              %dma_start3A_365 = arith.constant 0 : i32
              %dma_start3A_366 = tpu.memref_slice %arg5[%add3A_364, %dma_start3A_365] : memref<819200x64xf32, #tpu.memory_space<hbm>> -> memref<1x64xf32, #tpu.memory_space<hbm>>
              %dma_start3A_367 = arith.constant 0 : i32
              %dma_start3A_368 = tpu.memref_slice %arg4[%sub3A_359, %dma_start3A_367] : memref<1024x64xf32, #tpu.memory_space<hbm>> -> memref<1x64xf32, #tpu.memory_space<hbm>>
              tpu.enqueue_dma source(%dma_start3A_368 : memref<1x64xf32, #tpu.memory_space<hbm>>) target(%dma_start3A_366 : memref<1x64xf32, #tpu.memory_space<hbm>>) target_semaphore(%arg16 : memref<!tpu.dma_semaphore, #tpu.memory_space<semaphore_mem>>)
              %dma_wait3A_369 = arith.constant 0 : i32
              %dma_wait3A_370 = tpu.memref_slice %arg5[%add3A_364, %dma_wait3A_369] : memref<819200x64xf32, #tpu.memory_space<hbm>> -> memref<1x64xf32, #tpu.memory_space<hbm>>
              %dma_wait3A_371 = arith.constant 0 : i32
              %dma_wait3A_372 = tpu.memref_slice %arg4[%sub3A_359, %dma_wait3A_371] : memref<1024x64xf32, #tpu.memory_space<hbm>> -> memref<1x64xf32, #tpu.memory_space<hbm>>
              tpu.wait_dma2 semaphore(%arg16 : memref<!tpu.dma_semaphore, #tpu.memory_space<semaphore_mem>>) src(%dma_wait3A_372 : memref<1x64xf32, #tpu.memory_space<hbm>>) dst(%dma_wait3A_370 : memref<1x64xf32, #tpu.memory_space<hbm>>)
            } else {
            }
            %slice3A_302 = vector.extract_strided_slice %get3A_238 {offsets = [8], sizes = [1], strides = [1]} : vector<16xi32> to vector<1xi32>
            %squeeze3A_303 = vector.extract %slice3A_302[0] : i32 from vector<1xi32>
            %ge3A_304 = arith.constant 1000000 : i32
            %ge3A_305 = arith.cmpi sge, %squeeze3A_303, %ge3A_304 : i32
            %convert_element_type3A_306 = arith.extui %ge3A_305 : i1 to i32
            %cond3A_307 = arith.constant 0 : i32
            %cond3A_308 = arith.cmpi ne, %convert_element_type3A_306, %cond3A_307 : i32
            scf.if %cond3A_308 {
              %sub3A_358 = arith.constant 1000000 : i32
              %sub3A_359 = arith.subi %squeeze3A_303, %sub3A_358 : i32
              %mul3A_360 = arith.constant 16 : i32
              %mul3A_361 = arith.muli %add3A_235, %mul3A_360 : i32
              %add3A_362 = arith.addi %add3A_225, %mul3A_361 : i32
              %add3A_363 = arith.constant 8 : i32
              %add3A_364 = arith.addi %add3A_362, %add3A_363 : i32
              %dma_start3A_365 = arith.constant 0 : i32
              %dma_start3A_366 = tpu.memref_slice %arg5[%add3A_364, %dma_start3A_365] : memref<819200x64xf32, #tpu.memory_space<hbm>> -> memref<1x64xf32, #tpu.memory_space<hbm>>
              %dma_start3A_367 = arith.constant 0 : i32
              %dma_start3A_368 = tpu.memref_slice %arg4[%sub3A_359, %dma_start3A_367] : memref<1024x64xf32, #tpu.memory_space<hbm>> -> memref<1x64xf32, #tpu.memory_space<hbm>>
              tpu.enqueue_dma source(%dma_start3A_368 : memref<1x64xf32, #tpu.memory_space<hbm>>) target(%dma_start3A_366 : memref<1x64xf32, #tpu.memory_space<hbm>>) target_semaphore(%arg16 : memref<!tpu.dma_semaphore, #tpu.memory_space<semaphore_mem>>)
              %dma_wait3A_369 = arith.constant 0 : i32
              %dma_wait3A_370 = tpu.memref_slice %arg5[%add3A_364, %dma_wait3A_369] : memref<819200x64xf32, #tpu.memory_space<hbm>> -> memref<1x64xf32, #tpu.memory_space<hbm>>
              %dma_wait3A_371 = arith.constant 0 : i32
              %dma_wait3A_372 = tpu.memref_slice %arg4[%sub3A_359, %dma_wait3A_371] : memref<1024x64xf32, #tpu.memory_space<hbm>> -> memref<1x64xf32, #tpu.memory_space<hbm>>
              tpu.wait_dma2 semaphore(%arg16 : memref<!tpu.dma_semaphore, #tpu.memory_space<semaphore_mem>>) src(%dma_wait3A_372 : memref<1x64xf32, #tpu.memory_space<hbm>>) dst(%dma_wait3A_370 : memref<1x64xf32, #tpu.memory_space<hbm>>)
            } else {
            }
            %slice3A_309 = vector.extract_strided_slice %get3A_238 {offsets = [9], sizes = [1], strides = [1]} : vector<16xi32> to vector<1xi32>
            %squeeze3A_310 = vector.extract %slice3A_309[0] : i32 from vector<1xi32>
            %ge3A_311 = arith.constant 1000000 : i32
            %ge3A_312 = arith.cmpi sge, %squeeze3A_310, %ge3A_311 : i32
            %convert_element_type3A_313 = arith.extui %ge3A_312 : i1 to i32
            %cond3A_314 = arith.constant 0 : i32
            %cond3A_315 = arith.cmpi ne, %convert_element_type3A_313, %cond3A_314 : i32
            scf.if %cond3A_315 {
              %sub3A_358 = arith.constant 1000000 : i32
              %sub3A_359 = arith.subi %squeeze3A_310, %sub3A_358 : i32
              %mul3A_360 = arith.constant 16 : i32
              %mul3A_361 = arith.muli %add3A_235, %mul3A_360 : i32
              %add3A_362 = arith.addi %add3A_225, %mul3A_361 : i32
              %add3A_363 = arith.constant 9 : i32
              %add3A_364 = arith.addi %add3A_362, %add3A_363 : i32
              %dma_start3A_365 = arith.constant 0 : i32
              %dma_start3A_366 = tpu.memref_slice %arg5[%add3A_364, %dma_start3A_365] : memref<819200x64xf32, #tpu.memory_space<hbm>> -> memref<1x64xf32, #tpu.memory_space<hbm>>
              %dma_start3A_367 = arith.constant 0 : i32
              %dma_start3A_368 = tpu.memref_slice %arg4[%sub3A_359, %dma_start3A_367] : memref<1024x64xf32, #tpu.memory_space<hbm>> -> memref<1x64xf32, #tpu.memory_space<hbm>>
              tpu.enqueue_dma source(%dma_start3A_368 : memref<1x64xf32, #tpu.memory_space<hbm>>) target(%dma_start3A_366 : memref<1x64xf32, #tpu.memory_space<hbm>>) target_semaphore(%arg16 : memref<!tpu.dma_semaphore, #tpu.memory_space<semaphore_mem>>)
              %dma_wait3A_369 = arith.constant 0 : i32
              %dma_wait3A_370 = tpu.memref_slice %arg5[%add3A_364, %dma_wait3A_369] : memref<819200x64xf32, #tpu.memory_space<hbm>> -> memref<1x64xf32, #tpu.memory_space<hbm>>
              %dma_wait3A_371 = arith.constant 0 : i32
              %dma_wait3A_372 = tpu.memref_slice %arg4[%sub3A_359, %dma_wait3A_371] : memref<1024x64xf32, #tpu.memory_space<hbm>> -> memref<1x64xf32, #tpu.memory_space<hbm>>
              tpu.wait_dma2 semaphore(%arg16 : memref<!tpu.dma_semaphore, #tpu.memory_space<semaphore_mem>>) src(%dma_wait3A_372 : memref<1x64xf32, #tpu.memory_space<hbm>>) dst(%dma_wait3A_370 : memref<1x64xf32, #tpu.memory_space<hbm>>)
            } else {
            }
            %slice3A_316 = vector.extract_strided_slice %get3A_238 {offsets = [10], sizes = [1], strides = [1]} : vector<16xi32> to vector<1xi32>
            %squeeze3A_317 = vector.extract %slice3A_316[0] : i32 from vector<1xi32>
            %ge3A_318 = arith.constant 1000000 : i32
            %ge3A_319 = arith.cmpi sge, %squeeze3A_317, %ge3A_318 : i32
            %convert_element_type3A_320 = arith.extui %ge3A_319 : i1 to i32
            %cond3A_321 = arith.constant 0 : i32
            %cond3A_322 = arith.cmpi ne, %convert_element_type3A_320, %cond3A_321 : i32
            scf.if %cond3A_322 {
              %sub3A_358 = arith.constant 1000000 : i32
              %sub3A_359 = arith.subi %squeeze3A_317, %sub3A_358 : i32
              %mul3A_360 = arith.constant 16 : i32
              %mul3A_361 = arith.muli %add3A_235, %mul3A_360 : i32
              %add3A_362 = arith.addi %add3A_225, %mul3A_361 : i32
              %add3A_363 = arith.constant 10 : i32
              %add3A_364 = arith.addi %add3A_362, %add3A_363 : i32
              %dma_start3A_365 = arith.constant 0 : i32
              %dma_start3A_366 = tpu.memref_slice %arg5[%add3A_364, %dma_start3A_365] : memref<819200x64xf32, #tpu.memory_space<hbm>> -> memref<1x64xf32, #tpu.memory_space<hbm>>
              %dma_start3A_367 = arith.constant 0 : i32
              %dma_start3A_368 = tpu.memref_slice %arg4[%sub3A_359, %dma_start3A_367] : memref<1024x64xf32, #tpu.memory_space<hbm>> -> memref<1x64xf32, #tpu.memory_space<hbm>>
              tpu.enqueue_dma source(%dma_start3A_368 : memref<1x64xf32, #tpu.memory_space<hbm>>) target(%dma_start3A_366 : memref<1x64xf32, #tpu.memory_space<hbm>>) target_semaphore(%arg16 : memref<!tpu.dma_semaphore, #tpu.memory_space<semaphore_mem>>)
              %dma_wait3A_369 = arith.constant 0 : i32
              %dma_wait3A_370 = tpu.memref_slice %arg5[%add3A_364, %dma_wait3A_369] : memref<819200x64xf32, #tpu.memory_space<hbm>> -> memref<1x64xf32, #tpu.memory_space<hbm>>
              %dma_wait3A_371 = arith.constant 0 : i32
              %dma_wait3A_372 = tpu.memref_slice %arg4[%sub3A_359, %dma_wait3A_371] : memref<1024x64xf32, #tpu.memory_space<hbm>> -> memref<1x64xf32, #tpu.memory_space<hbm>>
              tpu.wait_dma2 semaphore(%arg16 : memref<!tpu.dma_semaphore, #tpu.memory_space<semaphore_mem>>) src(%dma_wait3A_372 : memref<1x64xf32, #tpu.memory_space<hbm>>) dst(%dma_wait3A_370 : memref<1x64xf32, #tpu.memory_space<hbm>>)
            } else {
            }
            %slice3A_323 = vector.extract_strided_slice %get3A_238 {offsets = [11], sizes = [1], strides = [1]} : vector<16xi32> to vector<1xi32>
            %squeeze3A_324 = vector.extract %slice3A_323[0] : i32 from vector<1xi32>
            %ge3A_325 = arith.constant 1000000 : i32
            %ge3A_326 = arith.cmpi sge, %squeeze3A_324, %ge3A_325 : i32
            %convert_element_type3A_327 = arith.extui %ge3A_326 : i1 to i32
            %cond3A_328 = arith.constant 0 : i32
            %cond3A_329 = arith.cmpi ne, %convert_element_type3A_327, %cond3A_328 : i32
            scf.if %cond3A_329 {
              %sub3A_358 = arith.constant 1000000 : i32
              %sub3A_359 = arith.subi %squeeze3A_324, %sub3A_358 : i32
              %mul3A_360 = arith.constant 16 : i32
              %mul3A_361 = arith.muli %add3A_235, %mul3A_360 : i32
              %add3A_362 = arith.addi %add3A_225, %mul3A_361 : i32
              %add3A_363 = arith.constant 11 : i32
              %add3A_364 = arith.addi %add3A_362, %add3A_363 : i32
              %dma_start3A_365 = arith.constant 0 : i32
              %dma_start3A_366 = tpu.memref_slice %arg5[%add3A_364, %dma_start3A_365] : memref<819200x64xf32, #tpu.memory_space<hbm>> -> memref<1x64xf32, #tpu.memory_space<hbm>>
              %dma_start3A_367 = arith.constant 0 : i32
              %dma_start3A_368 = tpu.memref_slice %arg4[%sub3A_359, %dma_start3A_367] : memref<1024x64xf32, #tpu.memory_space<hbm>> -> memref<1x64xf32, #tpu.memory_space<hbm>>
              tpu.enqueue_dma source(%dma_start3A_368 : memref<1x64xf32, #tpu.memory_space<hbm>>) target(%dma_start3A_366 : memref<1x64xf32, #tpu.memory_space<hbm>>) target_semaphore(%arg16 : memref<!tpu.dma_semaphore, #tpu.memory_space<semaphore_mem>>)
              %dma_wait3A_369 = arith.constant 0 : i32
              %dma_wait3A_370 = tpu.memref_slice %arg5[%add3A_364, %dma_wait3A_369] : memref<819200x64xf32, #tpu.memory_space<hbm>> -> memref<1x64xf32, #tpu.memory_space<hbm>>
              %dma_wait3A_371 = arith.constant 0 : i32
              %dma_wait3A_372 = tpu.memref_slice %arg4[%sub3A_359, %dma_wait3A_371] : memref<1024x64xf32, #tpu.memory_space<hbm>> -> memref<1x64xf32, #tpu.memory_space<hbm>>
              tpu.wait_dma2 semaphore(%arg16 : memref<!tpu.dma_semaphore, #tpu.memory_space<semaphore_mem>>) src(%dma_wait3A_372 : memref<1x64xf32, #tpu.memory_space<hbm>>) dst(%dma_wait3A_370 : memref<1x64xf32, #tpu.memory_space<hbm>>)
            } else {
            }
            %slice3A_330 = vector.extract_strided_slice %get3A_238 {offsets = [12], sizes = [1], strides = [1]} : vector<16xi32> to vector<1xi32>
            %squeeze3A_331 = vector.extract %slice3A_330[0] : i32 from vector<1xi32>
            %ge3A_332 = arith.constant 1000000 : i32
            %ge3A_333 = arith.cmpi sge, %squeeze3A_331, %ge3A_332 : i32
            %convert_element_type3A_334 = arith.extui %ge3A_333 : i1 to i32
            %cond3A_335 = arith.constant 0 : i32
            %cond3A_336 = arith.cmpi ne, %convert_element_type3A_334, %cond3A_335 : i32
            scf.if %cond3A_336 {
              %sub3A_358 = arith.constant 1000000 : i32
              %sub3A_359 = arith.subi %squeeze3A_331, %sub3A_358 : i32
              %mul3A_360 = arith.constant 16 : i32
              %mul3A_361 = arith.muli %add3A_235, %mul3A_360 : i32
              %add3A_362 = arith.addi %add3A_225, %mul3A_361 : i32
              %add3A_363 = arith.constant 12 : i32
              %add3A_364 = arith.addi %add3A_362, %add3A_363 : i32
              %dma_start3A_365 = arith.constant 0 : i32
              %dma_start3A_366 = tpu.memref_slice %arg5[%add3A_364, %dma_start3A_365] : memref<819200x64xf32, #tpu.memory_space<hbm>> -> memref<1x64xf32, #tpu.memory_space<hbm>>
              %dma_start3A_367 = arith.constant 0 : i32
              %dma_start3A_368 = tpu.memref_slice %arg4[%sub3A_359, %dma_start3A_367] : memref<1024x64xf32, #tpu.memory_space<hbm>> -> memref<1x64xf32, #tpu.memory_space<hbm>>
              tpu.enqueue_dma source(%dma_start3A_368 : memref<1x64xf32, #tpu.memory_space<hbm>>) target(%dma_start3A_366 : memref<1x64xf32, #tpu.memory_space<hbm>>) target_semaphore(%arg16 : memref<!tpu.dma_semaphore, #tpu.memory_space<semaphore_mem>>)
              %dma_wait3A_369 = arith.constant 0 : i32
              %dma_wait3A_370 = tpu.memref_slice %arg5[%add3A_364, %dma_wait3A_369] : memref<819200x64xf32, #tpu.memory_space<hbm>> -> memref<1x64xf32, #tpu.memory_space<hbm>>
              %dma_wait3A_371 = arith.constant 0 : i32
              %dma_wait3A_372 = tpu.memref_slice %arg4[%sub3A_359, %dma_wait3A_371] : memref<1024x64xf32, #tpu.memory_space<hbm>> -> memref<1x64xf32, #tpu.memory_space<hbm>>
              tpu.wait_dma2 semaphore(%arg16 : memref<!tpu.dma_semaphore, #tpu.memory_space<semaphore_mem>>) src(%dma_wait3A_372 : memref<1x64xf32, #tpu.memory_space<hbm>>) dst(%dma_wait3A_370 : memref<1x64xf32, #tpu.memory_space<hbm>>)
            } else {
            }
            %slice3A_337 = vector.extract_strided_slice %get3A_238 {offsets = [13], sizes = [1], strides = [1]} : vector<16xi32> to vector<1xi32>
            %squeeze3A_338 = vector.extract %slice3A_337[0] : i32 from vector<1xi32>
            %ge3A_339 = arith.constant 1000000 : i32
            %ge3A_340 = arith.cmpi sge, %squeeze3A_338, %ge3A_339 : i32
            %convert_element_type3A_341 = arith.extui %ge3A_340 : i1 to i32
            %cond3A_342 = arith.constant 0 : i32
            %cond3A_343 = arith.cmpi ne, %convert_element_type3A_341, %cond3A_342 : i32
            scf.if %cond3A_343 {
              %sub3A_358 = arith.constant 1000000 : i32
              %sub3A_359 = arith.subi %squeeze3A_338, %sub3A_358 : i32
              %mul3A_360 = arith.constant 16 : i32
              %mul3A_361 = arith.muli %add3A_235, %mul3A_360 : i32
              %add3A_362 = arith.addi %add3A_225, %mul3A_361 : i32
              %add3A_363 = arith.constant 13 : i32
              %add3A_364 = arith.addi %add3A_362, %add3A_363 : i32
              %dma_start3A_365 = arith.constant 0 : i32
              %dma_start3A_366 = tpu.memref_slice %arg5[%add3A_364, %dma_start3A_365] : memref<819200x64xf32, #tpu.memory_space<hbm>> -> memref<1x64xf32, #tpu.memory_space<hbm>>
              %dma_start3A_367 = arith.constant 0 : i32
              %dma_start3A_368 = tpu.memref_slice %arg4[%sub3A_359, %dma_start3A_367] : memref<1024x64xf32, #tpu.memory_space<hbm>> -> memref<1x64xf32, #tpu.memory_space<hbm>>
              tpu.enqueue_dma source(%dma_start3A_368 : memref<1x64xf32, #tpu.memory_space<hbm>>) target(%dma_start3A_366 : memref<1x64xf32, #tpu.memory_space<hbm>>) target_semaphore(%arg16 : memref<!tpu.dma_semaphore, #tpu.memory_space<semaphore_mem>>)
              %dma_wait3A_369 = arith.constant 0 : i32
              %dma_wait3A_370 = tpu.memref_slice %arg5[%add3A_364, %dma_wait3A_369] : memref<819200x64xf32, #tpu.memory_space<hbm>> -> memref<1x64xf32, #tpu.memory_space<hbm>>
              %dma_wait3A_371 = arith.constant 0 : i32
              %dma_wait3A_372 = tpu.memref_slice %arg4[%sub3A_359, %dma_wait3A_371] : memref<1024x64xf32, #tpu.memory_space<hbm>> -> memref<1x64xf32, #tpu.memory_space<hbm>>
              tpu.wait_dma2 semaphore(%arg16 : memref<!tpu.dma_semaphore, #tpu.memory_space<semaphore_mem>>) src(%dma_wait3A_372 : memref<1x64xf32, #tpu.memory_space<hbm>>) dst(%dma_wait3A_370 : memref<1x64xf32, #tpu.memory_space<hbm>>)
            } else {
            }
            %slice3A_344 = vector.extract_strided_slice %get3A_238 {offsets = [14], sizes = [1], strides = [1]} : vector<16xi32> to vector<1xi32>
            %squeeze3A_345 = vector.extract %slice3A_344[0] : i32 from vector<1xi32>
            %ge3A_346 = arith.constant 1000000 : i32
            %ge3A_347 = arith.cmpi sge, %squeeze3A_345, %ge3A_346 : i32
            %convert_element_type3A_348 = arith.extui %ge3A_347 : i1 to i32
            %cond3A_349 = arith.constant 0 : i32
            %cond3A_350 = arith.cmpi ne, %convert_element_type3A_348, %cond3A_349 : i32
            scf.if %cond3A_350 {
              %sub3A_358 = arith.constant 1000000 : i32
              %sub3A_359 = arith.subi %squeeze3A_345, %sub3A_358 : i32
              %mul3A_360 = arith.constant 16 : i32
              %mul3A_361 = arith.muli %add3A_235, %mul3A_360 : i32
              %add3A_362 = arith.addi %add3A_225, %mul3A_361 : i32
              %add3A_363 = arith.constant 14 : i32
              %add3A_364 = arith.addi %add3A_362, %add3A_363 : i32
              %dma_start3A_365 = arith.constant 0 : i32
              %dma_start3A_366 = tpu.memref_slice %arg5[%add3A_364, %dma_start3A_365] : memref<819200x64xf32, #tpu.memory_space<hbm>> -> memref<1x64xf32, #tpu.memory_space<hbm>>
              %dma_start3A_367 = arith.constant 0 : i32
              %dma_start3A_368 = tpu.memref_slice %arg4[%sub3A_359, %dma_start3A_367] : memref<1024x64xf32, #tpu.memory_space<hbm>> -> memref<1x64xf32, #tpu.memory_space<hbm>>
              tpu.enqueue_dma source(%dma_start3A_368 : memref<1x64xf32, #tpu.memory_space<hbm>>) target(%dma_start3A_366 : memref<1x64xf32, #tpu.memory_space<hbm>>) target_semaphore(%arg16 : memref<!tpu.dma_semaphore, #tpu.memory_space<semaphore_mem>>)
              %dma_wait3A_369 = arith.constant 0 : i32
              %dma_wait3A_370 = tpu.memref_slice %arg5[%add3A_364, %dma_wait3A_369] : memref<819200x64xf32, #tpu.memory_space<hbm>> -> memref<1x64xf32, #tpu.memory_space<hbm>>
              %dma_wait3A_371 = arith.constant 0 : i32
              %dma_wait3A_372 = tpu.memref_slice %arg4[%sub3A_359, %dma_wait3A_371] : memref<1024x64xf32, #tpu.memory_space<hbm>> -> memref<1x64xf32, #tpu.memory_space<hbm>>
              tpu.wait_dma2 semaphore(%arg16 : memref<!tpu.dma_semaphore, #tpu.memory_space<semaphore_mem>>) src(%dma_wait3A_372 : memref<1x64xf32, #tpu.memory_space<hbm>>) dst(%dma_wait3A_370 : memref<1x64xf32, #tpu.memory_space<hbm>>)
            } else {
            }
            %slice3A_351 = vector.extract_strided_slice %get3A_238 {offsets = [15], sizes = [1], strides = [1]} : vector<16xi32> to vector<1xi32>
            %squeeze3A_352 = vector.extract %slice3A_351[0] : i32 from vector<1xi32>
            %ge3A_353 = arith.constant 1000000 : i32
            %ge3A_354 = arith.cmpi sge, %squeeze3A_352, %ge3A_353 : i32
            %convert_element_type3A_355 = arith.extui %ge3A_354 : i1 to i32
            %cond3A_356 = arith.constant 0 : i32
            %cond3A_357 = arith.cmpi ne, %convert_element_type3A_355, %cond3A_356 : i32
            scf.if %cond3A_357 {
              %sub3A_358 = arith.constant 1000000 : i32
              %sub3A_359 = arith.subi %squeeze3A_352, %sub3A_358 : i32
              %mul3A_360 = arith.constant 16 : i32
              %mul3A_361 = arith.muli %add3A_235, %mul3A_360 : i32
              %add3A_362 = arith.addi %add3A_225, %mul3A_361 : i32
              %add3A_363 = arith.constant 15 : i32
              %add3A_364 = arith.addi %add3A_362, %add3A_363 : i32
              %dma_start3A_365 = arith.constant 0 : i32
              %dma_start3A_366 = tpu.memref_slice %arg5[%add3A_364, %dma_start3A_365] : memref<819200x64xf32, #tpu.memory_space<hbm>> -> memref<1x64xf32, #tpu.memory_space<hbm>>
              %dma_start3A_367 = arith.constant 0 : i32
              %dma_start3A_368 = tpu.memref_slice %arg4[%sub3A_359, %dma_start3A_367] : memref<1024x64xf32, #tpu.memory_space<hbm>> -> memref<1x64xf32, #tpu.memory_space<hbm>>
              tpu.enqueue_dma source(%dma_start3A_368 : memref<1x64xf32, #tpu.memory_space<hbm>>) target(%dma_start3A_366 : memref<1x64xf32, #tpu.memory_space<hbm>>) target_semaphore(%arg16 : memref<!tpu.dma_semaphore, #tpu.memory_space<semaphore_mem>>)
              %dma_wait3A_369 = arith.constant 0 : i32
              %dma_wait3A_370 = tpu.memref_slice %arg5[%add3A_364, %dma_wait3A_369] : memref<819200x64xf32, #tpu.memory_space<hbm>> -> memref<1x64xf32, #tpu.memory_space<hbm>>
              %dma_wait3A_371 = arith.constant 0 : i32
              %dma_wait3A_372 = tpu.memref_slice %arg4[%sub3A_359, %dma_wait3A_371] : memref<1024x64xf32, #tpu.memory_space<hbm>> -> memref<1x64xf32, #tpu.memory_space<hbm>>
              tpu.wait_dma2 semaphore(%arg16 : memref<!tpu.dma_semaphore, #tpu.memory_space<semaphore_mem>>) src(%dma_wait3A_372 : memref<1x64xf32, #tpu.memory_space<hbm>>) dst(%dma_wait3A_370 : memref<1x64xf32, #tpu.memory_space<hbm>>)
            } else {
            }
          } else {
          }
        }
        %scan3A_230 = arith.constant 32 : i32
      } else {
      }
      %mul3A_71 = arith.constant 512 : i32
      %mul3A_72 = arith.muli %add3A_68, %mul3A_71 : i32
      %add3A_73 = arith.addi %mul3A_2, %mul3A_72 : i32
      "tpu.region"() ({
        %run_scoped3A = tpu.sem_alloc : memref<!tpu.dma_semaphore, #tpu.memory_space<semaphore_mem>>
        %dma_start3A_216 = tpu.memref_slice %arg2[%add3A_73] : memref<819200xi32, #tpu.memory_space<hbm>> -> memref<512xi32, #tpu.memory_space<hbm>>
        %dma_start3A_217 = tpu.memref_slice %arg2[%add3A_73] : memref<819200xi32, #tpu.memory_space<hbm>> -> memref<512xi32, #tpu.memory_space<hbm>>
        tpu.enqueue_dma source(%dma_start3A_217 : memref<512xi32, #tpu.memory_space<hbm>>) target(%arg7 : memref<512xi32, #tpu.memory_space<vmem>>) target_semaphore(%run_scoped3A : memref<!tpu.dma_semaphore, #tpu.memory_space<semaphore_mem>>)
        %dma_wait3A_218 = tpu.memref_slice %arg2[%add3A_73] : memref<819200xi32, #tpu.memory_space<hbm>> -> memref<512xi32, #tpu.memory_space<hbm>>
        %dma_wait3A_219 = tpu.memref_slice %arg2[%add3A_73] : memref<819200xi32, #tpu.memory_space<hbm>> -> memref<512xi32, #tpu.memory_space<hbm>>
        tpu.wait_dma2 semaphore(%run_scoped3A : memref<!tpu.dma_semaphore, #tpu.memory_space<semaphore_mem>>) src(%dma_wait3A_219 : memref<512xi32, #tpu.memory_space<hbm>>) dst(%arg7 : memref<512xi32, #tpu.memory_space<vmem>>)
        tpu.yield
      }) : () -> ()
      %scan3A_74 = arith.constant 0 : i32
      %scan3A_75 = arith.constant 32 : i32
      %scan3A_76 = arith.addi %scan3A_74, %scan3A_75 : i32
      %scan3A_77 = arith.constant 1 : i32
      scf.for %scan3A_216 = %scan3A_74 to %scan3A_76 step %scan3A_77  : i32 {
        %mul3A_217 = arith.constant 1 : i32
        %mul3A_218 = arith.muli %scan3A_216, %mul3A_217 : i32
        %add3A_219 = arith.constant 0 : i32
        %add3A_220 = arith.addi %add3A_219, %mul3A_218 : i32
        %mul3A_221 = arith.constant 16 : i32
        %mul3A_222 = arith.muli %add3A_220, %mul3A_221 : i32
        %get3A = arith.index_cast %mul3A_222 : i32 to index
        %get3A_223 = tpu.vector_load %arg7[%get3A] {strides = array<i32>} : memref<512xi32, #tpu.memory_space<vmem>>, vector<16xi32>,
        %ge3A = arith.constant 1000000 : i32
        %ge3A_224 = vector.broadcast %ge3A : i32 to vector<16xi32>
        %ge3A_225 = arith.cmpi sge, %get3A_223, %ge3A_224 : vector<16xi32>
        %jit3A = arith.constant 0 : i32
        %broadcast_in_dim3A = vector.broadcast %jit3A : i32 to vector<16xi32>
        %select_n3A = arith.select %ge3A_225, %broadcast_in_dim3A, %get3A_223 : vector<16xi1>, vector<16xi32>
        %mul3A_226 = arith.constant 16 : i32
        %mul3A_227 = arith.muli %add3A_220, %mul3A_226 : i32
        %swap3A = arith.index_cast %mul3A_227 : i32 to index
        %swap3A_228 = tpu.vector_load %arg9[%swap3A] {strides = array<i32>} : memref<512xi32, #tpu.memory_space<vmem>>, vector<16xi32>,
        tpu.vector_store %arg9[%swap3A], %select_n3A {strides = array<i32>} : memref<512xi32, #tpu.memory_space<vmem>>, vector<16xi32>,
      }
      %scan3A_78 = arith.constant 32 : i32
      %dma_start3A_79 = arith.constant 0 : i32
      %dma_start3A_80 = arith.constant 0 : i32
      %dma_start3A_81 = tpu.memref_slice %arg11[%dma_start3A_79, %dma_start3A_80] : memref<512x64xf32, #tpu.memory_space<vmem>> -> memref<128x64xf32, #tpu.memory_space<vmem>>
      %dma_start3A_82 = arith.constant 0 : i32
      %dma_start3A_83 = tpu.memref_slice %arg9[%dma_start3A_82] : memref<512xi32, #tpu.memory_space<vmem>> -> memref<128xi32, #tpu.memory_space<vmem>>
      %dma_start3A_84 = arith.constant 0 : i32
      %dma_start3A_85 = arith.constant 0 : i32
      %dma_start3A_86 = tpu.memref_slice %arg3[%dma_start3A_84, %dma_start3A_85] : memref<1000000x64xf32, #tpu.memory_space<hbm>> -> memref<1000000x64xf32, #tpu.memory_space<hbm>>
      tpu.enqueue_indirect_dma source(%dma_start3A_86 : memref<1000000x64xf32, #tpu.memory_space<hbm>>) target(%dma_start3A_81 : memref<128x64xf32, #tpu.memory_space<vmem>>) offsets(%dma_start3A_83 : memref<128xi32, #tpu.memory_space<vmem>>) semaphore(%arg13 : memref<!tpu.dma_semaphore, #tpu.memory_space<semaphore_mem>>)
      %dma_start3A_87 = arith.constant 128 : i32
      %dma_start3A_88 = arith.constant 0 : i32
      %dma_start3A_89 = tpu.memref_slice %arg11[%dma_start3A_87, %dma_start3A_88] : memref<512x64xf32, #tpu.memory_space<vmem>> -> memref<128x64xf32, #tpu.memory_space<vmem>>
      %dma_start3A_90 = arith.constant 128 : i32
      %dma_start3A_91 = tpu.memref_slice %arg9[%dma_start3A_90] : memref<512xi32, #tpu.memory_space<vmem>> -> memref<128xi32, #tpu.memory_space<vmem>>
      %dma_start3A_92 = arith.constant 0 : i32
      %dma_start3A_93 = arith.constant 0 : i32
      %dma_start3A_94 = tpu.memref_slice %arg3[%dma_start3A_92, %dma_start3A_93] : memref<1000000x64xf32, #tpu.memory_space<hbm>> -> memref<1000000x64xf32, #tpu.memory_space<hbm>>
      tpu.enqueue_indirect_dma source(%dma_start3A_94 : memref<1000000x64xf32, #tpu.memory_space<hbm>>) target(%dma_start3A_89 : memref<128x64xf32, #tpu.memory_space<vmem>>) offsets(%dma_start3A_91 : memref<128xi32, #tpu.memory_space<vmem>>) semaphore(%arg13 : memref<!tpu.dma_semaphore, #tpu.memory_space<semaphore_mem>>)
      %dma_start3A_95 = arith.constant 256 : i32
      %dma_start3A_96 = arith.constant 0 : i32
      %dma_start3A_97 = tpu.memref_slice %arg11[%dma_start3A_95, %dma_start3A_96] : memref<512x64xf32, #tpu.memory_space<vmem>> -> memref<128x64xf32, #tpu.memory_space<vmem>>
      %dma_start3A_98 = arith.constant 256 : i32
      %dma_start3A_99 = tpu.memref_slice %arg9[%dma_start3A_98] : memref<512xi32, #tpu.memory_space<vmem>> -> memref<128xi32, #tpu.memory_space<vmem>>
      %dma_start3A_100 = arith.constant 0 : i32
      %dma_start3A_101 = arith.constant 0 : i32
      %dma_start3A_102 = tpu.memref_slice %arg3[%dma_start3A_100, %dma_start3A_101] : memref<1000000x64xf32, #tpu.memory_space<hbm>> -> memref<1000000x64xf32, #tpu.memory_space<hbm>>
      tpu.enqueue_indirect_dma source(%dma_start3A_102 : memref<1000000x64xf32, #tpu.memory_space<hbm>>) target(%dma_start3A_97 : memref<128x64xf32, #tpu.memory_space<vmem>>) offsets(%dma_start3A_99 : memref<128xi32, #tpu.memory_space<vmem>>) semaphore(%arg13 : memref<!tpu.dma_semaphore, #tpu.memory_space<semaphore_mem>>)
      %dma_start3A_103 = arith.constant 384 : i32
      %dma_start3A_104 = arith.constant 0 : i32
      %dma_start3A_105 = tpu.memref_slice %arg11[%dma_start3A_103, %dma_start3A_104] : memref<512x64xf32, #tpu.memory_space<vmem>> -> memref<128x64xf32, #tpu.memory_space<vmem>>
      %dma_start3A_106 = arith.constant 384 : i32
      %dma_start3A_107 = tpu.memref_slice %arg9[%dma_start3A_106] : memref<512xi32, #tpu.memory_space<vmem>> -> memref<128xi32, #tpu.memory_space<vmem>>
      %dma_start3A_108 = arith.constant 0 : i32
      %dma_start3A_109 = arith.constant 0 : i32
      %dma_start3A_110 = tpu.memref_slice %arg3[%dma_start3A_108, %dma_start3A_109] : memref<1000000x64xf32, #tpu.memory_space<hbm>> -> memref<1000000x64xf32, #tpu.memory_space<hbm>>
      tpu.enqueue_indirect_dma source(%dma_start3A_110 : memref<1000000x64xf32, #tpu.memory_space<hbm>>) target(%dma_start3A_105 : memref<128x64xf32, #tpu.memory_space<vmem>>) offsets(%dma_start3A_107 : memref<128xi32, #tpu.memory_space<vmem>>) semaphore(%arg13 : memref<!tpu.dma_semaphore, #tpu.memory_space<semaphore_mem>>)
      %dma_wait3A_111 = arith.constant 0 : i32
      %dma_wait3A_112 = arith.constant 0 : i32
      %dma_wait3A_113 = tpu.memref_slice %arg10[%dma_wait3A_111, %dma_wait3A_112] : memref<512x64xf32, #tpu.memory_space<vmem>> -> memref<128x64xf32, #tpu.memory_space<vmem>>
      %dma_wait3A_114 = arith.constant 0 : i32
      %dma_wait3A_115 = tpu.memref_slice %arg8[%dma_wait3A_114] : memref<512xi32, #tpu.memory_space<vmem>> -> memref<128xi32, #tpu.memory_space<vmem>>
      %dma_wait3A_116 = arith.constant 0 : i32
      %dma_wait3A_117 = arith.constant 0 : i32
      %dma_wait3A_118 = tpu.memref_slice %arg3[%dma_wait3A_116, %dma_wait3A_117] : memref<1000000x64xf32, #tpu.memory_space<hbm>> -> memref<1000000x64xf32, #tpu.memory_space<hbm>>
      tpu.wait_indirect_dma semaphore(%arg12 : memref<!tpu.dma_semaphore, #tpu.memory_space<semaphore_mem>>) src(%dma_wait3A_118 : memref<1000000x64xf32, #tpu.memory_space<hbm>>) dst(%dma_wait3A_113 : memref<128x64xf32, #tpu.memory_space<vmem>>)
      %dma_wait3A_119 = arith.constant 128 : i32
      %dma_wait3A_120 = arith.constant 0 : i32
      %dma_wait3A_121 = tpu.memref_slice %arg10[%dma_wait3A_119, %dma_wait3A_120] : memref<512x64xf32, #tpu.memory_space<vmem>> -> memref<128x64xf32, #tpu.memory_space<vmem>>
      %dma_wait3A_122 = arith.constant 128 : i32
      %dma_wait3A_123 = tpu.memref_slice %arg8[%dma_wait3A_122] : memref<512xi32, #tpu.memory_space<vmem>> -> memref<128xi32, #tpu.memory_space<vmem>>
      %dma_wait3A_124 = arith.constant 0 : i32
      %dma_wait3A_125 = arith.constant 0 : i32
      %dma_wait3A_126 = tpu.memref_slice %arg3[%dma_wait3A_124, %dma_wait3A_125] : memref<1000000x64xf32, #tpu.memory_space<hbm>> -> memref<1000000x64xf32, #tpu.memory_space<hbm>>
      tpu.wait_indirect_dma semaphore(%arg12 : memref<!tpu.dma_semaphore, #tpu.memory_space<semaphore_mem>>) src(%dma_wait3A_126 : memref<1000000x64xf32, #tpu.memory_space<hbm>>) dst(%dma_wait3A_121 : memref<128x64xf32, #tpu.memory_space<vmem>>)
      %dma_wait3A_127 = arith.constant 256 : i32
      %dma_wait3A_128 = arith.constant 0 : i32
      %dma_wait3A_129 = tpu.memref_slice %arg10[%dma_wait3A_127, %dma_wait3A_128] : memref<512x64xf32, #tpu.memory_space<vmem>> -> memref<128x64xf32, #tpu.memory_space<vmem>>
      %dma_wait3A_130 = arith.constant 256 : i32
      %dma_wait3A_131 = tpu.memref_slice %arg8[%dma_wait3A_130] : memref<512xi32, #tpu.memory_space<vmem>> -> memref<128xi32, #tpu.memory_space<vmem>>
      %dma_wait3A_132 = arith.constant 0 : i32
      %dma_wait3A_133 = arith.constant 0 : i32
      %dma_wait3A_134 = tpu.memref_slice %arg3[%dma_wait3A_132, %dma_wait3A_133] : memref<1000000x64xf32, #tpu.memory_space<hbm>> -> memref<1000000x64xf32, #tpu.memory_space<hbm>>
      tpu.wait_indirect_dma semaphore(%arg12 : memref<!tpu.dma_semaphore, #tpu.memory_space<semaphore_mem>>) src(%dma_wait3A_134 : memref<1000000x64xf32, #tpu.memory_space<hbm>>) dst(%dma_wait3A_129 : memref<128x64xf32, #tpu.memory_space<vmem>>)
      %dma_wait3A_135 = arith.constant 384 : i32
      %dma_wait3A_136 = arith.constant 0 : i32
      %dma_wait3A_137 = tpu.memref_slice %arg10[%dma_wait3A_135, %dma_wait3A_136] : memref<512x64xf32, #tpu.memory_space<vmem>> -> memref<128x64xf32, #tpu.memory_space<vmem>>
      %dma_wait3A_138 = arith.constant 384 : i32
      %dma_wait3A_139 = tpu.memref_slice %arg8[%dma_wait3A_138] : memref<512xi32, #tpu.memory_space<vmem>> -> memref<128xi32, #tpu.memory_space<vmem>>
      %dma_wait3A_140 = arith.constant 0 : i32
      %dma_wait3A_141 = arith.constant 0 : i32
      %dma_wait3A_142 = tpu.memref_slice %arg3[%dma_wait3A_140, %dma_wait3A_141] : memref<1000000x64xf32, #tpu.memory_space<hbm>> -> memref<1000000x64xf32, #tpu.memory_space<hbm>>
      tpu.wait_indirect_dma semaphore(%arg12 : memref<!tpu.dma_semaphore, #tpu.memory_space<semaphore_mem>>) src(%dma_wait3A_142 : memref<1000000x64xf32, #tpu.memory_space<hbm>>) dst(%dma_wait3A_137 : memref<128x64xf32, #tpu.memory_space<vmem>>)
      %mul3A_143 = arith.constant 512 : i32
      %mul3A_144 = arith.muli %add3A_65, %mul3A_143 : i32
      %add3A_145 = arith.addi %mul3A_2, %mul3A_144 : i32
      %dma_start3A_146 = arith.constant 0 : i32
      %dma_start3A_147 = tpu.memref_slice %arg5[%add3A_145, %dma_start3A_146] : memref<819200x64xf32, #tpu.memory_space<hbm>> -> memref<512x64xf32, #tpu.memory_space<hbm>>
      %dma_start3A_148 = arith.constant 0 : i32
      %dma_start3A_149 = tpu.memref_slice %arg5[%add3A_145, %dma_start3A_148] : memref<819200x64xf32, #tpu.memory_space<hbm>> -> memref<512x64xf32, #tpu.memory_space<hbm>>
      tpu.enqueue_dma source(%arg10 : memref<512x64xf32, #tpu.memory_space<vmem>>) target(%dma_start3A_149 : memref<512x64xf32, #tpu.memory_space<hbm>>) target_semaphore(%arg14 : memref<!tpu.dma_semaphore, #tpu.memory_space<semaphore_mem>>)
      %mul3A_150 = arith.constant 2 : i32
      %mul3A_151 = arith.muli %mul3A_150, %add3A_61 : i32
      %add3A_152 = arith.constant 1 : i32
      %add3A_153 = arith.addi %mul3A_151, %add3A_152 : i32
      %sub3A_154 = arith.constant 1 : i32
      %sub3A_155 = arith.subi %add3A_153, %sub3A_154 : i32
      %add3A_156 = arith.constant 1 : i32
      %add3A_157 = arith.addi %add3A_153, %add3A_156 : i32
      %mul3A_158 = arith.constant 512 : i32
      %mul3A_159 = arith.muli %sub3A_155, %mul3A_158 : i32
      %add3A_160 = arith.addi %mul3A_2, %mul3A_159 : i32
      %dma_wait3A_161 = arith.constant 0 : i32
      %dma_wait3A_162 = tpu.memref_slice %arg5[%add3A_160, %dma_wait3A_161] : memref<819200x64xf32, #tpu.memory_space<hbm>> -> memref<512x64xf32, #tpu.memory_space<hbm>>
      %dma_wait3A_163 = arith.constant 0 : i32
      %dma_wait3A_164 = tpu.memref_slice %arg5[%add3A_160, %dma_wait3A_163] : memref<819200x64xf32, #tpu.memory_space<hbm>> -> memref<512x64xf32, #tpu.memory_space<hbm>>
      tpu.wait_dma2 semaphore(%arg14 : memref<!tpu.dma_semaphore, #tpu.memory_space<semaphore_mem>>) src(%arg10 : memref<512x64xf32, #tpu.memory_space<vmem>>) dst(%dma_wait3A_164 : memref<512x64xf32, #tpu.memory_space<hbm>>)
      %mul3A_165 = arith.constant 512 : i32
      %mul3A_166 = arith.muli %sub3A_155, %mul3A_165 : i32
      %add3A_167 = arith.addi %mul3A_2, %mul3A_166 : i32
      %scan3A_168 = arith.constant 0 : i32
      %scan3A_169 = arith.constant 32 : i32
      %scan3A_170 = arith.addi %scan3A_168, %scan3A_169 : i32
      %scan3A_171 = arith.constant 1 : i32
      scf.for %scan3A_216 = %scan3A_168 to %scan3A_170 step %scan3A_171  : i32 {
        %mul3A_217 = arith.constant 1 : i32
        %mul3A_218 = arith.muli %scan3A_216, %mul3A_217 : i32
        %add3A_219 = arith.constant 0 : i32
        %add3A_220 = arith.addi %add3A_219, %mul3A_218 : i32
        %mul3A_221 = arith.constant 16 : i32
        %mul3A_222 = arith.muli %add3A_220, %mul3A_221 : i32
        %get3A = arith.index_cast %mul3A_222 : i32 to index
        %get3A_223 = tpu.vector_load %arg6[%get3A] {strides = array<i32>} : memref<512xi32, #tpu.memory_space<vmem>>, vector<16xi32>,
        %ge3A = arith.constant 1000000 : i32
        %ge3A_224 = vector.broadcast %ge3A : i32 to vector<16xi32>
        %ge3A_225 = arith.cmpi sge, %get3A_223, %ge3A_224 : vector<16xi32>
        %all_reduce_population_count3A = tpu.all_reduce %ge3A_225 {dim = 0 : i64, kind = #tpu.reduction_kind<sum>} : vector<16xi1> -> vector<16xi32>
        %slice3A = vector.extract_strided_slice %all_reduce_population_count3A {offsets = [0], sizes = [1], strides = [1]} : vector<16xi32> to vector<1xi32>
        %squeeze3A = vector.extract %slice3A[0] : i32 from vector<1xi32>
        %gt3A_226 = arith.constant 0 : i32
        %gt3A_227 = arith.cmpi sgt, %squeeze3A, %gt3A_226 : i32
        %convert_element_type3A_228 = arith.extui %gt3A_227 : i1 to i32
        %cond3A_229 = arith.constant 0 : i32
        %cond3A_230 = arith.cmpi ne, %convert_element_type3A_228, %cond3A_229 : i32
        scf.if %cond3A_230 {
          %slice3A_231 = vector.extract_strided_slice %get3A_223 {offsets = [0], sizes = [1], strides = [1]} : vector<16xi32> to vector<1xi32>
          %squeeze3A_232 = vector.extract %slice3A_231[0] : i32 from vector<1xi32>
          %ge3A_233 = arith.constant 1000000 : i32
          %ge3A_234 = arith.cmpi sge, %squeeze3A_232, %ge3A_233 : i32
          %convert_element_type3A_235 = arith.extui %ge3A_234 : i1 to i32
          %cond3A_236 = arith.constant 0 : i32
          %cond3A_237 = arith.cmpi ne, %convert_element_type3A_235, %cond3A_236 : i32
          scf.if %cond3A_237 {
            %sub3A_343 = arith.constant 1000000 : i32
            %sub3A_344 = arith.subi %squeeze3A_232, %sub3A_343 : i32
            %mul3A_345 = arith.constant 16 : i32
            %mul3A_346 = arith.muli %add3A_220, %mul3A_345 : i32
            %add3A_347 = arith.addi %add3A_167, %mul3A_346 : i32
            %add3A_348 = arith.constant 0 : i32
            %add3A_349 = arith.addi %add3A_347, %add3A_348 : i32
            %dma_start3A_350 = arith.constant 0 : i32
            %dma_start3A_351 = tpu.memref_slice %arg5[%add3A_349, %dma_start3A_350] : memref<819200x64xf32, #tpu.memory_space<hbm>> -> memref<1x64xf32, #tpu.memory_space<hbm>>
            %dma_start3A_352 = arith.constant 0 : i32
            %dma_start3A_353 = tpu.memref_slice %arg4[%sub3A_344, %dma_start3A_352] : memref<1024x64xf32, #tpu.memory_space<hbm>> -> memref<1x64xf32, #tpu.memory_space<hbm>>
            tpu.enqueue_dma source(%dma_start3A_353 : memref<1x64xf32, #tpu.memory_space<hbm>>) target(%dma_start3A_351 : memref<1x64xf32, #tpu.memory_space<hbm>>) target_semaphore(%arg16 : memref<!tpu.dma_semaphore, #tpu.memory_space<semaphore_mem>>)
            %dma_wait3A_354 = arith.constant 0 : i32
            %dma_wait3A_355 = tpu.memref_slice %arg5[%add3A_349, %dma_wait3A_354] : memref<819200x64xf32, #tpu.memory_space<hbm>> -> memref<1x64xf32, #tpu.memory_space<hbm>>
            %dma_wait3A_356 = arith.constant 0 : i32
            %dma_wait3A_357 = tpu.memref_slice %arg4[%sub3A_344, %dma_wait3A_356] : memref<1024x64xf32, #tpu.memory_space<hbm>> -> memref<1x64xf32, #tpu.memory_space<hbm>>
            tpu.wait_dma2 semaphore(%arg16 : memref<!tpu.dma_semaphore, #tpu.memory_space<semaphore_mem>>) src(%dma_wait3A_357 : memref<1x64xf32, #tpu.memory_space<hbm>>) dst(%dma_wait3A_355 : memref<1x64xf32, #tpu.memory_space<hbm>>)
          } else {
          }
          %slice3A_238 = vector.extract_strided_slice %get3A_223 {offsets = [1], sizes = [1], strides = [1]} : vector<16xi32> to vector<1xi32>
          %squeeze3A_239 = vector.extract %slice3A_238[0] : i32 from vector<1xi32>
          %ge3A_240 = arith.constant 1000000 : i32
          %ge3A_241 = arith.cmpi sge, %squeeze3A_239, %ge3A_240 : i32
          %convert_element_type3A_242 = arith.extui %ge3A_241 : i1 to i32
          %cond3A_243 = arith.constant 0 : i32
          %cond3A_244 = arith.cmpi ne, %convert_element_type3A_242, %cond3A_243 : i32
          scf.if %cond3A_244 {
            %sub3A_343 = arith.constant 1000000 : i32
            %sub3A_344 = arith.subi %squeeze3A_239, %sub3A_343 : i32
            %mul3A_345 = arith.constant 16 : i32
            %mul3A_346 = arith.muli %add3A_220, %mul3A_345 : i32
            %add3A_347 = arith.addi %add3A_167, %mul3A_346 : i32
            %add3A_348 = arith.constant 1 : i32
            %add3A_349 = arith.addi %add3A_347, %add3A_348 : i32
            %dma_start3A_350 = arith.constant 0 : i32
            %dma_start3A_351 = tpu.memref_slice %arg5[%add3A_349, %dma_start3A_350] : memref<819200x64xf32, #tpu.memory_space<hbm>> -> memref<1x64xf32, #tpu.memory_space<hbm>>
            %dma_start3A_352 = arith.constant 0 : i32
            %dma_start3A_353 = tpu.memref_slice %arg4[%sub3A_344, %dma_start3A_352] : memref<1024x64xf32, #tpu.memory_space<hbm>> -> memref<1x64xf32, #tpu.memory_space<hbm>>
            tpu.enqueue_dma source(%dma_start3A_353 : memref<1x64xf32, #tpu.memory_space<hbm>>) target(%dma_start3A_351 : memref<1x64xf32, #tpu.memory_space<hbm>>) target_semaphore(%arg16 : memref<!tpu.dma_semaphore, #tpu.memory_space<semaphore_mem>>)
            %dma_wait3A_354 = arith.constant 0 : i32
            %dma_wait3A_355 = tpu.memref_slice %arg5[%add3A_349, %dma_wait3A_354] : memref<819200x64xf32, #tpu.memory_space<hbm>> -> memref<1x64xf32, #tpu.memory_space<hbm>>
            %dma_wait3A_356 = arith.constant 0 : i32
            %dma_wait3A_357 = tpu.memref_slice %arg4[%sub3A_344, %dma_wait3A_356] : memref<1024x64xf32, #tpu.memory_space<hbm>> -> memref<1x64xf32, #tpu.memory_space<hbm>>
            tpu.wait_dma2 semaphore(%arg16 : memref<!tpu.dma_semaphore, #tpu.memory_space<semaphore_mem>>) src(%dma_wait3A_357 : memref<1x64xf32, #tpu.memory_space<hbm>>) dst(%dma_wait3A_355 : memref<1x64xf32, #tpu.memory_space<hbm>>)
          } else {
          }
          %slice3A_245 = vector.extract_strided_slice %get3A_223 {offsets = [2], sizes = [1], strides = [1]} : vector<16xi32> to vector<1xi32>
          %squeeze3A_246 = vector.extract %slice3A_245[0] : i32 from vector<1xi32>
          %ge3A_247 = arith.constant 1000000 : i32
          %ge3A_248 = arith.cmpi sge, %squeeze3A_246, %ge3A_247 : i32
          %convert_element_type3A_249 = arith.extui %ge3A_248 : i1 to i32
          %cond3A_250 = arith.constant 0 : i32
          %cond3A_251 = arith.cmpi ne, %convert_element_type3A_249, %cond3A_250 : i32
          scf.if %cond3A_251 {
            %sub3A_343 = arith.constant 1000000 : i32
            %sub3A_344 = arith.subi %squeeze3A_246, %sub3A_343 : i32
            %mul3A_345 = arith.constant 16 : i32
            %mul3A_346 = arith.muli %add3A_220, %mul3A_345 : i32
            %add3A_347 = arith.addi %add3A_167, %mul3A_346 : i32
            %add3A_348 = arith.constant 2 : i32
            %add3A_349 = arith.addi %add3A_347, %add3A_348 : i32
            %dma_start3A_350 = arith.constant 0 : i32
            %dma_start3A_351 = tpu.memref_slice %arg5[%add3A_349, %dma_start3A_350] : memref<819200x64xf32, #tpu.memory_space<hbm>> -> memref<1x64xf32, #tpu.memory_space<hbm>>
            %dma_start3A_352 = arith.constant 0 : i32
            %dma_start3A_353 = tpu.memref_slice %arg4[%sub3A_344, %dma_start3A_352] : memref<1024x64xf32, #tpu.memory_space<hbm>> -> memref<1x64xf32, #tpu.memory_space<hbm>>
            tpu.enqueue_dma source(%dma_start3A_353 : memref<1x64xf32, #tpu.memory_space<hbm>>) target(%dma_start3A_351 : memref<1x64xf32, #tpu.memory_space<hbm>>) target_semaphore(%arg16 : memref<!tpu.dma_semaphore, #tpu.memory_space<semaphore_mem>>)
            %dma_wait3A_354 = arith.constant 0 : i32
            %dma_wait3A_355 = tpu.memref_slice %arg5[%add3A_349, %dma_wait3A_354] : memref<819200x64xf32, #tpu.memory_space<hbm>> -> memref<1x64xf32, #tpu.memory_space<hbm>>
            %dma_wait3A_356 = arith.constant 0 : i32
            %dma_wait3A_357 = tpu.memref_slice %arg4[%sub3A_344, %dma_wait3A_356] : memref<1024x64xf32, #tpu.memory_space<hbm>> -> memref<1x64xf32, #tpu.memory_space<hbm>>
            tpu.wait_dma2 semaphore(%arg16 : memref<!tpu.dma_semaphore, #tpu.memory_space<semaphore_mem>>) src(%dma_wait3A_357 : memref<1x64xf32, #tpu.memory_space<hbm>>) dst(%dma_wait3A_355 : memref<1x64xf32, #tpu.memory_space<hbm>>)
          } else {
          }
          %slice3A_252 = vector.extract_strided_slice %get3A_223 {offsets = [3], sizes = [1], strides = [1]} : vector<16xi32> to vector<1xi32>
          %squeeze3A_253 = vector.extract %slice3A_252[0] : i32 from vector<1xi32>
          %ge3A_254 = arith.constant 1000000 : i32
          %ge3A_255 = arith.cmpi sge, %squeeze3A_253, %ge3A_254 : i32
          %convert_element_type3A_256 = arith.extui %ge3A_255 : i1 to i32
          %cond3A_257 = arith.constant 0 : i32
          %cond3A_258 = arith.cmpi ne, %convert_element_type3A_256, %cond3A_257 : i32
          scf.if %cond3A_258 {
            %sub3A_343 = arith.constant 1000000 : i32
            %sub3A_344 = arith.subi %squeeze3A_253, %sub3A_343 : i32
            %mul3A_345 = arith.constant 16 : i32
            %mul3A_346 = arith.muli %add3A_220, %mul3A_345 : i32
            %add3A_347 = arith.addi %add3A_167, %mul3A_346 : i32
            %add3A_348 = arith.constant 3 : i32
            %add3A_349 = arith.addi %add3A_347, %add3A_348 : i32
            %dma_start3A_350 = arith.constant 0 : i32
            %dma_start3A_351 = tpu.memref_slice %arg5[%add3A_349, %dma_start3A_350] : memref<819200x64xf32, #tpu.memory_space<hbm>> -> memref<1x64xf32, #tpu.memory_space<hbm>>
            %dma_start3A_352 = arith.constant 0 : i32
            %dma_start3A_353 = tpu.memref_slice %arg4[%sub3A_344, %dma_start3A_352] : memref<1024x64xf32, #tpu.memory_space<hbm>> -> memref<1x64xf32, #tpu.memory_space<hbm>>
            tpu.enqueue_dma source(%dma_start3A_353 : memref<1x64xf32, #tpu.memory_space<hbm>>) target(%dma_start3A_351 : memref<1x64xf32, #tpu.memory_space<hbm>>) target_semaphore(%arg16 : memref<!tpu.dma_semaphore, #tpu.memory_space<semaphore_mem>>)
            %dma_wait3A_354 = arith.constant 0 : i32
            %dma_wait3A_355 = tpu.memref_slice %arg5[%add3A_349, %dma_wait3A_354] : memref<819200x64xf32, #tpu.memory_space<hbm>> -> memref<1x64xf32, #tpu.memory_space<hbm>>
            %dma_wait3A_356 = arith.constant 0 : i32
            %dma_wait3A_357 = tpu.memref_slice %arg4[%sub3A_344, %dma_wait3A_356] : memref<1024x64xf32, #tpu.memory_space<hbm>> -> memref<1x64xf32, #tpu.memory_space<hbm>>
            tpu.wait_dma2 semaphore(%arg16 : memref<!tpu.dma_semaphore, #tpu.memory_space<semaphore_mem>>) src(%dma_wait3A_357 : memref<1x64xf32, #tpu.memory_space<hbm>>) dst(%dma_wait3A_355 : memref<1x64xf32, #tpu.memory_space<hbm>>)
          } else {
          }
          %slice3A_259 = vector.extract_strided_slice %get3A_223 {offsets = [4], sizes = [1], strides = [1]} : vector<16xi32> to vector<1xi32>
          %squeeze3A_260 = vector.extract %slice3A_259[0] : i32 from vector<1xi32>
          %ge3A_261 = arith.constant 1000000 : i32
          %ge3A_262 = arith.cmpi sge, %squeeze3A_260, %ge3A_261 : i32
          %convert_element_type3A_263 = arith.extui %ge3A_262 : i1 to i32
          %cond3A_264 = arith.constant 0 : i32
          %cond3A_265 = arith.cmpi ne, %convert_element_type3A_263, %cond3A_264 : i32
          scf.if %cond3A_265 {
            %sub3A_343 = arith.constant 1000000 : i32
            %sub3A_344 = arith.subi %squeeze3A_260, %sub3A_343 : i32
            %mul3A_345 = arith.constant 16 : i32
            %mul3A_346 = arith.muli %add3A_220, %mul3A_345 : i32
            %add3A_347 = arith.addi %add3A_167, %mul3A_346 : i32
            %add3A_348 = arith.constant 4 : i32
            %add3A_349 = arith.addi %add3A_347, %add3A_348 : i32
            %dma_start3A_350 = arith.constant 0 : i32
            %dma_start3A_351 = tpu.memref_slice %arg5[%add3A_349, %dma_start3A_350] : memref<819200x64xf32, #tpu.memory_space<hbm>> -> memref<1x64xf32, #tpu.memory_space<hbm>>
            %dma_start3A_352 = arith.constant 0 : i32
            %dma_start3A_353 = tpu.memref_slice %arg4[%sub3A_344, %dma_start3A_352] : memref<1024x64xf32, #tpu.memory_space<hbm>> -> memref<1x64xf32, #tpu.memory_space<hbm>>
            tpu.enqueue_dma source(%dma_start3A_353 : memref<1x64xf32, #tpu.memory_space<hbm>>) target(%dma_start3A_351 : memref<1x64xf32, #tpu.memory_space<hbm>>) target_semaphore(%arg16 : memref<!tpu.dma_semaphore, #tpu.memory_space<semaphore_mem>>)
            %dma_wait3A_354 = arith.constant 0 : i32
            %dma_wait3A_355 = tpu.memref_slice %arg5[%add3A_349, %dma_wait3A_354] : memref<819200x64xf32, #tpu.memory_space<hbm>> -> memref<1x64xf32, #tpu.memory_space<hbm>>
            %dma_wait3A_356 = arith.constant 0 : i32
            %dma_wait3A_357 = tpu.memref_slice %arg4[%sub3A_344, %dma_wait3A_356] : memref<1024x64xf32, #tpu.memory_space<hbm>> -> memref<1x64xf32, #tpu.memory_space<hbm>>
            tpu.wait_dma2 semaphore(%arg16 : memref<!tpu.dma_semaphore, #tpu.memory_space<semaphore_mem>>) src(%dma_wait3A_357 : memref<1x64xf32, #tpu.memory_space<hbm>>) dst(%dma_wait3A_355 : memref<1x64xf32, #tpu.memory_space<hbm>>)
          } else {
          }
          %slice3A_266 = vector.extract_strided_slice %get3A_223 {offsets = [5], sizes = [1], strides = [1]} : vector<16xi32> to vector<1xi32>
          %squeeze3A_267 = vector.extract %slice3A_266[0] : i32 from vector<1xi32>
          %ge3A_268 = arith.constant 1000000 : i32
          %ge3A_269 = arith.cmpi sge, %squeeze3A_267, %ge3A_268 : i32
          %convert_element_type3A_270 = arith.extui %ge3A_269 : i1 to i32
          %cond3A_271 = arith.constant 0 : i32
          %cond3A_272 = arith.cmpi ne, %convert_element_type3A_270, %cond3A_271 : i32
          scf.if %cond3A_272 {
            %sub3A_343 = arith.constant 1000000 : i32
            %sub3A_344 = arith.subi %squeeze3A_267, %sub3A_343 : i32
            %mul3A_345 = arith.constant 16 : i32
            %mul3A_346 = arith.muli %add3A_220, %mul3A_345 : i32
            %add3A_347 = arith.addi %add3A_167, %mul3A_346 : i32
            %add3A_348 = arith.constant 5 : i32
            %add3A_349 = arith.addi %add3A_347, %add3A_348 : i32
            %dma_start3A_350 = arith.constant 0 : i32
            %dma_start3A_351 = tpu.memref_slice %arg5[%add3A_349, %dma_start3A_350] : memref<819200x64xf32, #tpu.memory_space<hbm>> -> memref<1x64xf32, #tpu.memory_space<hbm>>
            %dma_start3A_352 = arith.constant 0 : i32
            %dma_start3A_353 = tpu.memref_slice %arg4[%sub3A_344, %dma_start3A_352] : memref<1024x64xf32, #tpu.memory_space<hbm>> -> memref<1x64xf32, #tpu.memory_space<hbm>>
            tpu.enqueue_dma source(%dma_start3A_353 : memref<1x64xf32, #tpu.memory_space<hbm>>) target(%dma_start3A_351 : memref<1x64xf32, #tpu.memory_space<hbm>>) target_semaphore(%arg16 : memref<!tpu.dma_semaphore, #tpu.memory_space<semaphore_mem>>)
            %dma_wait3A_354 = arith.constant 0 : i32
            %dma_wait3A_355 = tpu.memref_slice %arg5[%add3A_349, %dma_wait3A_354] : memref<819200x64xf32, #tpu.memory_space<hbm>> -> memref<1x64xf32, #tpu.memory_space<hbm>>
            %dma_wait3A_356 = arith.constant 0 : i32
            %dma_wait3A_357 = tpu.memref_slice %arg4[%sub3A_344, %dma_wait3A_356] : memref<1024x64xf32, #tpu.memory_space<hbm>> -> memref<1x64xf32, #tpu.memory_space<hbm>>
            tpu.wait_dma2 semaphore(%arg16 : memref<!tpu.dma_semaphore, #tpu.memory_space<semaphore_mem>>) src(%dma_wait3A_357 : memref<1x64xf32, #tpu.memory_space<hbm>>) dst(%dma_wait3A_355 : memref<1x64xf32, #tpu.memory_space<hbm>>)
          } else {
          }
          %slice3A_273 = vector.extract_strided_slice %get3A_223 {offsets = [6], sizes = [1], strides = [1]} : vector<16xi32> to vector<1xi32>
          %squeeze3A_274 = vector.extract %slice3A_273[0] : i32 from vector<1xi32>
          %ge3A_275 = arith.constant 1000000 : i32
          %ge3A_276 = arith.cmpi sge, %squeeze3A_274, %ge3A_275 : i32
          %convert_element_type3A_277 = arith.extui %ge3A_276 : i1 to i32
          %cond3A_278 = arith.constant 0 : i32
          %cond3A_279 = arith.cmpi ne, %convert_element_type3A_277, %cond3A_278 : i32
          scf.if %cond3A_279 {
            %sub3A_343 = arith.constant 1000000 : i32
            %sub3A_344 = arith.subi %squeeze3A_274, %sub3A_343 : i32
            %mul3A_345 = arith.constant 16 : i32
            %mul3A_346 = arith.muli %add3A_220, %mul3A_345 : i32
            %add3A_347 = arith.addi %add3A_167, %mul3A_346 : i32
            %add3A_348 = arith.constant 6 : i32
            %add3A_349 = arith.addi %add3A_347, %add3A_348 : i32
            %dma_start3A_350 = arith.constant 0 : i32
            %dma_start3A_351 = tpu.memref_slice %arg5[%add3A_349, %dma_start3A_350] : memref<819200x64xf32, #tpu.memory_space<hbm>> -> memref<1x64xf32, #tpu.memory_space<hbm>>
            %dma_start3A_352 = arith.constant 0 : i32
            %dma_start3A_353 = tpu.memref_slice %arg4[%sub3A_344, %dma_start3A_352] : memref<1024x64xf32, #tpu.memory_space<hbm>> -> memref<1x64xf32, #tpu.memory_space<hbm>>
            tpu.enqueue_dma source(%dma_start3A_353 : memref<1x64xf32, #tpu.memory_space<hbm>>) target(%dma_start3A_351 : memref<1x64xf32, #tpu.memory_space<hbm>>) target_semaphore(%arg16 : memref<!tpu.dma_semaphore, #tpu.memory_space<semaphore_mem>>)
            %dma_wait3A_354 = arith.constant 0 : i32
            %dma_wait3A_355 = tpu.memref_slice %arg5[%add3A_349, %dma_wait3A_354] : memref<819200x64xf32, #tpu.memory_space<hbm>> -> memref<1x64xf32, #tpu.memory_space<hbm>>
            %dma_wait3A_356 = arith.constant 0 : i32
            %dma_wait3A_357 = tpu.memref_slice %arg4[%sub3A_344, %dma_wait3A_356] : memref<1024x64xf32, #tpu.memory_space<hbm>> -> memref<1x64xf32, #tpu.memory_space<hbm>>
            tpu.wait_dma2 semaphore(%arg16 : memref<!tpu.dma_semaphore, #tpu.memory_space<semaphore_mem>>) src(%dma_wait3A_357 : memref<1x64xf32, #tpu.memory_space<hbm>>) dst(%dma_wait3A_355 : memref<1x64xf32, #tpu.memory_space<hbm>>)
          } else {
          }
          %slice3A_280 = vector.extract_strided_slice %get3A_223 {offsets = [7], sizes = [1], strides = [1]} : vector<16xi32> to vector<1xi32>
          %squeeze3A_281 = vector.extract %slice3A_280[0] : i32 from vector<1xi32>
          %ge3A_282 = arith.constant 1000000 : i32
          %ge3A_283 = arith.cmpi sge, %squeeze3A_281, %ge3A_282 : i32
          %convert_element_type3A_284 = arith.extui %ge3A_283 : i1 to i32
          %cond3A_285 = arith.constant 0 : i32
          %cond3A_286 = arith.cmpi ne, %convert_element_type3A_284, %cond3A_285 : i32
          scf.if %cond3A_286 {
            %sub3A_343 = arith.constant 1000000 : i32
            %sub3A_344 = arith.subi %squeeze3A_281, %sub3A_343 : i32
            %mul3A_345 = arith.constant 16 : i32
            %mul3A_346 = arith.muli %add3A_220, %mul3A_345 : i32
            %add3A_347 = arith.addi %add3A_167, %mul3A_346 : i32
            %add3A_348 = arith.constant 7 : i32
            %add3A_349 = arith.addi %add3A_347, %add3A_348 : i32
            %dma_start3A_350 = arith.constant 0 : i32
            %dma_start3A_351 = tpu.memref_slice %arg5[%add3A_349, %dma_start3A_350] : memref<819200x64xf32, #tpu.memory_space<hbm>> -> memref<1x64xf32, #tpu.memory_space<hbm>>
            %dma_start3A_352 = arith.constant 0 : i32
            %dma_start3A_353 = tpu.memref_slice %arg4[%sub3A_344, %dma_start3A_352] : memref<1024x64xf32, #tpu.memory_space<hbm>> -> memref<1x64xf32, #tpu.memory_space<hbm>>
            tpu.enqueue_dma source(%dma_start3A_353 : memref<1x64xf32, #tpu.memory_space<hbm>>) target(%dma_start3A_351 : memref<1x64xf32, #tpu.memory_space<hbm>>) target_semaphore(%arg16 : memref<!tpu.dma_semaphore, #tpu.memory_space<semaphore_mem>>)
            %dma_wait3A_354 = arith.constant 0 : i32
            %dma_wait3A_355 = tpu.memref_slice %arg5[%add3A_349, %dma_wait3A_354] : memref<819200x64xf32, #tpu.memory_space<hbm>> -> memref<1x64xf32, #tpu.memory_space<hbm>>
            %dma_wait3A_356 = arith.constant 0 : i32
            %dma_wait3A_357 = tpu.memref_slice %arg4[%sub3A_344, %dma_wait3A_356] : memref<1024x64xf32, #tpu.memory_space<hbm>> -> memref<1x64xf32, #tpu.memory_space<hbm>>
            tpu.wait_dma2 semaphore(%arg16 : memref<!tpu.dma_semaphore, #tpu.memory_space<semaphore_mem>>) src(%dma_wait3A_357 : memref<1x64xf32, #tpu.memory_space<hbm>>) dst(%dma_wait3A_355 : memref<1x64xf32, #tpu.memory_space<hbm>>)
          } else {
          }
          %slice3A_287 = vector.extract_strided_slice %get3A_223 {offsets = [8], sizes = [1], strides = [1]} : vector<16xi32> to vector<1xi32>
          %squeeze3A_288 = vector.extract %slice3A_287[0] : i32 from vector<1xi32>
          %ge3A_289 = arith.constant 1000000 : i32
          %ge3A_290 = arith.cmpi sge, %squeeze3A_288, %ge3A_289 : i32
          %convert_element_type3A_291 = arith.extui %ge3A_290 : i1 to i32
          %cond3A_292 = arith.constant 0 : i32
          %cond3A_293 = arith.cmpi ne, %convert_element_type3A_291, %cond3A_292 : i32
          scf.if %cond3A_293 {
            %sub3A_343 = arith.constant 1000000 : i32
            %sub3A_344 = arith.subi %squeeze3A_288, %sub3A_343 : i32
            %mul3A_345 = arith.constant 16 : i32
            %mul3A_346 = arith.muli %add3A_220, %mul3A_345 : i32
            %add3A_347 = arith.addi %add3A_167, %mul3A_346 : i32
            %add3A_348 = arith.constant 8 : i32
            %add3A_349 = arith.addi %add3A_347, %add3A_348 : i32
            %dma_start3A_350 = arith.constant 0 : i32
            %dma_start3A_351 = tpu.memref_slice %arg5[%add3A_349, %dma_start3A_350] : memref<819200x64xf32, #tpu.memory_space<hbm>> -> memref<1x64xf32, #tpu.memory_space<hbm>>
            %dma_start3A_352 = arith.constant 0 : i32
            %dma_start3A_353 = tpu.memref_slice %arg4[%sub3A_344, %dma_start3A_352] : memref<1024x64xf32, #tpu.memory_space<hbm>> -> memref<1x64xf32, #tpu.memory_space<hbm>>
            tpu.enqueue_dma source(%dma_start3A_353 : memref<1x64xf32, #tpu.memory_space<hbm>>) target(%dma_start3A_351 : memref<1x64xf32, #tpu.memory_space<hbm>>) target_semaphore(%arg16 : memref<!tpu.dma_semaphore, #tpu.memory_space<semaphore_mem>>)
            %dma_wait3A_354 = arith.constant 0 : i32
            %dma_wait3A_355 = tpu.memref_slice %arg5[%add3A_349, %dma_wait3A_354] : memref<819200x64xf32, #tpu.memory_space<hbm>> -> memref<1x64xf32, #tpu.memory_space<hbm>>
            %dma_wait3A_356 = arith.constant 0 : i32
            %dma_wait3A_357 = tpu.memref_slice %arg4[%sub3A_344, %dma_wait3A_356] : memref<1024x64xf32, #tpu.memory_space<hbm>> -> memref<1x64xf32, #tpu.memory_space<hbm>>
            tpu.wait_dma2 semaphore(%arg16 : memref<!tpu.dma_semaphore, #tpu.memory_space<semaphore_mem>>) src(%dma_wait3A_357 : memref<1x64xf32, #tpu.memory_space<hbm>>) dst(%dma_wait3A_355 : memref<1x64xf32, #tpu.memory_space<hbm>>)
          } else {
          }
          %slice3A_294 = vector.extract_strided_slice %get3A_223 {offsets = [9], sizes = [1], strides = [1]} : vector<16xi32> to vector<1xi32>
          %squeeze3A_295 = vector.extract %slice3A_294[0] : i32 from vector<1xi32>
          %ge3A_296 = arith.constant 1000000 : i32
          %ge3A_297 = arith.cmpi sge, %squeeze3A_295, %ge3A_296 : i32
          %convert_element_type3A_298 = arith.extui %ge3A_297 : i1 to i32
          %cond3A_299 = arith.constant 0 : i32
          %cond3A_300 = arith.cmpi ne, %convert_element_type3A_298, %cond3A_299 : i32
          scf.if %cond3A_300 {
            %sub3A_343 = arith.constant 1000000 : i32
            %sub3A_344 = arith.subi %squeeze3A_295, %sub3A_343 : i32
            %mul3A_345 = arith.constant 16 : i32
            %mul3A_346 = arith.muli %add3A_220, %mul3A_345 : i32
            %add3A_347 = arith.addi %add3A_167, %mul3A_346 : i32
            %add3A_348 = arith.constant 9 : i32
            %add3A_349 = arith.addi %add3A_347, %add3A_348 : i32
            %dma_start3A_350 = arith.constant 0 : i32
            %dma_start3A_351 = tpu.memref_slice %arg5[%add3A_349, %dma_start3A_350] : memref<819200x64xf32, #tpu.memory_space<hbm>> -> memref<1x64xf32, #tpu.memory_space<hbm>>
            %dma_start3A_352 = arith.constant 0 : i32
            %dma_start3A_353 = tpu.memref_slice %arg4[%sub3A_344, %dma_start3A_352] : memref<1024x64xf32, #tpu.memory_space<hbm>> -> memref<1x64xf32, #tpu.memory_space<hbm>>
            tpu.enqueue_dma source(%dma_start3A_353 : memref<1x64xf32, #tpu.memory_space<hbm>>) target(%dma_start3A_351 : memref<1x64xf32, #tpu.memory_space<hbm>>) target_semaphore(%arg16 : memref<!tpu.dma_semaphore, #tpu.memory_space<semaphore_mem>>)
            %dma_wait3A_354 = arith.constant 0 : i32
            %dma_wait3A_355 = tpu.memref_slice %arg5[%add3A_349, %dma_wait3A_354] : memref<819200x64xf32, #tpu.memory_space<hbm>> -> memref<1x64xf32, #tpu.memory_space<hbm>>
            %dma_wait3A_356 = arith.constant 0 : i32
            %dma_wait3A_357 = tpu.memref_slice %arg4[%sub3A_344, %dma_wait3A_356] : memref<1024x64xf32, #tpu.memory_space<hbm>> -> memref<1x64xf32, #tpu.memory_space<hbm>>
            tpu.wait_dma2 semaphore(%arg16 : memref<!tpu.dma_semaphore, #tpu.memory_space<semaphore_mem>>) src(%dma_wait3A_357 : memref<1x64xf32, #tpu.memory_space<hbm>>) dst(%dma_wait3A_355 : memref<1x64xf32, #tpu.memory_space<hbm>>)
          } else {
          }
          %slice3A_301 = vector.extract_strided_slice %get3A_223 {offsets = [10], sizes = [1], strides = [1]} : vector<16xi32> to vector<1xi32>
          %squeeze3A_302 = vector.extract %slice3A_301[0] : i32 from vector<1xi32>
          %ge3A_303 = arith.constant 1000000 : i32
          %ge3A_304 = arith.cmpi sge, %squeeze3A_302, %ge3A_303 : i32
          %convert_element_type3A_305 = arith.extui %ge3A_304 : i1 to i32
          %cond3A_306 = arith.constant 0 : i32
          %cond3A_307 = arith.cmpi ne, %convert_element_type3A_305, %cond3A_306 : i32
          scf.if %cond3A_307 {
            %sub3A_343 = arith.constant 1000000 : i32
            %sub3A_344 = arith.subi %squeeze3A_302, %sub3A_343 : i32
            %mul3A_345 = arith.constant 16 : i32
            %mul3A_346 = arith.muli %add3A_220, %mul3A_345 : i32
            %add3A_347 = arith.addi %add3A_167, %mul3A_346 : i32
            %add3A_348 = arith.constant 10 : i32
            %add3A_349 = arith.addi %add3A_347, %add3A_348 : i32
            %dma_start3A_350 = arith.constant 0 : i32
            %dma_start3A_351 = tpu.memref_slice %arg5[%add3A_349, %dma_start3A_350] : memref<819200x64xf32, #tpu.memory_space<hbm>> -> memref<1x64xf32, #tpu.memory_space<hbm>>
            %dma_start3A_352 = arith.constant 0 : i32
            %dma_start3A_353 = tpu.memref_slice %arg4[%sub3A_344, %dma_start3A_352] : memref<1024x64xf32, #tpu.memory_space<hbm>> -> memref<1x64xf32, #tpu.memory_space<hbm>>
            tpu.enqueue_dma source(%dma_start3A_353 : memref<1x64xf32, #tpu.memory_space<hbm>>) target(%dma_start3A_351 : memref<1x64xf32, #tpu.memory_space<hbm>>) target_semaphore(%arg16 : memref<!tpu.dma_semaphore, #tpu.memory_space<semaphore_mem>>)
            %dma_wait3A_354 = arith.constant 0 : i32
            %dma_wait3A_355 = tpu.memref_slice %arg5[%add3A_349, %dma_wait3A_354] : memref<819200x64xf32, #tpu.memory_space<hbm>> -> memref<1x64xf32, #tpu.memory_space<hbm>>
            %dma_wait3A_356 = arith.constant 0 : i32
            %dma_wait3A_357 = tpu.memref_slice %arg4[%sub3A_344, %dma_wait3A_356] : memref<1024x64xf32, #tpu.memory_space<hbm>> -> memref<1x64xf32, #tpu.memory_space<hbm>>
            tpu.wait_dma2 semaphore(%arg16 : memref<!tpu.dma_semaphore, #tpu.memory_space<semaphore_mem>>) src(%dma_wait3A_357 : memref<1x64xf32, #tpu.memory_space<hbm>>) dst(%dma_wait3A_355 : memref<1x64xf32, #tpu.memory_space<hbm>>)
          } else {
          }
          %slice3A_308 = vector.extract_strided_slice %get3A_223 {offsets = [11], sizes = [1], strides = [1]} : vector<16xi32> to vector<1xi32>
          %squeeze3A_309 = vector.extract %slice3A_308[0] : i32 from vector<1xi32>
          %ge3A_310 = arith.constant 1000000 : i32
          %ge3A_311 = arith.cmpi sge, %squeeze3A_309, %ge3A_310 : i32
          %convert_element_type3A_312 = arith.extui %ge3A_311 : i1 to i32
          %cond3A_313 = arith.constant 0 : i32
          %cond3A_314 = arith.cmpi ne, %convert_element_type3A_312, %cond3A_313 : i32
          scf.if %cond3A_314 {
            %sub3A_343 = arith.constant 1000000 : i32
            %sub3A_344 = arith.subi %squeeze3A_309, %sub3A_343 : i32
            %mul3A_345 = arith.constant 16 : i32
            %mul3A_346 = arith.muli %add3A_220, %mul3A_345 : i32
            %add3A_347 = arith.addi %add3A_167, %mul3A_346 : i32
            %add3A_348 = arith.constant 11 : i32
            %add3A_349 = arith.addi %add3A_347, %add3A_348 : i32
            %dma_start3A_350 = arith.constant 0 : i32
            %dma_start3A_351 = tpu.memref_slice %arg5[%add3A_349, %dma_start3A_350] : memref<819200x64xf32, #tpu.memory_space<hbm>> -> memref<1x64xf32, #tpu.memory_space<hbm>>
            %dma_start3A_352 = arith.constant 0 : i32
            %dma_start3A_353 = tpu.memref_slice %arg4[%sub3A_344, %dma_start3A_352] : memref<1024x64xf32, #tpu.memory_space<hbm>> -> memref<1x64xf32, #tpu.memory_space<hbm>>
            tpu.enqueue_dma source(%dma_start3A_353 : memref<1x64xf32, #tpu.memory_space<hbm>>) target(%dma_start3A_351 : memref<1x64xf32, #tpu.memory_space<hbm>>) target_semaphore(%arg16 : memref<!tpu.dma_semaphore, #tpu.memory_space<semaphore_mem>>)
            %dma_wait3A_354 = arith.constant 0 : i32
            %dma_wait3A_355 = tpu.memref_slice %arg5[%add3A_349, %dma_wait3A_354] : memref<819200x64xf32, #tpu.memory_space<hbm>> -> memref<1x64xf32, #tpu.memory_space<hbm>>
            %dma_wait3A_356 = arith.constant 0 : i32
            %dma_wait3A_357 = tpu.memref_slice %arg4[%sub3A_344, %dma_wait3A_356] : memref<1024x64xf32, #tpu.memory_space<hbm>> -> memref<1x64xf32, #tpu.memory_space<hbm>>
            tpu.wait_dma2 semaphore(%arg16 : memref<!tpu.dma_semaphore, #tpu.memory_space<semaphore_mem>>) src(%dma_wait3A_357 : memref<1x64xf32, #tpu.memory_space<hbm>>) dst(%dma_wait3A_355 : memref<1x64xf32, #tpu.memory_space<hbm>>)
          } else {
          }
          %slice3A_315 = vector.extract_strided_slice %get3A_223 {offsets = [12], sizes = [1], strides = [1]} : vector<16xi32> to vector<1xi32>
          %squeeze3A_316 = vector.extract %slice3A_315[0] : i32 from vector<1xi32>
          %ge3A_317 = arith.constant 1000000 : i32
          %ge3A_318 = arith.cmpi sge, %squeeze3A_316, %ge3A_317 : i32
          %convert_element_type3A_319 = arith.extui %ge3A_318 : i1 to i32
          %cond3A_320 = arith.constant 0 : i32
          %cond3A_321 = arith.cmpi ne, %convert_element_type3A_319, %cond3A_320 : i32
          scf.if %cond3A_321 {
            %sub3A_343 = arith.constant 1000000 : i32
            %sub3A_344 = arith.subi %squeeze3A_316, %sub3A_343 : i32
            %mul3A_345 = arith.constant 16 : i32
            %mul3A_346 = arith.muli %add3A_220, %mul3A_345 : i32
            %add3A_347 = arith.addi %add3A_167, %mul3A_346 : i32
            %add3A_348 = arith.constant 12 : i32
            %add3A_349 = arith.addi %add3A_347, %add3A_348 : i32
            %dma_start3A_350 = arith.constant 0 : i32
            %dma_start3A_351 = tpu.memref_slice %arg5[%add3A_349, %dma_start3A_350] : memref<819200x64xf32, #tpu.memory_space<hbm>> -> memref<1x64xf32, #tpu.memory_space<hbm>>
            %dma_start3A_352 = arith.constant 0 : i32
            %dma_start3A_353 = tpu.memref_slice %arg4[%sub3A_344, %dma_start3A_352] : memref<1024x64xf32, #tpu.memory_space<hbm>> -> memref<1x64xf32, #tpu.memory_space<hbm>>
            tpu.enqueue_dma source(%dma_start3A_353 : memref<1x64xf32, #tpu.memory_space<hbm>>) target(%dma_start3A_351 : memref<1x64xf32, #tpu.memory_space<hbm>>) target_semaphore(%arg16 : memref<!tpu.dma_semaphore, #tpu.memory_space<semaphore_mem>>)
            %dma_wait3A_354 = arith.constant 0 : i32
            %dma_wait3A_355 = tpu.memref_slice %arg5[%add3A_349, %dma_wait3A_354] : memref<819200x64xf32, #tpu.memory_space<hbm>> -> memref<1x64xf32, #tpu.memory_space<hbm>>
            %dma_wait3A_356 = arith.constant 0 : i32
            %dma_wait3A_357 = tpu.memref_slice %arg4[%sub3A_344, %dma_wait3A_356] : memref<1024x64xf32, #tpu.memory_space<hbm>> -> memref<1x64xf32, #tpu.memory_space<hbm>>
            tpu.wait_dma2 semaphore(%arg16 : memref<!tpu.dma_semaphore, #tpu.memory_space<semaphore_mem>>) src(%dma_wait3A_357 : memref<1x64xf32, #tpu.memory_space<hbm>>) dst(%dma_wait3A_355 : memref<1x64xf32, #tpu.memory_space<hbm>>)
          } else {
          }
          %slice3A_322 = vector.extract_strided_slice %get3A_223 {offsets = [13], sizes = [1], strides = [1]} : vector<16xi32> to vector<1xi32>
          %squeeze3A_323 = vector.extract %slice3A_322[0] : i32 from vector<1xi32>
          %ge3A_324 = arith.constant 1000000 : i32
          %ge3A_325 = arith.cmpi sge, %squeeze3A_323, %ge3A_324 : i32
          %convert_element_type3A_326 = arith.extui %ge3A_325 : i1 to i32
          %cond3A_327 = arith.constant 0 : i32
          %cond3A_328 = arith.cmpi ne, %convert_element_type3A_326, %cond3A_327 : i32
          scf.if %cond3A_328 {
            %sub3A_343 = arith.constant 1000000 : i32
            %sub3A_344 = arith.subi %squeeze3A_323, %sub3A_343 : i32
            %mul3A_345 = arith.constant 16 : i32
            %mul3A_346 = arith.muli %add3A_220, %mul3A_345 : i32
            %add3A_347 = arith.addi %add3A_167, %mul3A_346 : i32
            %add3A_348 = arith.constant 13 : i32
            %add3A_349 = arith.addi %add3A_347, %add3A_348 : i32
            %dma_start3A_350 = arith.constant 0 : i32
            %dma_start3A_351 = tpu.memref_slice %arg5[%add3A_349, %dma_start3A_350] : memref<819200x64xf32, #tpu.memory_space<hbm>> -> memref<1x64xf32, #tpu.memory_space<hbm>>
            %dma_start3A_352 = arith.constant 0 : i32
            %dma_start3A_353 = tpu.memref_slice %arg4[%sub3A_344, %dma_start3A_352] : memref<1024x64xf32, #tpu.memory_space<hbm>> -> memref<1x64xf32, #tpu.memory_space<hbm>>
            tpu.enqueue_dma source(%dma_start3A_353 : memref<1x64xf32, #tpu.memory_space<hbm>>) target(%dma_start3A_351 : memref<1x64xf32, #tpu.memory_space<hbm>>) target_semaphore(%arg16 : memref<!tpu.dma_semaphore, #tpu.memory_space<semaphore_mem>>)
            %dma_wait3A_354 = arith.constant 0 : i32
            %dma_wait3A_355 = tpu.memref_slice %arg5[%add3A_349, %dma_wait3A_354] : memref<819200x64xf32, #tpu.memory_space<hbm>> -> memref<1x64xf32, #tpu.memory_space<hbm>>
            %dma_wait3A_356 = arith.constant 0 : i32
            %dma_wait3A_357 = tpu.memref_slice %arg4[%sub3A_344, %dma_wait3A_356] : memref<1024x64xf32, #tpu.memory_space<hbm>> -> memref<1x64xf32, #tpu.memory_space<hbm>>
            tpu.wait_dma2 semaphore(%arg16 : memref<!tpu.dma_semaphore, #tpu.memory_space<semaphore_mem>>) src(%dma_wait3A_357 : memref<1x64xf32, #tpu.memory_space<hbm>>) dst(%dma_wait3A_355 : memref<1x64xf32, #tpu.memory_space<hbm>>)
          } else {
          }
          %slice3A_329 = vector.extract_strided_slice %get3A_223 {offsets = [14], sizes = [1], strides = [1]} : vector<16xi32> to vector<1xi32>
          %squeeze3A_330 = vector.extract %slice3A_329[0] : i32 from vector<1xi32>
          %ge3A_331 = arith.constant 1000000 : i32
          %ge3A_332 = arith.cmpi sge, %squeeze3A_330, %ge3A_331 : i32
          %convert_element_type3A_333 = arith.extui %ge3A_332 : i1 to i32
          %cond3A_334 = arith.constant 0 : i32
          %cond3A_335 = arith.cmpi ne, %convert_element_type3A_333, %cond3A_334 : i32
          scf.if %cond3A_335 {
            %sub3A_343 = arith.constant 1000000 : i32
            %sub3A_344 = arith.subi %squeeze3A_330, %sub3A_343 : i32
            %mul3A_345 = arith.constant 16 : i32
            %mul3A_346 = arith.muli %add3A_220, %mul3A_345 : i32
            %add3A_347 = arith.addi %add3A_167, %mul3A_346 : i32
            %add3A_348 = arith.constant 14 : i32
            %add3A_349 = arith.addi %add3A_347, %add3A_348 : i32
            %dma_start3A_350 = arith.constant 0 : i32
            %dma_start3A_351 = tpu.memref_slice %arg5[%add3A_349, %dma_start3A_350] : memref<819200x64xf32, #tpu.memory_space<hbm>> -> memref<1x64xf32, #tpu.memory_space<hbm>>
            %dma_start3A_352 = arith.constant 0 : i32
            %dma_start3A_353 = tpu.memref_slice %arg4[%sub3A_344, %dma_start3A_352] : memref<1024x64xf32, #tpu.memory_space<hbm>> -> memref<1x64xf32, #tpu.memory_space<hbm>>
            tpu.enqueue_dma source(%dma_start3A_353 : memref<1x64xf32, #tpu.memory_space<hbm>>) target(%dma_start3A_351 : memref<1x64xf32, #tpu.memory_space<hbm>>) target_semaphore(%arg16 : memref<!tpu.dma_semaphore, #tpu.memory_space<semaphore_mem>>)
            %dma_wait3A_354 = arith.constant 0 : i32
            %dma_wait3A_355 = tpu.memref_slice %arg5[%add3A_349, %dma_wait3A_354] : memref<819200x64xf32, #tpu.memory_space<hbm>> -> memref<1x64xf32, #tpu.memory_space<hbm>>
            %dma_wait3A_356 = arith.constant 0 : i32
            %dma_wait3A_357 = tpu.memref_slice %arg4[%sub3A_344, %dma_wait3A_356] : memref<1024x64xf32, #tpu.memory_space<hbm>> -> memref<1x64xf32, #tpu.memory_space<hbm>>
            tpu.wait_dma2 semaphore(%arg16 : memref<!tpu.dma_semaphore, #tpu.memory_space<semaphore_mem>>) src(%dma_wait3A_357 : memref<1x64xf32, #tpu.memory_space<hbm>>) dst(%dma_wait3A_355 : memref<1x64xf32, #tpu.memory_space<hbm>>)
          } else {
          }
          %slice3A_336 = vector.extract_strided_slice %get3A_223 {offsets = [15], sizes = [1], strides = [1]} : vector<16xi32> to vector<1xi32>
          %squeeze3A_337 = vector.extract %slice3A_336[0] : i32 from vector<1xi32>
          %ge3A_338 = arith.constant 1000000 : i32
          %ge3A_339 = arith.cmpi sge, %squeeze3A_337, %ge3A_338 : i32
          %convert_element_type3A_340 = arith.extui %ge3A_339 : i1 to i32
          %cond3A_341 = arith.constant 0 : i32
          %cond3A_342 = arith.cmpi ne, %convert_element_type3A_340, %cond3A_341 : i32
          scf.if %cond3A_342 {
            %sub3A_343 = arith.constant 1000000 : i32
            %sub3A_344 = arith.subi %squeeze3A_337, %sub3A_343 : i32
            %mul3A_345 = arith.constant 16 : i32
            %mul3A_346 = arith.muli %add3A_220, %mul3A_345 : i32
            %add3A_347 = arith.addi %add3A_167, %mul3A_346 : i32
            %add3A_348 = arith.constant 15 : i32
            %add3A_349 = arith.addi %add3A_347, %add3A_348 : i32
            %dma_start3A_350 = arith.constant 0 : i32
            %dma_start3A_351 = tpu.memref_slice %arg5[%add3A_349, %dma_start3A_350] : memref<819200x64xf32, #tpu.memory_space<hbm>> -> memref<1x64xf32, #tpu.memory_space<hbm>>
            %dma_start3A_352 = arith.constant 0 : i32
            %dma_start3A_353 = tpu.memref_slice %arg4[%sub3A_344, %dma_start3A_352] : memref<1024x64xf32, #tpu.memory_space<hbm>> -> memref<1x64xf32, #tpu.memory_space<hbm>>
            tpu.enqueue_dma source(%dma_start3A_353 : memref<1x64xf32, #tpu.memory_space<hbm>>) target(%dma_start3A_351 : memref<1x64xf32, #tpu.memory_space<hbm>>) target_semaphore(%arg16 : memref<!tpu.dma_semaphore, #tpu.memory_space<semaphore_mem>>)
            %dma_wait3A_354 = arith.constant 0 : i32
            %dma_wait3A_355 = tpu.memref_slice %arg5[%add3A_349, %dma_wait3A_354] : memref<819200x64xf32, #tpu.memory_space<hbm>> -> memref<1x64xf32, #tpu.memory_space<hbm>>
            %dma_wait3A_356 = arith.constant 0 : i32
            %dma_wait3A_357 = tpu.memref_slice %arg4[%sub3A_344, %dma_wait3A_356] : memref<1024x64xf32, #tpu.memory_space<hbm>> -> memref<1x64xf32, #tpu.memory_space<hbm>>
            tpu.wait_dma2 semaphore(%arg16 : memref<!tpu.dma_semaphore, #tpu.memory_space<semaphore_mem>>) src(%dma_wait3A_357 : memref<1x64xf32, #tpu.memory_space<hbm>>) dst(%dma_wait3A_355 : memref<1x64xf32, #tpu.memory_space<hbm>>)
          } else {
          }
        } else {
        }
      }
      %scan3A_172 = arith.constant 32 : i32
      %lt3A = arith.constant 24 : i32
      %lt3A_173 = arith.cmpi slt, %add3A_61, %lt3A : i32
      %convert_element_type3A_174 = arith.extui %lt3A_173 : i1 to i32
      %cond3A_175 = arith.constant 0 : i32
      %cond3A_176 = arith.cmpi ne, %convert_element_type3A_174, %cond3A_175 : i32
      scf.if %cond3A_176 {
        %mul3A_216 = arith.constant 512 : i32
        %mul3A_217 = arith.muli %add3A_157, %mul3A_216 : i32
        %add3A_218 = arith.addi %mul3A_2, %mul3A_217 : i32
        "tpu.region"() ({
          %run_scoped3A = tpu.sem_alloc : memref<!tpu.dma_semaphore, #tpu.memory_space<semaphore_mem>>
          %dma_start3A_256 = tpu.memref_slice %arg2[%add3A_218] : memref<819200xi32, #tpu.memory_space<hbm>> -> memref<512xi32, #tpu.memory_space<hbm>>
          %dma_start3A_257 = tpu.memref_slice %arg2[%add3A_218] : memref<819200xi32, #tpu.memory_space<hbm>> -> memref<512xi32, #tpu.memory_space<hbm>>
          tpu.enqueue_dma source(%dma_start3A_257 : memref<512xi32, #tpu.memory_space<hbm>>) target(%arg6 : memref<512xi32, #tpu.memory_space<vmem>>) target_semaphore(%run_scoped3A : memref<!tpu.dma_semaphore, #tpu.memory_space<semaphore_mem>>)
          %dma_wait3A_258 = tpu.memref_slice %arg2[%add3A_218] : memref<819200xi32, #tpu.memory_space<hbm>> -> memref<512xi32, #tpu.memory_space<hbm>>
          %dma_wait3A_259 = tpu.memref_slice %arg2[%add3A_218] : memref<819200xi32, #tpu.memory_space<hbm>> -> memref<512xi32, #tpu.memory_space<hbm>>
          tpu.wait_dma2 semaphore(%run_scoped3A : memref<!tpu.dma_semaphore, #tpu.memory_space<semaphore_mem>>) src(%dma_wait3A_259 : memref<512xi32, #tpu.memory_space<hbm>>) dst(%arg6 : memref<512xi32, #tpu.memory_space<vmem>>)
          tpu.yield
        }) : () -> ()
        %scan3A_219 = arith.constant 0 : i32
        %scan3A_220 = arith.constant 32 : i32
        %scan3A_221 = arith.addi %scan3A_219, %scan3A_220 : i32
        %scan3A_222 = arith.constant 1 : i32
        scf.for %scan3A_256 = %scan3A_219 to %scan3A_221 step %scan3A_222  : i32 {
          %mul3A_257 = arith.constant 1 : i32
          %mul3A_258 = arith.muli %scan3A_256, %mul3A_257 : i32
          %add3A_259 = arith.constant 0 : i32
          %add3A_260 = arith.addi %add3A_259, %mul3A_258 : i32
          %mul3A_261 = arith.constant 16 : i32
          %mul3A_262 = arith.muli %add3A_260, %mul3A_261 : i32
          %get3A = arith.index_cast %mul3A_262 : i32 to index
          %get3A_263 = tpu.vector_load %arg6[%get3A] {strides = array<i32>} : memref<512xi32, #tpu.memory_space<vmem>>, vector<16xi32>,
          %ge3A = arith.constant 1000000 : i32
          %ge3A_264 = vector.broadcast %ge3A : i32 to vector<16xi32>
          %ge3A_265 = arith.cmpi sge, %get3A_263, %ge3A_264 : vector<16xi32>
          %jit3A = arith.constant 0 : i32
          %broadcast_in_dim3A = vector.broadcast %jit3A : i32 to vector<16xi32>
          %select_n3A = arith.select %ge3A_265, %broadcast_in_dim3A, %get3A_263 : vector<16xi1>, vector<16xi32>
          %mul3A_266 = arith.constant 16 : i32
          %mul3A_267 = arith.muli %add3A_260, %mul3A_266 : i32
          %swap3A = arith.index_cast %mul3A_267 : i32 to index
          %swap3A_268 = tpu.vector_load %arg8[%swap3A] {strides = array<i32>} : memref<512xi32, #tpu.memory_space<vmem>>, vector<16xi32>,
          tpu.vector_store %arg8[%swap3A], %select_n3A {strides = array<i32>} : memref<512xi32, #tpu.memory_space<vmem>>, vector<16xi32>,
        }
        %scan3A_223 = arith.constant 32 : i32
        %dma_start3A_224 = arith.constant 0 : i32
        %dma_start3A_225 = arith.constant 0 : i32
        %dma_start3A_226 = tpu.memref_slice %arg10[%dma_start3A_224, %dma_start3A_225] : memref<512x64xf32, #tpu.memory_space<vmem>> -> memref<128x64xf32, #tpu.memory_space<vmem>>
        %dma_start3A_227 = arith.constant 0 : i32
        %dma_start3A_228 = tpu.memref_slice %arg8[%dma_start3A_227] : memref<512xi32, #tpu.memory_space<vmem>> -> memref<128xi32, #tpu.memory_space<vmem>>
        %dma_start3A_229 = arith.constant 0 : i32
        %dma_start3A_230 = arith.constant 0 : i32
        %dma_start3A_231 = tpu.memref_slice %arg3[%dma_start3A_229, %dma_start3A_230] : memref<1000000x64xf32, #tpu.memory_space<hbm>> -> memref<1000000x64xf32, #tpu.memory_space<hbm>>
        tpu.enqueue_indirect_dma source(%dma_start3A_231 : memref<1000000x64xf32, #tpu.memory_space<hbm>>) target(%dma_start3A_226 : memref<128x64xf32, #tpu.memory_space<vmem>>) offsets(%dma_start3A_228 : memref<128xi32, #tpu.memory_space<vmem>>) semaphore(%arg12 : memref<!tpu.dma_semaphore, #tpu.memory_space<semaphore_mem>>)
        %dma_start3A_232 = arith.constant 128 : i32
        %dma_start3A_233 = arith.constant 0 : i32
        %dma_start3A_234 = tpu.memref_slice %arg10[%dma_start3A_232, %dma_start3A_233] : memref<512x64xf32, #tpu.memory_space<vmem>> -> memref<128x64xf32, #tpu.memory_space<vmem>>
        %dma_start3A_235 = arith.constant 128 : i32
        %dma_start3A_236 = tpu.memref_slice %arg8[%dma_start3A_235] : memref<512xi32, #tpu.memory_space<vmem>> -> memref<128xi32, #tpu.memory_space<vmem>>
        %dma_start3A_237 = arith.constant 0 : i32
        %dma_start3A_238 = arith.constant 0 : i32
        %dma_start3A_239 = tpu.memref_slice %arg3[%dma_start3A_237, %dma_start3A_238] : memref<1000000x64xf32, #tpu.memory_space<hbm>> -> memref<1000000x64xf32, #tpu.memory_space<hbm>>
        tpu.enqueue_indirect_dma source(%dma_start3A_239 : memref<1000000x64xf32, #tpu.memory_space<hbm>>) target(%dma_start3A_234 : memref<128x64xf32, #tpu.memory_space<vmem>>) offsets(%dma_start3A_236 : memref<128xi32, #tpu.memory_space<vmem>>) semaphore(%arg12 : memref<!tpu.dma_semaphore, #tpu.memory_space<semaphore_mem>>)
        %dma_start3A_240 = arith.constant 256 : i32
        %dma_start3A_241 = arith.constant 0 : i32
        %dma_start3A_242 = tpu.memref_slice %arg10[%dma_start3A_240, %dma_start3A_241] : memref<512x64xf32, #tpu.memory_space<vmem>> -> memref<128x64xf32, #tpu.memory_space<vmem>>
        %dma_start3A_243 = arith.constant 256 : i32
        %dma_start3A_244 = tpu.memref_slice %arg8[%dma_start3A_243] : memref<512xi32, #tpu.memory_space<vmem>> -> memref<128xi32, #tpu.memory_space<vmem>>
        %dma_start3A_245 = arith.constant 0 : i32
        %dma_start3A_246 = arith.constant 0 : i32
        %dma_start3A_247 = tpu.memref_slice %arg3[%dma_start3A_245, %dma_start3A_246] : memref<1000000x64xf32, #tpu.memory_space<hbm>> -> memref<1000000x64xf32, #tpu.memory_space<hbm>>
        tpu.enqueue_indirect_dma source(%dma_start3A_247 : memref<1000000x64xf32, #tpu.memory_space<hbm>>) target(%dma_start3A_242 : memref<128x64xf32, #tpu.memory_space<vmem>>) offsets(%dma_start3A_244 : memref<128xi32, #tpu.memory_space<vmem>>) semaphore(%arg12 : memref<!tpu.dma_semaphore, #tpu.memory_space<semaphore_mem>>)
        %dma_start3A_248 = arith.constant 384 : i32
        %dma_start3A_249 = arith.constant 0 : i32
        %dma_start3A_250 = tpu.memref_slice %arg10[%dma_start3A_248, %dma_start3A_249] : memref<512x64xf32, #tpu.memory_space<vmem>> -> memref<128x64xf32, #tpu.memory_space<vmem>>
        %dma_start3A_251 = arith.constant 384 : i32
        %dma_start3A_252 = tpu.memref_slice %arg8[%dma_start3A_251] : memref<512xi32, #tpu.memory_space<vmem>> -> memref<128xi32, #tpu.memory_space<vmem>>
        %dma_start3A_253 = arith.constant 0 : i32
        %dma_start3A_254 = arith.constant 0 : i32
        %dma_start3A_255 = tpu.memref_slice %arg3[%dma_start3A_253, %dma_start3A_254] : memref<1000000x64xf32, #tpu.memory_space<hbm>> -> memref<1000000x64xf32, #tpu.memory_space<hbm>>
        tpu.enqueue_indirect_dma source(%dma_start3A_255 : memref<1000000x64xf32, #tpu.memory_space<hbm>>) target(%dma_start3A_250 : memref<128x64xf32, #tpu.memory_space<vmem>>) offsets(%dma_start3A_252 : memref<128xi32, #tpu.memory_space<vmem>>) semaphore(%arg12 : memref<!tpu.dma_semaphore, #tpu.memory_space<semaphore_mem>>)
      } else {
      }
      %dma_wait3A_177 = arith.constant 0 : i32
      %dma_wait3A_178 = arith.constant 0 : i32
      %dma_wait3A_179 = tpu.memref_slice %arg11[%dma_wait3A_177, %dma_wait3A_178] : memref<512x64xf32, #tpu.memory_space<vmem>> -> memref<128x64xf32, #tpu.memory_space<vmem>>
      %dma_wait3A_180 = arith.constant 0 : i32
      %dma_wait3A_181 = tpu.memref_slice %arg9[%dma_wait3A_180] : memref<512xi32, #tpu.memory_space<vmem>> -> memref<128xi32, #tpu.memory_space<vmem>>
      %dma_wait3A_182 = arith.constant 0 : i32
      %dma_wait3A_183 = arith.constant 0 : i32
      %dma_wait3A_184 = tpu.memref_slice %arg3[%dma_wait3A_182, %dma_wait3A_183] : memref<1000000x64xf32, #tpu.memory_space<hbm>> -> memref<1000000x64xf32, #tpu.memory_space<hbm>>
      tpu.wait_indirect_dma semaphore(%arg13 : memref<!tpu.dma_semaphore, #tpu.memory_space<semaphore_mem>>) src(%dma_wait3A_184 : memref<1000000x64xf32, #tpu.memory_space<hbm>>) dst(%dma_wait3A_179 : memref<128x64xf32, #tpu.memory_space<vmem>>)
      %dma_wait3A_185 = arith.constant 128 : i32
      %dma_wait3A_186 = arith.constant 0 : i32
      %dma_wait3A_187 = tpu.memref_slice %arg11[%dma_wait3A_185, %dma_wait3A_186] : memref<512x64xf32, #tpu.memory_space<vmem>> -> memref<128x64xf32, #tpu.memory_space<vmem>>
      %dma_wait3A_188 = arith.constant 128 : i32
      %dma_wait3A_189 = tpu.memref_slice %arg9[%dma_wait3A_188] : memref<512xi32, #tpu.memory_space<vmem>> -> memref<128xi32, #tpu.memory_space<vmem>>
      %dma_wait3A_190 = arith.constant 0 : i32
      %dma_wait3A_191 = arith.constant 0 : i32
      %dma_wait3A_192 = tpu.memref_slice %arg3[%dma_wait3A_190, %dma_wait3A_191] : memref<1000000x64xf32, #tpu.memory_space<hbm>> -> memref<1000000x64xf32, #tpu.memory_space<hbm>>
      tpu.wait_indirect_dma semaphore(%arg13 : memref<!tpu.dma_semaphore, #tpu.memory_space<semaphore_mem>>) src(%dma_wait3A_192 : memref<1000000x64xf32, #tpu.memory_space<hbm>>) dst(%dma_wait3A_187 : memref<128x64xf32, #tpu.memory_space<vmem>>)
      %dma_wait3A_193 = arith.constant 256 : i32
      %dma_wait3A_194 = arith.constant 0 : i32
      %dma_wait3A_195 = tpu.memref_slice %arg11[%dma_wait3A_193, %dma_wait3A_194] : memref<512x64xf32, #tpu.memory_space<vmem>> -> memref<128x64xf32, #tpu.memory_space<vmem>>
      %dma_wait3A_196 = arith.constant 256 : i32
      %dma_wait3A_197 = tpu.memref_slice %arg9[%dma_wait3A_196] : memref<512xi32, #tpu.memory_space<vmem>> -> memref<128xi32, #tpu.memory_space<vmem>>
      %dma_wait3A_198 = arith.constant 0 : i32
      %dma_wait3A_199 = arith.constant 0 : i32
      %dma_wait3A_200 = tpu.memref_slice %arg3[%dma_wait3A_198, %dma_wait3A_199] : memref<1000000x64xf32, #tpu.memory_space<hbm>> -> memref<1000000x64xf32, #tpu.memory_space<hbm>>
      tpu.wait_indirect_dma semaphore(%arg13 : memref<!tpu.dma_semaphore, #tpu.memory_space<semaphore_mem>>) src(%dma_wait3A_200 : memref<1000000x64xf32, #tpu.memory_space<hbm>>) dst(%dma_wait3A_195 : memref<128x64xf32, #tpu.memory_space<vmem>>)
      %dma_wait3A_201 = arith.constant 384 : i32
      %dma_wait3A_202 = arith.constant 0 : i32
      %dma_wait3A_203 = tpu.memref_slice %arg11[%dma_wait3A_201, %dma_wait3A_202] : memref<512x64xf32, #tpu.memory_space<vmem>> -> memref<128x64xf32, #tpu.memory_space<vmem>>
      %dma_wait3A_204 = arith.constant 384 : i32
      %dma_wait3A_205 = tpu.memref_slice %arg9[%dma_wait3A_204] : memref<512xi32, #tpu.memory_space<vmem>> -> memref<128xi32, #tpu.memory_space<vmem>>
      %dma_wait3A_206 = arith.constant 0 : i32
      %dma_wait3A_207 = arith.constant 0 : i32
      %dma_wait3A_208 = tpu.memref_slice %arg3[%dma_wait3A_206, %dma_wait3A_207] : memref<1000000x64xf32, #tpu.memory_space<hbm>> -> memref<1000000x64xf32, #tpu.memory_space<hbm>>
      tpu.wait_indirect_dma semaphore(%arg13 : memref<!tpu.dma_semaphore, #tpu.memory_space<semaphore_mem>>) src(%dma_wait3A_208 : memref<1000000x64xf32, #tpu.memory_space<hbm>>) dst(%dma_wait3A_203 : memref<128x64xf32, #tpu.memory_space<vmem>>)
      %mul3A_209 = arith.constant 512 : i32
      %mul3A_210 = arith.muli %add3A_153, %mul3A_209 : i32
      %add3A_211 = arith.addi %mul3A_2, %mul3A_210 : i32
      %dma_start3A_212 = arith.constant 0 : i32
      %dma_start3A_213 = tpu.memref_slice %arg5[%add3A_211, %dma_start3A_212] : memref<819200x64xf32, #tpu.memory_space<hbm>> -> memref<512x64xf32, #tpu.memory_space<hbm>>
      %dma_start3A_214 = arith.constant 0 : i32
      %dma_start3A_215 = tpu.memref_slice %arg5[%add3A_211, %dma_start3A_214] : memref<819200x64xf32, #tpu.memory_space<hbm>> -> memref<512x64xf32, #tpu.memory_space<hbm>>
      tpu.enqueue_dma source(%arg11 : memref<512x64xf32, #tpu.memory_space<vmem>>) target(%dma_start3A_215 : memref<512x64xf32, #tpu.memory_space<hbm>>) target_semaphore(%arg15 : memref<!tpu.dma_semaphore, #tpu.memory_space<semaphore_mem>>)
    }
    %scan3A_44 = arith.constant 25 : i32
    %add3A_45 = arith.constant 25088 : i32
    %add3A_46 = arith.addi %mul3A_2, %add3A_45 : i32
    %dma_wait3A = arith.constant 0 : i32
    %dma_wait3A_47 = tpu.memref_slice %arg5[%add3A_46, %dma_wait3A] : memref<819200x64xf32, #tpu.memory_space<hbm>> -> memref<512x64xf32, #tpu.memory_space<hbm>>
    %dma_wait3A_48 = arith.constant 0 : i32
    %dma_wait3A_49 = tpu.memref_slice %arg5[%add3A_46, %dma_wait3A_48] : memref<819200x64xf32, #tpu.memory_space<hbm>> -> memref<512x64xf32, #tpu.memory_space<hbm>>
    tpu.wait_dma2 semaphore(%arg15 : memref<!tpu.dma_semaphore, #tpu.memory_space<semaphore_mem>>) src(%arg11 : memref<512x64xf32, #tpu.memory_space<vmem>>) dst(%dma_wait3A_49 : memref<512x64xf32, #tpu.memory_space<hbm>>)
    %add3A_50 = arith.constant 25088 : i32
    %add3A_51 = arith.addi %mul3A_2, %add3A_50 : i32
    %scan3A_52 = arith.constant 0 : i32
    %scan3A_53 = arith.constant 32 : i32
    %scan3A_54 = arith.addi %scan3A_52, %scan3A_53 : i32
    %scan3A_55 = arith.constant 1 : i32
    scf.for %scan3A_57 = %scan3A_52 to %scan3A_54 step %scan3A_55  : i32 {
      %mul3A_58 = arith.constant 1 : i32
      %mul3A_59 = arith.muli %scan3A_57, %mul3A_58 : i32
      %add3A_60 = arith.constant 0 : i32
      %add3A_61 = arith.addi %add3A_60, %mul3A_59 : i32
      %mul3A_62 = arith.constant 16 : i32
      %mul3A_63 = arith.muli %add3A_61, %mul3A_62 : i32
      %get3A = arith.index_cast %mul3A_63 : i32 to index
      %get3A_64 = tpu.vector_load %arg7[%get3A] {strides = array<i32>} : memref<512xi32, #tpu.memory_space<vmem>>, vector<16xi32>,
      %ge3A = arith.constant 1000000 : i32
      %ge3A_65 = vector.broadcast %ge3A : i32 to vector<16xi32>
      %ge3A_66 = arith.cmpi sge, %get3A_64, %ge3A_65 : vector<16xi32>
      %all_reduce_population_count3A = tpu.all_reduce %ge3A_66 {dim = 0 : i64, kind = #tpu.reduction_kind<sum>} : vector<16xi1> -> vector<16xi32>
      %slice3A = vector.extract_strided_slice %all_reduce_population_count3A {offsets = [0], sizes = [1], strides = [1]} : vector<16xi32> to vector<1xi32>
      %squeeze3A = vector.extract %slice3A[0] : i32 from vector<1xi32>
      %gt3A = arith.constant 0 : i32
      %gt3A_67 = arith.cmpi sgt, %squeeze3A, %gt3A : i32
      %convert_element_type3A = arith.extui %gt3A_67 : i1 to i32
      %cond3A = arith.constant 0 : i32
      %cond3A_68 = arith.cmpi ne, %convert_element_type3A, %cond3A : i32
      scf.if %cond3A_68 {
        %slice3A_69 = vector.extract_strided_slice %get3A_64 {offsets = [0], sizes = [1], strides = [1]} : vector<16xi32> to vector<1xi32>
        %squeeze3A_70 = vector.extract %slice3A_69[0] : i32 from vector<1xi32>
        %ge3A_71 = arith.constant 1000000 : i32
        %ge3A_72 = arith.cmpi sge, %squeeze3A_70, %ge3A_71 : i32
        %convert_element_type3A_73 = arith.extui %ge3A_72 : i1 to i32
        %cond3A_74 = arith.constant 0 : i32
        %cond3A_75 = arith.cmpi ne, %convert_element_type3A_73, %cond3A_74 : i32
        scf.if %cond3A_75 {
          %sub3A = arith.constant 1000000 : i32
          %sub3A_181 = arith.subi %squeeze3A_70, %sub3A : i32
          %mul3A_182 = arith.constant 16 : i32
          %mul3A_183 = arith.muli %add3A_61, %mul3A_182 : i32
          %add3A_184 = arith.addi %add3A_51, %mul3A_183 : i32
          %add3A_185 = arith.constant 0 : i32
          %add3A_186 = arith.addi %add3A_184, %add3A_185 : i32
          %dma_start3A_187 = arith.constant 0 : i32
          %dma_start3A_188 = tpu.memref_slice %arg5[%add3A_186, %dma_start3A_187] : memref<819200x64xf32, #tpu.memory_space<hbm>> -> memref<1x64xf32, #tpu.memory_space<hbm>>
          %dma_start3A_189 = arith.constant 0 : i32
          %dma_start3A_190 = tpu.memref_slice %arg4[%sub3A_181, %dma_start3A_189] : memref<1024x64xf32, #tpu.memory_space<hbm>> -> memref<1x64xf32, #tpu.memory_space<hbm>>
          tpu.enqueue_dma source(%dma_start3A_190 : memref<1x64xf32, #tpu.memory_space<hbm>>) target(%dma_start3A_188 : memref<1x64xf32, #tpu.memory_space<hbm>>) target_semaphore(%arg16 : memref<!tpu.dma_semaphore, #tpu.memory_space<semaphore_mem>>)
          %dma_wait3A_191 = arith.constant 0 : i32
          %dma_wait3A_192 = tpu.memref_slice %arg5[%add3A_186, %dma_wait3A_191] : memref<819200x64xf32, #tpu.memory_space<hbm>> -> memref<1x64xf32, #tpu.memory_space<hbm>>
          %dma_wait3A_193 = arith.constant 0 : i32
          %dma_wait3A_194 = tpu.memref_slice %arg4[%sub3A_181, %dma_wait3A_193] : memref<1024x64xf32, #tpu.memory_space<hbm>> -> memref<1x64xf32, #tpu.memory_space<hbm>>
          tpu.wait_dma2 semaphore(%arg16 : memref<!tpu.dma_semaphore, #tpu.memory_space<semaphore_mem>>) src(%dma_wait3A_194 : memref<1x64xf32, #tpu.memory_space<hbm>>) dst(%dma_wait3A_192 : memref<1x64xf32, #tpu.memory_space<hbm>>)
        } else {
        }
        %slice3A_76 = vector.extract_strided_slice %get3A_64 {offsets = [1], sizes = [1], strides = [1]} : vector<16xi32> to vector<1xi32>
        %squeeze3A_77 = vector.extract %slice3A_76[0] : i32 from vector<1xi32>
        %ge3A_78 = arith.constant 1000000 : i32
        %ge3A_79 = arith.cmpi sge, %squeeze3A_77, %ge3A_78 : i32
        %convert_element_type3A_80 = arith.extui %ge3A_79 : i1 to i32
        %cond3A_81 = arith.constant 0 : i32
        %cond3A_82 = arith.cmpi ne, %convert_element_type3A_80, %cond3A_81 : i32
        scf.if %cond3A_82 {
          %sub3A = arith.constant 1000000 : i32
          %sub3A_181 = arith.subi %squeeze3A_77, %sub3A : i32
          %mul3A_182 = arith.constant 16 : i32
          %mul3A_183 = arith.muli %add3A_61, %mul3A_182 : i32
          %add3A_184 = arith.addi %add3A_51, %mul3A_183 : i32
          %add3A_185 = arith.constant 1 : i32
          %add3A_186 = arith.addi %add3A_184, %add3A_185 : i32
          %dma_start3A_187 = arith.constant 0 : i32
          %dma_start3A_188 = tpu.memref_slice %arg5[%add3A_186, %dma_start3A_187] : memref<819200x64xf32, #tpu.memory_space<hbm>> -> memref<1x64xf32, #tpu.memory_space<hbm>>
          %dma_start3A_189 = arith.constant 0 : i32
          %dma_start3A_190 = tpu.memref_slice %arg4[%sub3A_181, %dma_start3A_189] : memref<1024x64xf32, #tpu.memory_space<hbm>> -> memref<1x64xf32, #tpu.memory_space<hbm>>
          tpu.enqueue_dma source(%dma_start3A_190 : memref<1x64xf32, #tpu.memory_space<hbm>>) target(%dma_start3A_188 : memref<1x64xf32, #tpu.memory_space<hbm>>) target_semaphore(%arg16 : memref<!tpu.dma_semaphore, #tpu.memory_space<semaphore_mem>>)
          %dma_wait3A_191 = arith.constant 0 : i32
          %dma_wait3A_192 = tpu.memref_slice %arg5[%add3A_186, %dma_wait3A_191] : memref<819200x64xf32, #tpu.memory_space<hbm>> -> memref<1x64xf32, #tpu.memory_space<hbm>>
          %dma_wait3A_193 = arith.constant 0 : i32
          %dma_wait3A_194 = tpu.memref_slice %arg4[%sub3A_181, %dma_wait3A_193] : memref<1024x64xf32, #tpu.memory_space<hbm>> -> memref<1x64xf32, #tpu.memory_space<hbm>>
          tpu.wait_dma2 semaphore(%arg16 : memref<!tpu.dma_semaphore, #tpu.memory_space<semaphore_mem>>) src(%dma_wait3A_194 : memref<1x64xf32, #tpu.memory_space<hbm>>) dst(%dma_wait3A_192 : memref<1x64xf32, #tpu.memory_space<hbm>>)
        } else {
        }
        %slice3A_83 = vector.extract_strided_slice %get3A_64 {offsets = [2], sizes = [1], strides = [1]} : vector<16xi32> to vector<1xi32>
        %squeeze3A_84 = vector.extract %slice3A_83[0] : i32 from vector<1xi32>
        %ge3A_85 = arith.constant 1000000 : i32
        %ge3A_86 = arith.cmpi sge, %squeeze3A_84, %ge3A_85 : i32
        %convert_element_type3A_87 = arith.extui %ge3A_86 : i1 to i32
        %cond3A_88 = arith.constant 0 : i32
        %cond3A_89 = arith.cmpi ne, %convert_element_type3A_87, %cond3A_88 : i32
        scf.if %cond3A_89 {
          %sub3A = arith.constant 1000000 : i32
          %sub3A_181 = arith.subi %squeeze3A_84, %sub3A : i32
          %mul3A_182 = arith.constant 16 : i32
          %mul3A_183 = arith.muli %add3A_61, %mul3A_182 : i32
          %add3A_184 = arith.addi %add3A_51, %mul3A_183 : i32
          %add3A_185 = arith.constant 2 : i32
          %add3A_186 = arith.addi %add3A_184, %add3A_185 : i32
          %dma_start3A_187 = arith.constant 0 : i32
          %dma_start3A_188 = tpu.memref_slice %arg5[%add3A_186, %dma_start3A_187] : memref<819200x64xf32, #tpu.memory_space<hbm>> -> memref<1x64xf32, #tpu.memory_space<hbm>>
          %dma_start3A_189 = arith.constant 0 : i32
          %dma_start3A_190 = tpu.memref_slice %arg4[%sub3A_181, %dma_start3A_189] : memref<1024x64xf32, #tpu.memory_space<hbm>> -> memref<1x64xf32, #tpu.memory_space<hbm>>
          tpu.enqueue_dma source(%dma_start3A_190 : memref<1x64xf32, #tpu.memory_space<hbm>>) target(%dma_start3A_188 : memref<1x64xf32, #tpu.memory_space<hbm>>) target_semaphore(%arg16 : memref<!tpu.dma_semaphore, #tpu.memory_space<semaphore_mem>>)
          %dma_wait3A_191 = arith.constant 0 : i32
          %dma_wait3A_192 = tpu.memref_slice %arg5[%add3A_186, %dma_wait3A_191] : memref<819200x64xf32, #tpu.memory_space<hbm>> -> memref<1x64xf32, #tpu.memory_space<hbm>>
          %dma_wait3A_193 = arith.constant 0 : i32
          %dma_wait3A_194 = tpu.memref_slice %arg4[%sub3A_181, %dma_wait3A_193] : memref<1024x64xf32, #tpu.memory_space<hbm>> -> memref<1x64xf32, #tpu.memory_space<hbm>>
          tpu.wait_dma2 semaphore(%arg16 : memref<!tpu.dma_semaphore, #tpu.memory_space<semaphore_mem>>) src(%dma_wait3A_194 : memref<1x64xf32, #tpu.memory_space<hbm>>) dst(%dma_wait3A_192 : memref<1x64xf32, #tpu.memory_space<hbm>>)
        } else {
        }
        %slice3A_90 = vector.extract_strided_slice %get3A_64 {offsets = [3], sizes = [1], strides = [1]} : vector<16xi32> to vector<1xi32>
        %squeeze3A_91 = vector.extract %slice3A_90[0] : i32 from vector<1xi32>
        %ge3A_92 = arith.constant 1000000 : i32
        %ge3A_93 = arith.cmpi sge, %squeeze3A_91, %ge3A_92 : i32
        %convert_element_type3A_94 = arith.extui %ge3A_93 : i1 to i32
        %cond3A_95 = arith.constant 0 : i32
        %cond3A_96 = arith.cmpi ne, %convert_element_type3A_94, %cond3A_95 : i32
        scf.if %cond3A_96 {
          %sub3A = arith.constant 1000000 : i32
          %sub3A_181 = arith.subi %squeeze3A_91, %sub3A : i32
          %mul3A_182 = arith.constant 16 : i32
          %mul3A_183 = arith.muli %add3A_61, %mul3A_182 : i32
          %add3A_184 = arith.addi %add3A_51, %mul3A_183 : i32
          %add3A_185 = arith.constant 3 : i32
          %add3A_186 = arith.addi %add3A_184, %add3A_185 : i32
          %dma_start3A_187 = arith.constant 0 : i32
          %dma_start3A_188 = tpu.memref_slice %arg5[%add3A_186, %dma_start3A_187] : memref<819200x64xf32, #tpu.memory_space<hbm>> -> memref<1x64xf32, #tpu.memory_space<hbm>>
          %dma_start3A_189 = arith.constant 0 : i32
          %dma_start3A_190 = tpu.memref_slice %arg4[%sub3A_181, %dma_start3A_189] : memref<1024x64xf32, #tpu.memory_space<hbm>> -> memref<1x64xf32, #tpu.memory_space<hbm>>
          tpu.enqueue_dma source(%dma_start3A_190 : memref<1x64xf32, #tpu.memory_space<hbm>>) target(%dma_start3A_188 : memref<1x64xf32, #tpu.memory_space<hbm>>) target_semaphore(%arg16 : memref<!tpu.dma_semaphore, #tpu.memory_space<semaphore_mem>>)
          %dma_wait3A_191 = arith.constant 0 : i32
          %dma_wait3A_192 = tpu.memref_slice %arg5[%add3A_186, %dma_wait3A_191] : memref<819200x64xf32, #tpu.memory_space<hbm>> -> memref<1x64xf32, #tpu.memory_space<hbm>>
          %dma_wait3A_193 = arith.constant 0 : i32
          %dma_wait3A_194 = tpu.memref_slice %arg4[%sub3A_181, %dma_wait3A_193] : memref<1024x64xf32, #tpu.memory_space<hbm>> -> memref<1x64xf32, #tpu.memory_space<hbm>>
          tpu.wait_dma2 semaphore(%arg16 : memref<!tpu.dma_semaphore, #tpu.memory_space<semaphore_mem>>) src(%dma_wait3A_194 : memref<1x64xf32, #tpu.memory_space<hbm>>) dst(%dma_wait3A_192 : memref<1x64xf32, #tpu.memory_space<hbm>>)
        } else {
        }
        %slice3A_97 = vector.extract_strided_slice %get3A_64 {offsets = [4], sizes = [1], strides = [1]} : vector<16xi32> to vector<1xi32>
        %squeeze3A_98 = vector.extract %slice3A_97[0] : i32 from vector<1xi32>
        %ge3A_99 = arith.constant 1000000 : i32
        %ge3A_100 = arith.cmpi sge, %squeeze3A_98, %ge3A_99 : i32
        %convert_element_type3A_101 = arith.extui %ge3A_100 : i1 to i32
        %cond3A_102 = arith.constant 0 : i32
        %cond3A_103 = arith.cmpi ne, %convert_element_type3A_101, %cond3A_102 : i32
        scf.if %cond3A_103 {
          %sub3A = arith.constant 1000000 : i32
          %sub3A_181 = arith.subi %squeeze3A_98, %sub3A : i32
          %mul3A_182 = arith.constant 16 : i32
          %mul3A_183 = arith.muli %add3A_61, %mul3A_182 : i32
          %add3A_184 = arith.addi %add3A_51, %mul3A_183 : i32
          %add3A_185 = arith.constant 4 : i32
          %add3A_186 = arith.addi %add3A_184, %add3A_185 : i32
          %dma_start3A_187 = arith.constant 0 : i32
          %dma_start3A_188 = tpu.memref_slice %arg5[%add3A_186, %dma_start3A_187] : memref<819200x64xf32, #tpu.memory_space<hbm>> -> memref<1x64xf32, #tpu.memory_space<hbm>>
          %dma_start3A_189 = arith.constant 0 : i32
          %dma_start3A_190 = tpu.memref_slice %arg4[%sub3A_181, %dma_start3A_189] : memref<1024x64xf32, #tpu.memory_space<hbm>> -> memref<1x64xf32, #tpu.memory_space<hbm>>
          tpu.enqueue_dma source(%dma_start3A_190 : memref<1x64xf32, #tpu.memory_space<hbm>>) target(%dma_start3A_188 : memref<1x64xf32, #tpu.memory_space<hbm>>) target_semaphore(%arg16 : memref<!tpu.dma_semaphore, #tpu.memory_space<semaphore_mem>>)
          %dma_wait3A_191 = arith.constant 0 : i32
          %dma_wait3A_192 = tpu.memref_slice %arg5[%add3A_186, %dma_wait3A_191] : memref<819200x64xf32, #tpu.memory_space<hbm>> -> memref<1x64xf32, #tpu.memory_space<hbm>>
          %dma_wait3A_193 = arith.constant 0 : i32
          %dma_wait3A_194 = tpu.memref_slice %arg4[%sub3A_181, %dma_wait3A_193] : memref<1024x64xf32, #tpu.memory_space<hbm>> -> memref<1x64xf32, #tpu.memory_space<hbm>>
          tpu.wait_dma2 semaphore(%arg16 : memref<!tpu.dma_semaphore, #tpu.memory_space<semaphore_mem>>) src(%dma_wait3A_194 : memref<1x64xf32, #tpu.memory_space<hbm>>) dst(%dma_wait3A_192 : memref<1x64xf32, #tpu.memory_space<hbm>>)
        } else {
        }
        %slice3A_104 = vector.extract_strided_slice %get3A_64 {offsets = [5], sizes = [1], strides = [1]} : vector<16xi32> to vector<1xi32>
        %squeeze3A_105 = vector.extract %slice3A_104[0] : i32 from vector<1xi32>
        %ge3A_106 = arith.constant 1000000 : i32
        %ge3A_107 = arith.cmpi sge, %squeeze3A_105, %ge3A_106 : i32
        %convert_element_type3A_108 = arith.extui %ge3A_107 : i1 to i32
        %cond3A_109 = arith.constant 0 : i32
        %cond3A_110 = arith.cmpi ne, %convert_element_type3A_108, %cond3A_109 : i32
        scf.if %cond3A_110 {
          %sub3A = arith.constant 1000000 : i32
          %sub3A_181 = arith.subi %squeeze3A_105, %sub3A : i32
          %mul3A_182 = arith.constant 16 : i32
          %mul3A_183 = arith.muli %add3A_61, %mul3A_182 : i32
          %add3A_184 = arith.addi %add3A_51, %mul3A_183 : i32
          %add3A_185 = arith.constant 5 : i32
          %add3A_186 = arith.addi %add3A_184, %add3A_185 : i32
          %dma_start3A_187 = arith.constant 0 : i32
          %dma_start3A_188 = tpu.memref_slice %arg5[%add3A_186, %dma_start3A_187] : memref<819200x64xf32, #tpu.memory_space<hbm>> -> memref<1x64xf32, #tpu.memory_space<hbm>>
          %dma_start3A_189 = arith.constant 0 : i32
          %dma_start3A_190 = tpu.memref_slice %arg4[%sub3A_181, %dma_start3A_189] : memref<1024x64xf32, #tpu.memory_space<hbm>> -> memref<1x64xf32, #tpu.memory_space<hbm>>
          tpu.enqueue_dma source(%dma_start3A_190 : memref<1x64xf32, #tpu.memory_space<hbm>>) target(%dma_start3A_188 : memref<1x64xf32, #tpu.memory_space<hbm>>) target_semaphore(%arg16 : memref<!tpu.dma_semaphore, #tpu.memory_space<semaphore_mem>>)
          %dma_wait3A_191 = arith.constant 0 : i32
          %dma_wait3A_192 = tpu.memref_slice %arg5[%add3A_186, %dma_wait3A_191] : memref<819200x64xf32, #tpu.memory_space<hbm>> -> memref<1x64xf32, #tpu.memory_space<hbm>>
          %dma_wait3A_193 = arith.constant 0 : i32
          %dma_wait3A_194 = tpu.memref_slice %arg4[%sub3A_181, %dma_wait3A_193] : memref<1024x64xf32, #tpu.memory_space<hbm>> -> memref<1x64xf32, #tpu.memory_space<hbm>>
          tpu.wait_dma2 semaphore(%arg16 : memref<!tpu.dma_semaphore, #tpu.memory_space<semaphore_mem>>) src(%dma_wait3A_194 : memref<1x64xf32, #tpu.memory_space<hbm>>) dst(%dma_wait3A_192 : memref<1x64xf32, #tpu.memory_space<hbm>>)
        } else {
        }
        %slice3A_111 = vector.extract_strided_slice %get3A_64 {offsets = [6], sizes = [1], strides = [1]} : vector<16xi32> to vector<1xi32>
        %squeeze3A_112 = vector.extract %slice3A_111[0] : i32 from vector<1xi32>
        %ge3A_113 = arith.constant 1000000 : i32
        %ge3A_114 = arith.cmpi sge, %squeeze3A_112, %ge3A_113 : i32
        %convert_element_type3A_115 = arith.extui %ge3A_114 : i1 to i32
        %cond3A_116 = arith.constant 0 : i32
        %cond3A_117 = arith.cmpi ne, %convert_element_type3A_115, %cond3A_116 : i32
        scf.if %cond3A_117 {
          %sub3A = arith.constant 1000000 : i32
          %sub3A_181 = arith.subi %squeeze3A_112, %sub3A : i32
          %mul3A_182 = arith.constant 16 : i32
          %mul3A_183 = arith.muli %add3A_61, %mul3A_182 : i32
          %add3A_184 = arith.addi %add3A_51, %mul3A_183 : i32
          %add3A_185 = arith.constant 6 : i32
          %add3A_186 = arith.addi %add3A_184, %add3A_185 : i32
          %dma_start3A_187 = arith.constant 0 : i32
          %dma_start3A_188 = tpu.memref_slice %arg5[%add3A_186, %dma_start3A_187] : memref<819200x64xf32, #tpu.memory_space<hbm>> -> memref<1x64xf32, #tpu.memory_space<hbm>>
          %dma_start3A_189 = arith.constant 0 : i32
          %dma_start3A_190 = tpu.memref_slice %arg4[%sub3A_181, %dma_start3A_189] : memref<1024x64xf32, #tpu.memory_space<hbm>> -> memref<1x64xf32, #tpu.memory_space<hbm>>
          tpu.enqueue_dma source(%dma_start3A_190 : memref<1x64xf32, #tpu.memory_space<hbm>>) target(%dma_start3A_188 : memref<1x64xf32, #tpu.memory_space<hbm>>) target_semaphore(%arg16 : memref<!tpu.dma_semaphore, #tpu.memory_space<semaphore_mem>>)
          %dma_wait3A_191 = arith.constant 0 : i32
          %dma_wait3A_192 = tpu.memref_slice %arg5[%add3A_186, %dma_wait3A_191] : memref<819200x64xf32, #tpu.memory_space<hbm>> -> memref<1x64xf32, #tpu.memory_space<hbm>>
          %dma_wait3A_193 = arith.constant 0 : i32
          %dma_wait3A_194 = tpu.memref_slice %arg4[%sub3A_181, %dma_wait3A_193] : memref<1024x64xf32, #tpu.memory_space<hbm>> -> memref<1x64xf32, #tpu.memory_space<hbm>>
          tpu.wait_dma2 semaphore(%arg16 : memref<!tpu.dma_semaphore, #tpu.memory_space<semaphore_mem>>) src(%dma_wait3A_194 : memref<1x64xf32, #tpu.memory_space<hbm>>) dst(%dma_wait3A_192 : memref<1x64xf32, #tpu.memory_space<hbm>>)
        } else {
        }
        %slice3A_118 = vector.extract_strided_slice %get3A_64 {offsets = [7], sizes = [1], strides = [1]} : vector<16xi32> to vector<1xi32>
        %squeeze3A_119 = vector.extract %slice3A_118[0] : i32 from vector<1xi32>
        %ge3A_120 = arith.constant 1000000 : i32
        %ge3A_121 = arith.cmpi sge, %squeeze3A_119, %ge3A_120 : i32
        %convert_element_type3A_122 = arith.extui %ge3A_121 : i1 to i32
        %cond3A_123 = arith.constant 0 : i32
        %cond3A_124 = arith.cmpi ne, %convert_element_type3A_122, %cond3A_123 : i32
        scf.if %cond3A_124 {
          %sub3A = arith.constant 1000000 : i32
          %sub3A_181 = arith.subi %squeeze3A_119, %sub3A : i32
          %mul3A_182 = arith.constant 16 : i32
          %mul3A_183 = arith.muli %add3A_61, %mul3A_182 : i32
          %add3A_184 = arith.addi %add3A_51, %mul3A_183 : i32
          %add3A_185 = arith.constant 7 : i32
          %add3A_186 = arith.addi %add3A_184, %add3A_185 : i32
          %dma_start3A_187 = arith.constant 0 : i32
          %dma_start3A_188 = tpu.memref_slice %arg5[%add3A_186, %dma_start3A_187] : memref<819200x64xf32, #tpu.memory_space<hbm>> -> memref<1x64xf32, #tpu.memory_space<hbm>>
          %dma_start3A_189 = arith.constant 0 : i32
          %dma_start3A_190 = tpu.memref_slice %arg4[%sub3A_181, %dma_start3A_189] : memref<1024x64xf32, #tpu.memory_space<hbm>> -> memref<1x64xf32, #tpu.memory_space<hbm>>
          tpu.enqueue_dma source(%dma_start3A_190 : memref<1x64xf32, #tpu.memory_space<hbm>>) target(%dma_start3A_188 : memref<1x64xf32, #tpu.memory_space<hbm>>) target_semaphore(%arg16 : memref<!tpu.dma_semaphore, #tpu.memory_space<semaphore_mem>>)
          %dma_wait3A_191 = arith.constant 0 : i32
          %dma_wait3A_192 = tpu.memref_slice %arg5[%add3A_186, %dma_wait3A_191] : memref<819200x64xf32, #tpu.memory_space<hbm>> -> memref<1x64xf32, #tpu.memory_space<hbm>>
          %dma_wait3A_193 = arith.constant 0 : i32
          %dma_wait3A_194 = tpu.memref_slice %arg4[%sub3A_181, %dma_wait3A_193] : memref<1024x64xf32, #tpu.memory_space<hbm>> -> memref<1x64xf32, #tpu.memory_space<hbm>>
          tpu.wait_dma2 semaphore(%arg16 : memref<!tpu.dma_semaphore, #tpu.memory_space<semaphore_mem>>) src(%dma_wait3A_194 : memref<1x64xf32, #tpu.memory_space<hbm>>) dst(%dma_wait3A_192 : memref<1x64xf32, #tpu.memory_space<hbm>>)
        } else {
        }
        %slice3A_125 = vector.extract_strided_slice %get3A_64 {offsets = [8], sizes = [1], strides = [1]} : vector<16xi32> to vector<1xi32>
        %squeeze3A_126 = vector.extract %slice3A_125[0] : i32 from vector<1xi32>
        %ge3A_127 = arith.constant 1000000 : i32
        %ge3A_128 = arith.cmpi sge, %squeeze3A_126, %ge3A_127 : i32
        %convert_element_type3A_129 = arith.extui %ge3A_128 : i1 to i32
        %cond3A_130 = arith.constant 0 : i32
        %cond3A_131 = arith.cmpi ne, %convert_element_type3A_129, %cond3A_130 : i32
        scf.if %cond3A_131 {
          %sub3A = arith.constant 1000000 : i32
          %sub3A_181 = arith.subi %squeeze3A_126, %sub3A : i32
          %mul3A_182 = arith.constant 16 : i32
          %mul3A_183 = arith.muli %add3A_61, %mul3A_182 : i32
          %add3A_184 = arith.addi %add3A_51, %mul3A_183 : i32
          %add3A_185 = arith.constant 8 : i32
          %add3A_186 = arith.addi %add3A_184, %add3A_185 : i32
          %dma_start3A_187 = arith.constant 0 : i32
          %dma_start3A_188 = tpu.memref_slice %arg5[%add3A_186, %dma_start3A_187] : memref<819200x64xf32, #tpu.memory_space<hbm>> -> memref<1x64xf32, #tpu.memory_space<hbm>>
          %dma_start3A_189 = arith.constant 0 : i32
          %dma_start3A_190 = tpu.memref_slice %arg4[%sub3A_181, %dma_start3A_189] : memref<1024x64xf32, #tpu.memory_space<hbm>> -> memref<1x64xf32, #tpu.memory_space<hbm>>
          tpu.enqueue_dma source(%dma_start3A_190 : memref<1x64xf32, #tpu.memory_space<hbm>>) target(%dma_start3A_188 : memref<1x64xf32, #tpu.memory_space<hbm>>) target_semaphore(%arg16 : memref<!tpu.dma_semaphore, #tpu.memory_space<semaphore_mem>>)
          %dma_wait3A_191 = arith.constant 0 : i32
          %dma_wait3A_192 = tpu.memref_slice %arg5[%add3A_186, %dma_wait3A_191] : memref<819200x64xf32, #tpu.memory_space<hbm>> -> memref<1x64xf32, #tpu.memory_space<hbm>>
          %dma_wait3A_193 = arith.constant 0 : i32
          %dma_wait3A_194 = tpu.memref_slice %arg4[%sub3A_181, %dma_wait3A_193] : memref<1024x64xf32, #tpu.memory_space<hbm>> -> memref<1x64xf32, #tpu.memory_space<hbm>>
          tpu.wait_dma2 semaphore(%arg16 : memref<!tpu.dma_semaphore, #tpu.memory_space<semaphore_mem>>) src(%dma_wait3A_194 : memref<1x64xf32, #tpu.memory_space<hbm>>) dst(%dma_wait3A_192 : memref<1x64xf32, #tpu.memory_space<hbm>>)
        } else {
        }
        %slice3A_132 = vector.extract_strided_slice %get3A_64 {offsets = [9], sizes = [1], strides = [1]} : vector<16xi32> to vector<1xi32>
        %squeeze3A_133 = vector.extract %slice3A_132[0] : i32 from vector<1xi32>
        %ge3A_134 = arith.constant 1000000 : i32
        %ge3A_135 = arith.cmpi sge, %squeeze3A_133, %ge3A_134 : i32
        %convert_element_type3A_136 = arith.extui %ge3A_135 : i1 to i32
        %cond3A_137 = arith.constant 0 : i32
        %cond3A_138 = arith.cmpi ne, %convert_element_type3A_136, %cond3A_137 : i32
        scf.if %cond3A_138 {
          %sub3A = arith.constant 1000000 : i32
          %sub3A_181 = arith.subi %squeeze3A_133, %sub3A : i32
          %mul3A_182 = arith.constant 16 : i32
          %mul3A_183 = arith.muli %add3A_61, %mul3A_182 : i32
          %add3A_184 = arith.addi %add3A_51, %mul3A_183 : i32
          %add3A_185 = arith.constant 9 : i32
          %add3A_186 = arith.addi %add3A_184, %add3A_185 : i32
          %dma_start3A_187 = arith.constant 0 : i32
          %dma_start3A_188 = tpu.memref_slice %arg5[%add3A_186, %dma_start3A_187] : memref<819200x64xf32, #tpu.memory_space<hbm>> -> memref<1x64xf32, #tpu.memory_space<hbm>>
          %dma_start3A_189 = arith.constant 0 : i32
          %dma_start3A_190 = tpu.memref_slice %arg4[%sub3A_181, %dma_start3A_189] : memref<1024x64xf32, #tpu.memory_space<hbm>> -> memref<1x64xf32, #tpu.memory_space<hbm>>
          tpu.enqueue_dma source(%dma_start3A_190 : memref<1x64xf32, #tpu.memory_space<hbm>>) target(%dma_start3A_188 : memref<1x64xf32, #tpu.memory_space<hbm>>) target_semaphore(%arg16 : memref<!tpu.dma_semaphore, #tpu.memory_space<semaphore_mem>>)
          %dma_wait3A_191 = arith.constant 0 : i32
          %dma_wait3A_192 = tpu.memref_slice %arg5[%add3A_186, %dma_wait3A_191] : memref<819200x64xf32, #tpu.memory_space<hbm>> -> memref<1x64xf32, #tpu.memory_space<hbm>>
          %dma_wait3A_193 = arith.constant 0 : i32
          %dma_wait3A_194 = tpu.memref_slice %arg4[%sub3A_181, %dma_wait3A_193] : memref<1024x64xf32, #tpu.memory_space<hbm>> -> memref<1x64xf32, #tpu.memory_space<hbm>>
          tpu.wait_dma2 semaphore(%arg16 : memref<!tpu.dma_semaphore, #tpu.memory_space<semaphore_mem>>) src(%dma_wait3A_194 : memref<1x64xf32, #tpu.memory_space<hbm>>) dst(%dma_wait3A_192 : memref<1x64xf32, #tpu.memory_space<hbm>>)
        } else {
        }
        %slice3A_139 = vector.extract_strided_slice %get3A_64 {offsets = [10], sizes = [1], strides = [1]} : vector<16xi32> to vector<1xi32>
        %squeeze3A_140 = vector.extract %slice3A_139[0] : i32 from vector<1xi32>
        %ge3A_141 = arith.constant 1000000 : i32
        %ge3A_142 = arith.cmpi sge, %squeeze3A_140, %ge3A_141 : i32
        %convert_element_type3A_143 = arith.extui %ge3A_142 : i1 to i32
        %cond3A_144 = arith.constant 0 : i32
        %cond3A_145 = arith.cmpi ne, %convert_element_type3A_143, %cond3A_144 : i32
        scf.if %cond3A_145 {
          %sub3A = arith.constant 1000000 : i32
          %sub3A_181 = arith.subi %squeeze3A_140, %sub3A : i32
          %mul3A_182 = arith.constant 16 : i32
          %mul3A_183 = arith.muli %add3A_61, %mul3A_182 : i32
          %add3A_184 = arith.addi %add3A_51, %mul3A_183 : i32
          %add3A_185 = arith.constant 10 : i32
          %add3A_186 = arith.addi %add3A_184, %add3A_185 : i32
          %dma_start3A_187 = arith.constant 0 : i32
          %dma_start3A_188 = tpu.memref_slice %arg5[%add3A_186, %dma_start3A_187] : memref<819200x64xf32, #tpu.memory_space<hbm>> -> memref<1x64xf32, #tpu.memory_space<hbm>>
          %dma_start3A_189 = arith.constant 0 : i32
          %dma_start3A_190 = tpu.memref_slice %arg4[%sub3A_181, %dma_start3A_189] : memref<1024x64xf32, #tpu.memory_space<hbm>> -> memref<1x64xf32, #tpu.memory_space<hbm>>
          tpu.enqueue_dma source(%dma_start3A_190 : memref<1x64xf32, #tpu.memory_space<hbm>>) target(%dma_start3A_188 : memref<1x64xf32, #tpu.memory_space<hbm>>) target_semaphore(%arg16 : memref<!tpu.dma_semaphore, #tpu.memory_space<semaphore_mem>>)
          %dma_wait3A_191 = arith.constant 0 : i32
          %dma_wait3A_192 = tpu.memref_slice %arg5[%add3A_186, %dma_wait3A_191] : memref<819200x64xf32, #tpu.memory_space<hbm>> -> memref<1x64xf32, #tpu.memory_space<hbm>>
          %dma_wait3A_193 = arith.constant 0 : i32
          %dma_wait3A_194 = tpu.memref_slice %arg4[%sub3A_181, %dma_wait3A_193] : memref<1024x64xf32, #tpu.memory_space<hbm>> -> memref<1x64xf32, #tpu.memory_space<hbm>>
          tpu.wait_dma2 semaphore(%arg16 : memref<!tpu.dma_semaphore, #tpu.memory_space<semaphore_mem>>) src(%dma_wait3A_194 : memref<1x64xf32, #tpu.memory_space<hbm>>) dst(%dma_wait3A_192 : memref<1x64xf32, #tpu.memory_space<hbm>>)
        } else {
        }
        %slice3A_146 = vector.extract_strided_slice %get3A_64 {offsets = [11], sizes = [1], strides = [1]} : vector<16xi32> to vector<1xi32>
        %squeeze3A_147 = vector.extract %slice3A_146[0] : i32 from vector<1xi32>
        %ge3A_148 = arith.constant 1000000 : i32
        %ge3A_149 = arith.cmpi sge, %squeeze3A_147, %ge3A_148 : i32
        %convert_element_type3A_150 = arith.extui %ge3A_149 : i1 to i32
        %cond3A_151 = arith.constant 0 : i32
        %cond3A_152 = arith.cmpi ne, %convert_element_type3A_150, %cond3A_151 : i32
        scf.if %cond3A_152 {
          %sub3A = arith.constant 1000000 : i32
          %sub3A_181 = arith.subi %squeeze3A_147, %sub3A : i32
          %mul3A_182 = arith.constant 16 : i32
          %mul3A_183 = arith.muli %add3A_61, %mul3A_182 : i32
          %add3A_184 = arith.addi %add3A_51, %mul3A_183 : i32
          %add3A_185 = arith.constant 11 : i32
          %add3A_186 = arith.addi %add3A_184, %add3A_185 : i32
          %dma_start3A_187 = arith.constant 0 : i32
          %dma_start3A_188 = tpu.memref_slice %arg5[%add3A_186, %dma_start3A_187] : memref<819200x64xf32, #tpu.memory_space<hbm>> -> memref<1x64xf32, #tpu.memory_space<hbm>>
          %dma_start3A_189 = arith.constant 0 : i32
          %dma_start3A_190 = tpu.memref_slice %arg4[%sub3A_181, %dma_start3A_189] : memref<1024x64xf32, #tpu.memory_space<hbm>> -> memref<1x64xf32, #tpu.memory_space<hbm>>
          tpu.enqueue_dma source(%dma_start3A_190 : memref<1x64xf32, #tpu.memory_space<hbm>>) target(%dma_start3A_188 : memref<1x64xf32, #tpu.memory_space<hbm>>) target_semaphore(%arg16 : memref<!tpu.dma_semaphore, #tpu.memory_space<semaphore_mem>>)
          %dma_wait3A_191 = arith.constant 0 : i32
          %dma_wait3A_192 = tpu.memref_slice %arg5[%add3A_186, %dma_wait3A_191] : memref<819200x64xf32, #tpu.memory_space<hbm>> -> memref<1x64xf32, #tpu.memory_space<hbm>>
          %dma_wait3A_193 = arith.constant 0 : i32
          %dma_wait3A_194 = tpu.memref_slice %arg4[%sub3A_181, %dma_wait3A_193] : memref<1024x64xf32, #tpu.memory_space<hbm>> -> memref<1x64xf32, #tpu.memory_space<hbm>>
          tpu.wait_dma2 semaphore(%arg16 : memref<!tpu.dma_semaphore, #tpu.memory_space<semaphore_mem>>) src(%dma_wait3A_194 : memref<1x64xf32, #tpu.memory_space<hbm>>) dst(%dma_wait3A_192 : memref<1x64xf32, #tpu.memory_space<hbm>>)
        } else {
        }
        %slice3A_153 = vector.extract_strided_slice %get3A_64 {offsets = [12], sizes = [1], strides = [1]} : vector<16xi32> to vector<1xi32>
        %squeeze3A_154 = vector.extract %slice3A_153[0] : i32 from vector<1xi32>
        %ge3A_155 = arith.constant 1000000 : i32
        %ge3A_156 = arith.cmpi sge, %squeeze3A_154, %ge3A_155 : i32
        %convert_element_type3A_157 = arith.extui %ge3A_156 : i1 to i32
        %cond3A_158 = arith.constant 0 : i32
        %cond3A_159 = arith.cmpi ne, %convert_element_type3A_157, %cond3A_158 : i32
        scf.if %cond3A_159 {
          %sub3A = arith.constant 1000000 : i32
          %sub3A_181 = arith.subi %squeeze3A_154, %sub3A : i32
          %mul3A_182 = arith.constant 16 : i32
          %mul3A_183 = arith.muli %add3A_61, %mul3A_182 : i32
          %add3A_184 = arith.addi %add3A_51, %mul3A_183 : i32
          %add3A_185 = arith.constant 12 : i32
          %add3A_186 = arith.addi %add3A_184, %add3A_185 : i32
          %dma_start3A_187 = arith.constant 0 : i32
          %dma_start3A_188 = tpu.memref_slice %arg5[%add3A_186, %dma_start3A_187] : memref<819200x64xf32, #tpu.memory_space<hbm>> -> memref<1x64xf32, #tpu.memory_space<hbm>>
          %dma_start3A_189 = arith.constant 0 : i32
          %dma_start3A_190 = tpu.memref_slice %arg4[%sub3A_181, %dma_start3A_189] : memref<1024x64xf32, #tpu.memory_space<hbm>> -> memref<1x64xf32, #tpu.memory_space<hbm>>
          tpu.enqueue_dma source(%dma_start3A_190 : memref<1x64xf32, #tpu.memory_space<hbm>>) target(%dma_start3A_188 : memref<1x64xf32, #tpu.memory_space<hbm>>) target_semaphore(%arg16 : memref<!tpu.dma_semaphore, #tpu.memory_space<semaphore_mem>>)
          %dma_wait3A_191 = arith.constant 0 : i32
          %dma_wait3A_192 = tpu.memref_slice %arg5[%add3A_186, %dma_wait3A_191] : memref<819200x64xf32, #tpu.memory_space<hbm>> -> memref<1x64xf32, #tpu.memory_space<hbm>>
          %dma_wait3A_193 = arith.constant 0 : i32
          %dma_wait3A_194 = tpu.memref_slice %arg4[%sub3A_181, %dma_wait3A_193] : memref<1024x64xf32, #tpu.memory_space<hbm>> -> memref<1x64xf32, #tpu.memory_space<hbm>>
          tpu.wait_dma2 semaphore(%arg16 : memref<!tpu.dma_semaphore, #tpu.memory_space<semaphore_mem>>) src(%dma_wait3A_194 : memref<1x64xf32, #tpu.memory_space<hbm>>) dst(%dma_wait3A_192 : memref<1x64xf32, #tpu.memory_space<hbm>>)
        } else {
        }
        %slice3A_160 = vector.extract_strided_slice %get3A_64 {offsets = [13], sizes = [1], strides = [1]} : vector<16xi32> to vector<1xi32>
        %squeeze3A_161 = vector.extract %slice3A_160[0] : i32 from vector<1xi32>
        %ge3A_162 = arith.constant 1000000 : i32
        %ge3A_163 = arith.cmpi sge, %squeeze3A_161, %ge3A_162 : i32
        %convert_element_type3A_164 = arith.extui %ge3A_163 : i1 to i32
        %cond3A_165 = arith.constant 0 : i32
        %cond3A_166 = arith.cmpi ne, %convert_element_type3A_164, %cond3A_165 : i32
        scf.if %cond3A_166 {
          %sub3A = arith.constant 1000000 : i32
          %sub3A_181 = arith.subi %squeeze3A_161, %sub3A : i32
          %mul3A_182 = arith.constant 16 : i32
          %mul3A_183 = arith.muli %add3A_61, %mul3A_182 : i32
          %add3A_184 = arith.addi %add3A_51, %mul3A_183 : i32
          %add3A_185 = arith.constant 13 : i32
          %add3A_186 = arith.addi %add3A_184, %add3A_185 : i32
          %dma_start3A_187 = arith.constant 0 : i32
          %dma_start3A_188 = tpu.memref_slice %arg5[%add3A_186, %dma_start3A_187] : memref<819200x64xf32, #tpu.memory_space<hbm>> -> memref<1x64xf32, #tpu.memory_space<hbm>>
          %dma_start3A_189 = arith.constant 0 : i32
          %dma_start3A_190 = tpu.memref_slice %arg4[%sub3A_181, %dma_start3A_189] : memref<1024x64xf32, #tpu.memory_space<hbm>> -> memref<1x64xf32, #tpu.memory_space<hbm>>
          tpu.enqueue_dma source(%dma_start3A_190 : memref<1x64xf32, #tpu.memory_space<hbm>>) target(%dma_start3A_188 : memref<1x64xf32, #tpu.memory_space<hbm>>) target_semaphore(%arg16 : memref<!tpu.dma_semaphore, #tpu.memory_space<semaphore_mem>>)
          %dma_wait3A_191 = arith.constant 0 : i32
          %dma_wait3A_192 = tpu.memref_slice %arg5[%add3A_186, %dma_wait3A_191] : memref<819200x64xf32, #tpu.memory_space<hbm>> -> memref<1x64xf32, #tpu.memory_space<hbm>>
          %dma_wait3A_193 = arith.constant 0 : i32
          %dma_wait3A_194 = tpu.memref_slice %arg4[%sub3A_181, %dma_wait3A_193] : memref<1024x64xf32, #tpu.memory_space<hbm>> -> memref<1x64xf32, #tpu.memory_space<hbm>>
          tpu.wait_dma2 semaphore(%arg16 : memref<!tpu.dma_semaphore, #tpu.memory_space<semaphore_mem>>) src(%dma_wait3A_194 : memref<1x64xf32, #tpu.memory_space<hbm>>) dst(%dma_wait3A_192 : memref<1x64xf32, #tpu.memory_space<hbm>>)
        } else {
        }
        %slice3A_167 = vector.extract_strided_slice %get3A_64 {offsets = [14], sizes = [1], strides = [1]} : vector<16xi32> to vector<1xi32>
        %squeeze3A_168 = vector.extract %slice3A_167[0] : i32 from vector<1xi32>
        %ge3A_169 = arith.constant 1000000 : i32
        %ge3A_170 = arith.cmpi sge, %squeeze3A_168, %ge3A_169 : i32
        %convert_element_type3A_171 = arith.extui %ge3A_170 : i1 to i32
        %cond3A_172 = arith.constant 0 : i32
        %cond3A_173 = arith.cmpi ne, %convert_element_type3A_171, %cond3A_172 : i32
        scf.if %cond3A_173 {
          %sub3A = arith.constant 1000000 : i32
          %sub3A_181 = arith.subi %squeeze3A_168, %sub3A : i32
          %mul3A_182 = arith.constant 16 : i32
          %mul3A_183 = arith.muli %add3A_61, %mul3A_182 : i32
          %add3A_184 = arith.addi %add3A_51, %mul3A_183 : i32
          %add3A_185 = arith.constant 14 : i32
          %add3A_186 = arith.addi %add3A_184, %add3A_185 : i32
          %dma_start3A_187 = arith.constant 0 : i32
          %dma_start3A_188 = tpu.memref_slice %arg5[%add3A_186, %dma_start3A_187] : memref<819200x64xf32, #tpu.memory_space<hbm>> -> memref<1x64xf32, #tpu.memory_space<hbm>>
          %dma_start3A_189 = arith.constant 0 : i32
          %dma_start3A_190 = tpu.memref_slice %arg4[%sub3A_181, %dma_start3A_189] : memref<1024x64xf32, #tpu.memory_space<hbm>> -> memref<1x64xf32, #tpu.memory_space<hbm>>
          tpu.enqueue_dma source(%dma_start3A_190 : memref<1x64xf32, #tpu.memory_space<hbm>>) target(%dma_start3A_188 : memref<1x64xf32, #tpu.memory_space<hbm>>) target_semaphore(%arg16 : memref<!tpu.dma_semaphore, #tpu.memory_space<semaphore_mem>>)
          %dma_wait3A_191 = arith.constant 0 : i32
          %dma_wait3A_192 = tpu.memref_slice %arg5[%add3A_186, %dma_wait3A_191] : memref<819200x64xf32, #tpu.memory_space<hbm>> -> memref<1x64xf32, #tpu.memory_space<hbm>>
          %dma_wait3A_193 = arith.constant 0 : i32
          %dma_wait3A_194 = tpu.memref_slice %arg4[%sub3A_181, %dma_wait3A_193] : memref<1024x64xf32, #tpu.memory_space<hbm>> -> memref<1x64xf32, #tpu.memory_space<hbm>>
          tpu.wait_dma2 semaphore(%arg16 : memref<!tpu.dma_semaphore, #tpu.memory_space<semaphore_mem>>) src(%dma_wait3A_194 : memref<1x64xf32, #tpu.memory_space<hbm>>) dst(%dma_wait3A_192 : memref<1x64xf32, #tpu.memory_space<hbm>>)
        } else {
        }
        %slice3A_174 = vector.extract_strided_slice %get3A_64 {offsets = [15], sizes = [1], strides = [1]} : vector<16xi32> to vector<1xi32>
        %squeeze3A_175 = vector.extract %slice3A_174[0] : i32 from vector<1xi32>
        %ge3A_176 = arith.constant 1000000 : i32
        %ge3A_177 = arith.cmpi sge, %squeeze3A_175, %ge3A_176 : i32
        %convert_element_type3A_178 = arith.extui %ge3A_177 : i1 to i32
        %cond3A_179 = arith.constant 0 : i32
        %cond3A_180 = arith.cmpi ne, %convert_element_type3A_178, %cond3A_179 : i32
        scf.if %cond3A_180 {
          %sub3A = arith.constant 1000000 : i32
          %sub3A_181 = arith.subi %squeeze3A_175, %sub3A : i32
          %mul3A_182 = arith.constant 16 : i32
          %mul3A_183 = arith.muli %add3A_61, %mul3A_182 : i32
          %add3A_184 = arith.addi %add3A_51, %mul3A_183 : i32
          %add3A_185 = arith.constant 15 : i32
          %add3A_186 = arith.addi %add3A_184, %add3A_185 : i32
          %dma_start3A_187 = arith.constant 0 : i32
          %dma_start3A_188 = tpu.memref_slice %arg5[%add3A_186, %dma_start3A_187] : memref<819200x64xf32, #tpu.memory_space<hbm>> -> memref<1x64xf32, #tpu.memory_space<hbm>>
          %dma_start3A_189 = arith.constant 0 : i32
          %dma_start3A_190 = tpu.memref_slice %arg4[%sub3A_181, %dma_start3A_189] : memref<1024x64xf32, #tpu.memory_space<hbm>> -> memref<1x64xf32, #tpu.memory_space<hbm>>
          tpu.enqueue_dma source(%dma_start3A_190 : memref<1x64xf32, #tpu.memory_space<hbm>>) target(%dma_start3A_188 : memref<1x64xf32, #tpu.memory_space<hbm>>) target_semaphore(%arg16 : memref<!tpu.dma_semaphore, #tpu.memory_space<semaphore_mem>>)
          %dma_wait3A_191 = arith.constant 0 : i32
          %dma_wait3A_192 = tpu.memref_slice %arg5[%add3A_186, %dma_wait3A_191] : memref<819200x64xf32, #tpu.memory_space<hbm>> -> memref<1x64xf32, #tpu.memory_space<hbm>>
          %dma_wait3A_193 = arith.constant 0 : i32
          %dma_wait3A_194 = tpu.memref_slice %arg4[%sub3A_181, %dma_wait3A_193] : memref<1024x64xf32, #tpu.memory_space<hbm>> -> memref<1x64xf32, #tpu.memory_space<hbm>>
          tpu.wait_dma2 semaphore(%arg16 : memref<!tpu.dma_semaphore, #tpu.memory_space<semaphore_mem>>) src(%dma_wait3A_194 : memref<1x64xf32, #tpu.memory_space<hbm>>) dst(%dma_wait3A_192 : memref<1x64xf32, #tpu.memory_space<hbm>>)
        } else {
        }
      } else {
      }
    }
    %scan3A_56 = arith.constant 32 : i32
    return
  }
}

</mosaic_0001>

<sc_bundles>
// kernel: kernel.3.cloned.1.call-start
scs
__scs_entry_jumppad:
0x0: {  	(pc) =	sbr.rel $0x88, $3  }
0x1: {  	(tag) =	ssettag $0x0;
	lr =	simm.s32 $0x1  }
0x2: {  	[smem:$0x3F9E] =	sst lr;
	_ =	strace $0xD0000000  }
0x3: {  	_ = 	snop  }
0x4: {  	_ = 	snop  }
0x5: {  	_ = 	snop  }
0x6: {  	_ = 	snop  }
0x7: {  	_ = 	snop  }
__scs_overlays_trampoline_lowered:
0x8: {  	[smem:$0x3FAD] =	sst s0  }
0x9: {  	[smem:$0x3FAE] =	sst s1  }
0xa: {  	[smem:$0x3FAF] =	sst s2  }
0xb: {  	[smem:$0x3FB0] =	sst s3  }
0xc: {  	[smem:$0x3FB1] =	sst s4  }
0xd: {  	[smem:$0x3FB2] =	sst s5  }
0xe: {  	[smem:$0x3FB3] =	sst s6  }
0xf: {  	[smem:$0x3FB4] =	sst s7  }
0x10: {  	[smem:$0x3FB5] =	sst s8  }
0x11: {  	[smem:$0x3FB6] =	sst s9;
	s0 =	simm.s32 @!p0 $0x0  }
0x12: {  	s1 =	sld [smem:$0x3F9C];
	s0 =	simm.s32 @p0 $0x1  }
0x13: {  	[smem:$0x3FB7] =	sst s0;
	s0 =	simm.s32 @!p1 $0x0  }
0x14: {  	s2 =	sld [smem:$0x3F9B];
	s0 =	simm.s32 @p1 $0x1  }
0x15: {  	[smem:$0x3FB8] =	sst s0;
	s0 =	simm.s32 @!p2 $0x0  }
0x16: {  	s3 =	sld [smem:$0x3FDB];
	s0 =	simm.s32 @p2 $0x1  }
0x17: {  	s4 =	simm.s32 $0x1BF5;
	[smem:$0x3FBA] =	sst s0  }
0x18: {  	s0 =	sld [smem:$0x3F9D];
	_ =	swait.ge [sflag:s4], $0x0  }
0x19: {  	s7 =	sld [smem:$0x3F9E]  }
0x1a: {  	s8 =	sadd.s32 $0xFFFFE003, lr  }
0x1b: {  	s9 =	sadd.s32 $0xFFFFFEF7, lr;
	s5 =	simm.s32 $0xFFFFFFFF;
	p2 =	slt.u32 s8, $0xFFFFF086  }
0x1c: {  	p1 =	slt.u32 s9, $0xF7A;
	s5 =	simm.s32 @!p2 $0x0  }
0x1d: {  	s5 =	simm.s32 @p1 $0x1;
	p0 =	seq.s32 s7, s2  }
0x1e: {  	s7 =	smul.u32 @!p0 $0xF7A, s2;
	p2 =	seq.s32 @!p0 s5, $0x0  }
0x1f: {  	s9 =	smul.u32 $0xF7A, s1;
	s8 =	simm.s32 @!p0 $0x1BF5;
	p2 =	por !p2, p0  }
0x20: {  	[sflag:s8] =	ssyncset.s32 @!p0 $0xFFFFF086;
	s6 =	sadd.s32 @!p0 s3, s7;
	s7 =	simm.s32 @!p0 $0x108  }
0x21: {  	s3 =	sadd.s32 s3, s9;
	s6 =	sadd.s32 @!p0 $0x88, s6;
	s7 =	simm.s32 @p2 $0x1082  }
0x22: {  	[simem:s7], [sflag:s8] =	dma.local @!p0 [hbm:s6], $0xF7A  }
0x23: {  	s9 =	sor.u32 $0xD0000000, s2;
	s6 =	simm.s32 $0x108;
	_ =	swait.ge @!p0 [sflag:s8], $0x0  }
0x24: {  	s3 =	sadd.s32 $0x88, s3;
	s6 =	simm.s32 @!p1 $0x1082;
	[sflag:s4] =	ssyncset.s32 $0xFFFFF086  }
0x25: {  	[simem:s6], [sflag:s4] =	dma.local [hbm:s3], $0xF7A  }
0x26: {  	[smem:$0x3F9E] =	sst s1;
	(tag) =	ssettag s2;
	_ =	strace s9  }
0x27: {  	s1 =	sld [smem:$0x3FAE]  }
0x28: {  	s2 =	sld [smem:$0x3FAF]  }
0x29: {  	s4 =	sld [smem:$0x3FB1]  }
0x2a: {  	p0 =	seq.s32 s5, $0x0;
	s5 =	sld [smem:$0x3FB2]  }
0x2b: {  	s6 =	sld [smem:$0x3FB3]  }
0x2c: {  	s7 =	sld [smem:$0x3FB4]  }
0x2d: {  	s3 =	simm.s32 $0x108;
	s8 =	sld [smem:$0x3FB5]  }
0x2e: {  	s3 =	simm.s32 @!p0 $0x1082;
	s9 =	sld [smem:$0x3FB6]  }
0x2f: {  	lr =	sadd.s32 s0, s3;
	s0 =	sld [smem:$0x3FAD]  }
0x30: {  	s3 =	sld [smem:$0x3FB0]  }
0x31: {  	[smem:$0x3FB9] =	sst s10  }
0x32: {  	s10 =	sld [smem:$0x3FB7];
	_ =	sdelay $0x3  }
0x33: {  	p0 =	seq.s32 s10, $0x1;
	s10 =	sld [smem:$0x3FB9];
	_ =	sdelay $0x3  }
0x34: {  	[smem:$0x3FB9] =	sst s10  }
0x35: {  	s10 =	sld [smem:$0x3FB8];
	_ =	sdelay $0x3  }
0x36: {  	p1 =	seq.s32 s10, $0x1;
	s10 =	sld [smem:$0x3FB9];
	_ =	sdelay $0x3  }
0x37: {  	[smem:$0x3FB9] =	sst s10  }
0x38: {  	s10 =	sld [smem:$0x3FBA]  }
0x39: {  	_ = 	snop;
	(pc) =	sbr.ind lr, $3  }
0x3a: {  	_ = 	snop  }
0x3b: {  	_ = 	snop  }
0x3c: {  	p2 =	seq.s32 s10, $0x1;
	s10 =	sld [smem:$0x3FB9]  }
0x3d: {  	_ =	shalt  }
0x3e: {  	_ =	shalt  }
0x3f: {  	_ =	shalt  }
0x40: {  	_ =	shalt  }
0x41: {  	_ =	shalt  }
0x42: {  	_ =	shalt  }
0x43: {  	_ =	shalt  }
0x44: {  	_ =	shalt  }
0x45: {  	_ =	shalt  }
0x46: {  	_ =	shalt  }
0x47: {  	_ =	shalt  }
0x48: {  	_ =	shalt  }
0x49: {  	_ =	shalt  }
0x4a: {  	_ =	shalt  }
0x4b: {  	_ =	shalt  }
0x4c: {  	_ =	shalt  }
0x4d: {  	_ =	shalt  }
0x4e: {  	_ =	shalt  }
0x4f: {  	_ =	shalt  }
0x50: {  	_ =	shalt  }
0x51: {  	_ =	shalt  }
0x52: {  	_ =	shalt  }
0x53: {  	_ =	shalt  }
0x54: {  	_ =	shalt  }
0x55: {  	_ =	shalt  }
0x56: {  	_ =	shalt  }
0x57: {  	_ =	shalt  }
0x58: {  	_ =	shalt  }
0x59: {  	_ =	shalt  }
0x5a: {  	_ =	shalt  }
0x5b: {  	_ =	shalt  }
0x5c: {  	_ =	shalt  }
0x5d: {  	_ =	shalt  }
0x5e: {  	_ =	shalt  }
0x5f: {  	_ =	shalt  }
0x60: {  	_ =	shalt  }
0x61: {  	_ =	shalt  }
0x62: {  	_ =	shalt  }
0x63: {  	_ =	shalt  }
0x64: {  	_ =	shalt  }
0x65: {  	_ =	shalt  }
0x66: {  	_ =	shalt  }
0x67: {  	_ =	shalt  }
0x68: {  	_ =	shalt  }
0x69: {  	_ =	shalt  }
0x6a: {  	_ =	shalt  }
0x6b: {  	_ =	shalt  }
0x6c: {  	_ =	shalt  }
0x6d: {  	_ =	shalt  }
0x6e: {  	_ =	shalt  }
0x6f: {  	_ =	shalt  }
0x70: {  	_ =	shalt  }
0x71: {  	_ =	shalt  }
0x72: {  	_ =	shalt  }
0x73: {  	_ =	shalt  }
0x74: {  	_ =	shalt  }
0x75: {  	_ =	shalt  }
0x76: {  	_ =	shalt  }
0x77: {  	_ =	shalt  }
0x78: {  	_ =	shalt  }
0x79: {  	_ =	shalt  }
0x7a: {  	_ =	shalt  }
0x7b: {  	_ =	shalt  }
0x7c: {  	_ =	shalt  }
0x7d: {  	_ =	shalt  }
0x7e: {  	_ =	shalt  }
0x7f: {  	_ =	shalt  }
0x80: {  	_ =	shalt  }
0x81: {  	_ =	shalt  }
0x82: {  	_ =	shalt  }
0x83: {  	_ =	shalt  }
0x84: {  	_ =	shalt  }
0x85: {  	_ =	shalt  }
0x86: {  	_ =	shalt  }
0x87: {  	_ =	shalt  }
.Lfunc_end0:
.L_simem_size_0:
called_computation.1_lowered:
.L_overlay_start_0:
0x88: {  	s2 =	sld [smem:$0x3FD9]  }
0x89: {  	s3 =	sld [smem:$0x3FFE];
	_ =	sdelay $0x1  }
0x8a: {  	s1 =	srdreg.scid  }
0x8b: {  	s0 =	sand.u32 $0x1, s1  }
0x8c: {  	s17 =	sshll.u32 s0, $0xA;
	s2 =	sadd.s32 s3, s2  }
0x8d: {  	s2 =	sadd.s32 s2, s17  }
0x8e: {  	[smem:$0x3FC5] =	sst s2  }
0x8f: {  	_ = 	snop  }
0x90: {  	s2 =	sld [smem:$0x3FD0];
	(tm) =	ssettm $0x1  }
0x91: {  	s18 =	sld [smem:$0x3FFB];
	_ =	sdelay $0x3  }
0x92: {  	_ =	strace s18  }
0x93: {  	s3 =	sld [smem:$0x3FFC];
	_ =	sdelay $0x3  }
0x94: {  	_ =	strace s3  }
0x95: {  	s3 =	sld [smem:$0x3FFD];
	_ =	sdelay $0x3  }
0x96: {  	_ =	strace s3  }
0x97: {  	_ =	strace $0x8FFFFFFF  }
0x98: {  	s19 =	sld [smem:$0x3FDB];
	_ =	sdelay $0x1  }
0x99: {  	s4 =	simm.s32 $_scs_section_size  }
0x9a: {  	s5 =	simm.s32 $_size__tile_overlayer_lowered;
	s6 =	simm.s32 $_tile_overlayer_lowered  }
0x9b: {  	s22 =	simm.s32 $0x1BFF;
	s21 =	sshll.u32 s6, $0x1;
	s3 =	sadd.s32 s4, s19  }
0x9c: {  	s7 =	simm.s32 $0x0;
	s20 =	sshll.u32 s5, $0x1;
	s5 =	sadd.s32 s21, s3  }
0x9d: {  	[timem:s7], [sflag:s22] =	dma.local [hbm:s5], s20  }
0x9e: {  	_ =	swait.ge [sflag:s22], s20  }
0x9f: {  	s4 =	ssub.s32 $0x0, s20;
	[sflag:s22] =	ssyncset.done $0x0  }
0xa0: {  	[sflag:s22] =	ssyncadd.s32 s4;
	_ =	sdelay $0x1  }
0xa1: {  	s23 =	simm.s32 $0x1B8B  }
0xa2: {  	_ =	swait.ge [sflag:s23], $0x1  }
0xa3: {  	[sflag:s23] =	ssyncset.done $0x0  }
0xa4: {  	s25 =	simm.s32 $0x1B8E;
	s24 =	sld [smem:$0x3FFE];
	[sflag:s23] =	ssyncadd.s32 $0xFFFFFFFF  }
0xa5: {  	s26 =	simm.s32 $execute0_lowered;
	[smem:$0x3FD2] =	sst s25  }
0xa6: {  	s5 =	sshll.u32 s26, $0x1;
	_ =	strace $0x80000046;
	[dreg:$0x1] =	wrdreg $0xFFFFFFFF  }
0xa7: {  	s28 =	simm.s32 $_size_execute0_lowered;
	s3 =	sadd.s32 s3, s5;
	[dreg:$0x0] =	wrdreg $0x0  }
0xa8: {  	s5 =	sshll.u32 s28, $0x1;
	[dreg:$0x2] =	wrdreg s3  }
0xa9: {  	[dreg:$0x3] =	wrdreg s5  }
0xaa: {  	[dreg:$0x4] =	wrdreg $0xC0  }
0xab: {  	_ =	task [dreg:s7], $0x5FFFF  }
0xac: {  	[dreg:$0x1] =	wrdreg $0xFFFFFFFF  }
0xad: {  	[dreg:$0x0] =	wrdreg $0x60  }
0xae: {  	[dreg:$0x2] =	wrdreg s24  }
0xaf: {  	[dreg:$0x3] =	wrdreg s2  }
0xb0: {  	[dreg:$0x4] =	wrdreg $0x9  }
0xb1: {  	_ =	task.clear_ibuf [dreg:s7], $0x5FFFF;
	_ =	strace $0x90000046  }
0xb2: {  	s29 =	simm.s32 $0x9;
	_ =	strace $0x80000048  }
0xb3: {  	_ =	swait.ge [sflag:s29], $0x1  }
0xb4: {  	[sflag:s29] =	ssyncadd.s32 $0xFFFFFFFF  }
0xb5: {  	_ =	strace $0x90000048  }
0xb6: {  	_ =	sfence  }
0xb7: {  	s30 =	sld [smem:$0x0];
	_ =	sdelay $0x2  }
0xb8: {  	s31 =	sshll.u32 s1, $0xD;
	s1 =	sshrl.u32 s1, $0x2  }
0xb9: {  	s3 =	sand.u32 $0x4000, s31;
	s1 =	sadd.s32 s1, s30  }
0xba: {  	s0 =	sor.u32 s3, s0;
	s1 =	sshll.u32 s1, $0x11  }
0xbb: {  	s0 =	sor.u32 s1, s0  }
0xbc: {  	s0 =	sadd.s32 $0x8F2B, s0  }
0xbd: {  	[sflag:s0] =	ssyncadd.remote.s32 $0x1  }
0xbe: {  	_ =	sfence.sel $0xFFFF  }
0xbf: {  	[dreg:$0x0] =	wrdreg $0xFFFFFFFF;
	(pc) =	sbr.abs _section_cstart, $3  }
0xc0: {  	[dreg:$0x1] =	wrdreg $0xFFFFFFFF  }
0xc1: {  	_ =	task.clear_ibuf [dreg:s7], $0x2FFFF;
	_ =	strace $0x9FFFFFFF  }
0xc2: {  	(tm) =	ssettm $0x7FFFFFFF  }
0xc3: {  	_ =	shalt  }
tec
execute0_lowered:
.L_overlay_start_1:
0x0: {  	(tag) =	ssettag $0x1  }
0x1: {  	s0 =	rddreg [dreg:$0x0]  }
0x2: {  	s2 =	rddreg [dreg:$0x1];
	s3 =	srdreg.scid  }
0x3: {  	s1 =	stileid.u32;
	s5 =	simm.s32 $0x0;
	s3 =	sand.u32 $0x1, s3  }
0x4: {  	s4 =	sshll.u32 s1, $0x1;
	[smem:$0x7FF] =	sst s5;
	s8 =	sadd.s32 $0xC00, s0  }
0x5: {  	s20 =	sadd.s32 $0xF43000, s0;
	s7 =	sadd.s32 $0x19C00, s0;
	s9 =	sadd.s32 $0x8, s2  }
0x6: {  	s10 =	sadd.s32 $0x10, s2;
	s11 =	sadd.s32 $0x18, s2;
	s12 =	sadd.s32 $0x20, s2  }
0x7: {  	s25 =	smul.u32 $0xC800, s1;
	s13 =	sadd.s32 $0x28, s2;
	s14 =	sadd.s32 $0x30, s2  }
0x8: {  	s15 =	sadd.s32 $0x38, s2;
	s16 =	sadd.s32 $0x40, s2;
	s28 =	smul.u32 $0x64000, s1  }
0x9: {  	s17 =	sadd.s32 $0x48, s2;
	s18 =	sadd.s32 $0x50, s2;
	s23 =	sadd.s32 $0x70, s2  }
0xa: {  	s4 =	sor.u32 s3, s4;
	_ =	strace $0x80000047;
	s26 =	smul.u32 $0x6400, s3  }
0xb: {  	s19 =	ssub.s32 $0x2, s3;
	[dreg:$0x5] =	wrdreg s20;
	s3 =	smul.u32 $0x32000, s3  }
0xc: {  	[dreg:$0x4] =	wrdreg s8;
	s6 =	smul.u32 $0x6400, s4;
	s21 =	sshrl.u32 s19, $0x1  }
0xd: {  	s20 =	sadd.s32 $0x60, s2;
	s22 =	ssub.s32 s19, s21;
	s19 =	sadd.s32 $0x58, s2  }
0xe: {  	s21 =	sadd.s32 $0x68, s2;
	s3 =	sadd.s32 s3, s28;
	s24 =	sshrl.u32 s6, $0x3  }
0xf: {  	s0 =	smax.u32 s22, $0x1;
	[dreg:$0x3] =	wrdreg s6;
	s31 =	sadd.s32 $0x400, s6  }
.Ltmp0:
0x10: {  	[dreg:$0x7] =	wrdreg s3;
	s4 =	sadd.s32 s8, s24;
	(pc) =	sbr.rel .LBB2_1-.Ltmp0, $4  }
0x11: {  	s29 =	sadd.s32 s2, s3;
	[dreg:$0x6] =	wrdreg s4;
	s4 =	sadd.s32 s26, s25  }
0x12: {  	s3 =	simm.s32 $0x1;
	[dreg:$0x8] =	wrdreg s0;
	s4 =	sshll.u32 s4, $0x3  }
0x13: {  	s22 =	simm.s32 $0x2;
	[dreg:$0xa] =	wrdreg s31;
	s30 =	sadd.s32 $0xFFFFF000, s4  }
0x14: {  	s26 =	sadd.s32 $0x78, s2;
	s4 =	simm.s32 $0x0;
	[dreg:$0x9] =	wrdreg s30  }
.LBB2_24:
0x15: {  	s4 =	rddreg [dreg:$0xb]  }
0x16: {  	s0 =	rddreg [dreg:$0x8];
	s4 =	sadd.s32 $0x1, s4  }
0x17: {  	p0 =	sne.s32 s4, s0  }
.Ltmp1:
0x18: {  	_ = 	snop;
	(pc) =	sbr.rel @!p0 .LBB2_25-.Ltmp1, $1  }
0x19: {  	_ =	sdelay $0x3  }
.LBB2_1:
0x1a: {  	[dreg:$0xb] =	wrdreg s4  }
0x1b: {  	s0 =	simm.s32 $0x0;
	s30 =	rddreg [dreg:$0x6];
	s31 =	simm.s32 $0x6  }
0x1c: {  	[tilespmem:s0], [sflag:$0x6] =	stream.linear.gather [hbm4b:s30+s0], $0x200, $0x38;
	[tilespmem:$0x10800] =	vst v63  }
0x1d: {  	_ =	swait.ge [sflag:s31], $0x200  }
0x1e: {  	[sflag:s31] =	ssyncset.done $0x0  }
0x1f: {  	s0 =	simm.s32 $0x0;
	[sflag:s31] =	ssyncadd.s32 $0xFFFFFE00  }
0x20: {  	v0 =	vld [tilespmem:s0+$0x0]  }
0x21: {  	s4 =	simm.s32 $0x40  }
.LBB2_2:
0x22: {  	p0 =	sne.s32 s4, $0x7C0  }
.Ltmp2:
0x23: {  	_ = 	snop;
	(pc) =	sbr.rel @p0 .LBB2_2-.Ltmp2, $4  }
0x24: {  	_ = 	snop  }
0x25: {  	s5 =	sshra.s32 s4, $0x2;
	s4 =	sadd.s32 $0x40, s4;
	vm0 =	vgt.s32 v0, $0xF423F  }
0x26: {  	v1 =	vsel vm0, $0x0, v0;
	v0 =	vld [tilespmem:s5+$0x0]  }
0x27: {  	[tilespmem:s0+$0x400] =	vst v1;
	s0 =	smov.u32 s5  }
0x28: {  	_ =	sdelay $0x2  }
0x29: {  	vm0 =	vgt.s32 v0, $0xF423F  }
0x2a: {  	s4 =	simm.s32 $0x80;
	v0 =	vsel vm0, $0x0, v0  }
0x2b: {  	s5 =	simm.s32 $0x400;
	s6 =	simm.s32 $0x800;
	[tilespmem:s0+$0x400] =	vst v0;
	s0 =	rddreg [dreg:$0x5]  }
0x2c: {  	[tilespmem:s6], [sflag:$0x1] =	stream.indirect.gather [hbm4b:s0+s4], $0x40, s5, s4, $0xb8;
	[tilespmem:$0x10800] =	vst v63  }
0x2d: {  	s8 =	simm.s32 $0x480;
	s24 =	simm.s32 $0x2800  }
0x2e: {  	[tilespmem:s24], [sflag:$0x1] =	stream.indirect.gather [hbm4b:s0+s4], $0x40, s8, s4, $0xb8;
	[tilespmem:$0x10800] =	vst v63  }
0x2f: {  	s25 =	simm.s32 $0x500;
	s28 =	simm.s32 $0x4800  }
0x30: {  	[tilespmem:s28], [sflag:$0x1] =	stream.indirect.gather [hbm4b:s0+s4], $0x40, s25, s4, $0xb8;
	[tilespmem:$0x10800] =	vst v63  }
.Ltmp3:
0x31: {  	_ = 	snop;
	(pc) =	sbr.rel .LBB2_4-.Ltmp3, $4  }
0x32: {  	s30 =	simm.s32 $0x580;
	s31 =	simm.s32 $0x6800  }
0x33: {  	[tilespmem:s31], [sflag:$0x1] =	stream.indirect.gather [hbm4b:s0+s4], $0x40, s30, s4, $0xb8;
	[tilespmem:$0x10800] =	vst v63  }
0x34: {  	s4 =	rddreg [dreg:$0x7]  }
0x35: {  	s25 =	simm.s32 $0x0;
	s0 =	rddreg [dreg:$0x9]  }
.LBB2_19:
0x36: {  	_ =	swait.ge [sflag:s22], $0x2000  }
0x37: {  	[sflag:s22] =	ssyncset.done $0x0  }
0x38: {  	[sflag:s22] =	ssyncadd.s32 $0xFFFFE000  }
0x39: {  	_ =	swait.ge [sflag:s22], $0x2000  }
0x3a: {  	[sflag:s22] =	ssyncset.done $0x0  }
0x3b: {  	[sflag:s22] =	ssyncadd.s32 $0xFFFFE000  }
0x3c: {  	s25 =	sadd.s32 $0x1, s25;
	_ =	swait.ge [sflag:s22], $0x2000  }
0x3d: {  	p0 =	sne.s32 s25, $0x19;
	[sflag:s22] =	ssyncset.done $0x0  }
.Ltmp4:
0x3e: {  	s5 =	sshll.u32 s24, $0x3;
	[sflag:s22] =	ssyncadd.s32 $0xFFFFE000;
	(pc) =	sbr.rel @!p0 .LBB2_20-.Ltmp4, $4  }
0x3f: {  	s6 =	simm.s32 $0x0;
	s8 =	simm.s32 $0x8800;
	_ =	swait.ge [sflag:s22], $0x2000  }
0x40: {  	s0 =	sadd.s32 $0x2000, s0;
	s5 =	sand.u32 $0x1FFFF000, s5;
	[sflag:s22] =	ssyncset.done $0x0  }
0x41: {  	s4 =	sadd.s32 $0x2000, s4;
	s5 =	sadd.s32 s2, s5;
	[sflag:s22] =	ssyncadd.s32 $0xFFFFE000  }
0x42: {  	[hbm4b:s5+s6] =	stream.linear.scatter [tilespmem:s8], [sflag:$0x4], $0x8000, $0x38;
	[tilespmem:$0x10800] =	vst v63  }
.LBB2_4:
0x43: {  	p0 =	seq.s32 s25, $0x0  }
.Ltmp5:
0x44: {  	_ = 	snop;
	(pc) =	sbr.rel @p0 .LBB2_9-.Ltmp5, $1  }
0x45: {  	_ =	sdelay $0x3  }
.Ltmp6:
0x46: {  	(pc) =	sbr.rel .LBB2_6-.Ltmp6, $4  }
0x47: {  	s5 =	simm.s32 $0x4  }
0x48: {  	_ =	swait.ge [sflag:s5], $0x8000  }
0x49: {  	[sflag:s5] =	ssyncset.done $0x0  }
0x4a: {  	s24 =	smov.u32 s0;
	[sflag:s5] =	ssyncadd.s32 $0xFFFF8000;
	s5 =	simm.s32 $0x0  }
.LBB2_8:
0x4b: {  	s5 =	sadd.s32 $0x40, s5  }
0x4c: {  	p0 =	sne.s32 s5, $0x800  }
.Ltmp7:
0x4d: {  	_ = 	snop;
	(pc) =	sbr.rel @!p0 .LBB2_9-.Ltmp7, $2  }
0x4e: {  	_ =	sdelay $0x2  }
0x4f: {  	s24 =	sadd.s32 $0x80, s24  }
.LBB2_6:
0x50: {  	s8 =	sshra.s32 s5, $0x2  }
0x51: {  	v0 =	vld [tilespmem:s8+$0x200];
	_ =	sdelay $0x4  }
0x52: {  	vm0 =	vgt.s32 v0, $0xF423F  }
0x53: {  	v1 =	vmpcnt.ones.xlane vm0;
	_ =	sdelay $0x1  }
0x54: {  	(v2sf) =	vpush v1, $0x0;
	_ =	sdelay $0xe  }
0x55: {  	s31 =	spop (v2sf)  }
0x56: {  	p0 =	slt.s32 s31, $0x1  }
.Ltmp8:
0x57: {  	_ = 	snop;
	(pc) =	sbr.rel @p0 .LBB2_8-.Ltmp8, $1  }
0x58: {  	_ =	sdelay $0x3  }
0x59: {  	(v2sf) =	vpush v0, $0x0;
	_ =	sdelay $0xe  }
0x5a: {  	s8 =	spop (v2sf)  }
0x5b: {  	p1 =	slt.s32 s8, $0xF4240  }
0x5c: {  	s8 =	sshll.u32 @!p1 s8, $0x6  }
0x5d: {  	s8 =	sadd.s32 @!p1 $0xFC2F7000, s8  }
0x5e: {  	s28 =	sand.u32 @!p1 $0x1FFFFF80, s24;
	s30 =	sshll.u32 @!p1 s1, $0x6;
	s8 =	sshrl.u32 @!p1 s8, $0x3  }
0x5f: {  	s28 =	sadd.s32 @!p1 s2, s28;
	s30 =	sor.u32 @!p1 $0x1C05, s30;
	s8 =	sadd.s32 @!p1 s7, s8  }
0x60: {  	[hbm:s28], [sflag:s30] =	dma.local @!p1 [hbm:s8], $0x8  }
0x61: {  	s8 =	simm.s32 @!p1 $0x5  }
0x62: {  	_ =	swait.ge @!p1 [sflag:s8], $0x8  }
0x63: {  	(v2sf) =	vpush v0, $0x1;
	_ =	sdelay $0xe  }
0x64: {  	s28 =	spop (v2sf)  }
0x65: {  	p0 =	slt.s32 s28, $0xF4240  }
0x66: {  	[sflag:s8] =	ssyncset.done @!p1 $0x0;
	s28 =	sshll.u32 @!p0 s28, $0x6  }
0x67: {  	[sflag:s8] =	ssyncadd.s32 @!p1 $0xFFFFFFF8;
	s8 =	sadd.s32 @!p0 $0xFC2F7000, s28  }
0x68: {  	s30 =	sshll.u32 @!p0 s1, $0x6;
	s28 =	sand.u32 @!p0 $0x1FFFFF80, s24;
	s8 =	sshrl.u32 @!p0 s8, $0x3  }
0x69: {  	s30 =	sor.u32 @!p0 $0x1C05, s30;
	s28 =	sadd.s32 @!p0 s28, s9;
	s8 =	sadd.s32 @!p0 s7, s8  }
0x6a: {  	[hbm:s28], [sflag:s30] =	dma.local @!p0 [hbm:s8], $0x8  }
0x6b: {  	s8 =	simm.s32 @!p0 $0x5  }
0x6c: {  	_ =	swait.ge @!p0 [sflag:s8], $0x8  }
0x6d: {  	(v2sf) =	vpush v0, $0x2;
	_ =	sdelay $0xe  }
0x6e: {  	s28 =	spop (v2sf)  }
0x6f: {  	p1 =	slt.s32 s28, $0xF4240  }
0x70: {  	[sflag:s8] =	ssyncset.done @!p0 $0x0;
	s28 =	sshll.u32 @!p1 s28, $0x6  }
0x71: {  	[sflag:s8] =	ssyncadd.s32 @!p0 $0xFFFFFFF8;
	s8 =	sadd.s32 @!p1 $0xFC2F7000, s28  }
0x72: {  	s30 =	sshll.u32 @!p1 s1, $0x6;
	s28 =	sand.u32 @!p1 $0x1FFFFF80, s24;
	s8 =	sshrl.u32 @!p1 s8, $0x3  }
0x73: {  	s30 =	sor.u32 @!p1 $0x1C05, s30;
	s28 =	sadd.s32 @!p1 s28, s10;
	s8 =	sadd.s32 @!p1 s7, s8  }
0x74: {  	[hbm:s28], [sflag:s30] =	dma.local @!p1 [hbm:s8], $0x8  }
0x75: {  	s8 =	simm.s32 @!p1 $0x5  }
0x76: {  	_ =	swait.ge @!p1 [sflag:s8], $0x8  }
0x77: {  	(v2sf) =	vpush v0, $0x3;
	_ =	sdelay $0xe  }
0x78: {  	s28 =	spop (v2sf)  }
0x79: {  	p0 =	slt.s32 s28, $0xF4240  }
0x7a: {  	[sflag:s8] =	ssyncset.done @!p1 $0x0;
	s28 =	sshll.u32 @!p0 s28, $0x6  }
0x7b: {  	[sflag:s8] =	ssyncadd.s32 @!p1 $0xFFFFFFF8;
	s8 =	sadd.s32 @!p0 $0xFC2F7000, s28  }
0x7c: {  	s30 =	sshll.u32 @!p0 s1, $0x6;
	s28 =	sand.u32 @!p0 $0x1FFFFF80, s24;
	s8 =	sshrl.u32 @!p0 s8, $0x3  }
0x7d: {  	s30 =	sor.u32 @!p0 $0x1C05, s30;
	s28 =	sadd.s32 @!p0 s28, s11;
	s8 =	sadd.s32 @!p0 s7, s8  }
0x7e: {  	[hbm:s28], [sflag:s30] =	dma.local @!p0 [hbm:s8], $0x8  }
0x7f: {  	s8 =	simm.s32 @!p0 $0x5  }
0x80: {  	_ =	swait.ge @!p0 [sflag:s8], $0x8  }
0x81: {  	(v2sf) =	vpush v0, $0x4;
	_ =	sdelay $0xe  }
0x82: {  	s28 =	spop (v2sf)  }
0x83: {  	p1 =	slt.s32 s28, $0xF4240  }
0x84: {  	[sflag:s8] =	ssyncset.done @!p0 $0x0;
	s28 =	sshll.u32 @!p1 s28, $0x6  }
0x85: {  	[sflag:s8] =	ssyncadd.s32 @!p0 $0xFFFFFFF8;
	s8 =	sadd.s32 @!p1 $0xFC2F7000, s28  }
0x86: {  	s30 =	sshll.u32 @!p1 s1, $0x6;
	s28 =	sand.u32 @!p1 $0x1FFFFF80, s24;
	s8 =	sshrl.u32 @!p1 s8, $0x3  }
0x87: {  	s30 =	sor.u32 @!p1 $0x1C05, s30;
	s28 =	sadd.s32 @!p1 s28, s12;
	s8 =	sadd.s32 @!p1 s7, s8  }
0x88: {  	[hbm:s28], [sflag:s30] =	dma.local @!p1 [hbm:s8], $0x8  }
0x89: {  	s8 =	simm.s32 @!p1 $0x5  }
0x8a: {  	_ =	swait.ge @!p1 [sflag:s8], $0x8  }
0x8b: {  	(v2sf) =	vpush v0, $0x5;
	_ =	sdelay $0xe  }
0x8c: {  	s28 =	spop (v2sf)  }
0x8d: {  	p0 =	slt.s32 s28, $0xF4240  }
0x8e: {  	[sflag:s8] =	ssyncset.done @!p1 $0x0;
	s28 =	sshll.u32 @!p0 s28, $0x6  }
0x8f: {  	[sflag:s8] =	ssyncadd.s32 @!p1 $0xFFFFFFF8;
	s8 =	sadd.s32 @!p0 $0xFC2F7000, s28  }
0x90: {  	s30 =	sshll.u32 @!p0 s1, $0x6;
	s28 =	sand.u32 @!p0 $0x1FFFFF80, s24;
	s8 =	sshrl.u32 @!p0 s8, $0x3  }
0x91: {  	s30 =	sor.u32 @!p0 $0x1C05, s30;
	s28 =	sadd.s32 @!p0 s28, s13;
	s8 =	sadd.s32 @!p0 s7, s8  }
0x92: {  	[hbm:s28], [sflag:s30] =	dma.local @!p0 [hbm:s8], $0x8  }
0x93: {  	s8 =	simm.s32 @!p0 $0x5  }
0x94: {  	_ =	swait.ge @!p0 [sflag:s8], $0x8  }
0x95: {  	(v2sf) =	vpush v0, $0x6;
	_ =	sdelay $0xe  }
0x96: {  	s28 =	spop (v2sf)  }
0x97: {  	p1 =	slt.s32 s28, $0xF4240  }
0x98: {  	[sflag:s8] =	ssyncset.done @!p0 $0x0;
	s28 =	sshll.u32 @!p1 s28, $0x6  }
0x99: {  	[sflag:s8] =	ssyncadd.s32 @!p0 $0xFFFFFFF8;
	s8 =	sadd.s32 @!p1 $0xFC2F7000, s28  }
0x9a: {  	s30 =	sshll.u32 @!p1 s1, $0x6;
	s28 =	sand.u32 @!p1 $0x1FFFFF80, s24;
	s8 =	sshrl.u32 @!p1 s8, $0x3  }
0x9b: {  	s30 =	sor.u32 @!p1 $0x1C05, s30;
	s28 =	sadd.s32 @!p1 s28, s14;
	s8 =	sadd.s32 @!p1 s7, s8  }
0x9c: {  	[hbm:s28], [sflag:s30] =	dma.local @!p1 [hbm:s8], $0x8  }
0x9d: {  	s8 =	simm.s32 @!p1 $0x5  }
0x9e: {  	_ =	swait.ge @!p1 [sflag:s8], $0x8  }
0x9f: {  	(v2sf) =	vpush v0, $0x7;
	_ =	sdelay $0xe  }
0xa0: {  	s28 =	spop (v2sf)  }
0xa1: {  	p0 =	slt.s32 s28, $0xF4240  }
0xa2: {  	[sflag:s8] =	ssyncset.done @!p1 $0x0;
	s28 =	sshll.u32 @!p0 s28, $0x6  }
0xa3: {  	[sflag:s8] =	ssyncadd.s32 @!p1 $0xFFFFFFF8;
	s8 =	sadd.s32 @!p0 $0xFC2F7000, s28  }
0xa4: {  	s30 =	sshll.u32 @!p0 s1, $0x6;
	s28 =	sand.u32 @!p0 $0x1FFFFF80, s24;
	s8 =	sshrl.u32 @!p0 s8, $0x3  }
0xa5: {  	s30 =	sor.u32 @!p0 $0x1C05, s30;
	s28 =	sadd.s32 @!p0 s28, s15;
	s8 =	sadd.s32 @!p0 s7, s8  }
0xa6: {  	[hbm:s28], [sflag:s30] =	dma.local @!p0 [hbm:s8], $0x8  }
0xa7: {  	s8 =	simm.s32 @!p0 $0x5  }
0xa8: {  	_ =	swait.ge @!p0 [sflag:s8], $0x8  }
0xa9: {  	(v2sf) =	vpush v0, $0x8;
	_ =	sdelay $0xe  }
0xaa: {  	s28 =	spop (v2sf)  }
0xab: {  	p1 =	slt.s32 s28, $0xF4240  }
0xac: {  	[sflag:s8] =	ssyncset.done @!p0 $0x0;
	s28 =	sshll.u32 @!p1 s28, $0x6  }
0xad: {  	[sflag:s8] =	ssyncadd.s32 @!p0 $0xFFFFFFF8;
	s8 =	sadd.s32 @!p1 $0xFC2F7000, s28  }
0xae: {  	s30 =	sshll.u32 @!p1 s1, $0x6;
	s28 =	sand.u32 @!p1 $0x1FFFFF80, s24;
	s8 =	sshrl.u32 @!p1 s8, $0x3  }
0xaf: {  	s30 =	sor.u32 @!p1 $0x1C05, s30;
	s28 =	sadd.s32 @!p1 s28, s16;
	s8 =	sadd.s32 @!p1 s7, s8  }
0xb0: {  	[hbm:s28], [sflag:s30] =	dma.local @!p1 [hbm:s8], $0x8  }
0xb1: {  	s8 =	simm.s32 @!p1 $0x5  }
0xb2: {  	_ =	swait.ge @!p1 [sflag:s8], $0x8  }
0xb3: {  	(v2sf) =	vpush v0, $0x9;
	_ =	sdelay $0xe  }
0xb4: {  	s28 =	spop (v2sf)  }
0xb5: {  	p0 =	slt.s32 s28, $0xF4240  }
0xb6: {  	[sflag:s8] =	ssyncset.done @!p1 $0x0;
	s28 =	sshll.u32 @!p0 s28, $0x6  }
0xb7: {  	[sflag:s8] =	ssyncadd.s32 @!p1 $0xFFFFFFF8;
	s8 =	sadd.s32 @!p0 $0xFC2F7000, s28  }
0xb8: {  	s30 =	sshll.u32 @!p0 s1, $0x6;
	s28 =	sand.u32 @!p0 $0x1FFFFF80, s24;
	s8 =	sshrl.u32 @!p0 s8, $0x3  }
0xb9: {  	s30 =	sor.u32 @!p0 $0x1C05, s30;
	s28 =	sadd.s32 @!p0 s28, s17;
	s8 =	sadd.s32 @!p0 s7, s8  }
0xba: {  	[hbm:s28], [sflag:s30] =	dma.local @!p0 [hbm:s8], $0x8  }
0xbb: {  	s8 =	simm.s32 @!p0 $0x5  }
0xbc: {  	_ =	swait.ge @!p0 [sflag:s8], $0x8  }
0xbd: {  	(v2sf) =	vpush v0, $0xA;
	_ =	sdelay $0xe  }
0xbe: {  	s28 =	spop (v2sf)  }
0xbf: {  	p1 =	slt.s32 s28, $0xF4240  }
0xc0: {  	[sflag:s8] =	ssyncset.done @!p0 $0x0;
	s28 =	sshll.u32 @!p1 s28, $0x6  }
0xc1: {  	[sflag:s8] =	ssyncadd.s32 @!p0 $0xFFFFFFF8;
	s8 =	sadd.s32 @!p1 $0xFC2F7000, s28  }
0xc2: {  	s30 =	sshll.u32 @!p1 s1, $0x6;
	s28 =	sand.u32 @!p1 $0x1FFFFF80, s24;
	s8 =	sshrl.u32 @!p1 s8, $0x3  }
0xc3: {  	s30 =	sor.u32 @!p1 $0x1C05, s30;
	s28 =	sadd.s32 @!p1 s28, s18;
	s8 =	sadd.s32 @!p1 s7, s8  }
0xc4: {  	[hbm:s28], [sflag:s30] =	dma.local @!p1 [hbm:s8], $0x8  }
0xc5: {  	s8 =	simm.s32 @!p1 $0x5  }
0xc6: {  	_ =	swait.ge @!p1 [sflag:s8], $0x8  }
0xc7: {  	(v2sf) =	vpush v0, $0xB;
	_ =	sdelay $0xe  }
0xc8: {  	s28 =	spop (v2sf)  }
0xc9: {  	p0 =	slt.s32 s28, $0xF4240  }
0xca: {  	[sflag:s8] =	ssyncset.done @!p1 $0x0;
	s28 =	sshll.u32 @!p0 s28, $0x6  }
0xcb: {  	[sflag:s8] =	ssyncadd.s32 @!p1 $0xFFFFFFF8;
	s8 =	sadd.s32 @!p0 $0xFC2F7000, s28  }
0xcc: {  	s30 =	sshll.u32 @!p0 s1, $0x6;
	s28 =	sand.u32 @!p0 $0x1FFFFF80, s24;
	s8 =	sshrl.u32 @!p0 s8, $0x3  }
0xcd: {  	s30 =	sor.u32 @!p0 $0x1C05, s30;
	s28 =	sadd.s32 @!p0 s28, s19;
	s8 =	sadd.s32 @!p0 s7, s8  }
0xce: {  	[hbm:s28], [sflag:s30] =	dma.local @!p0 [hbm:s8], $0x8  }
0xcf: {  	s8 =	simm.s32 @!p0 $0x5  }
0xd0: {  	_ =	swait.ge @!p0 [sflag:s8], $0x8  }
0xd1: {  	(v2sf) =	vpush v0, $0xC;
	_ =	sdelay $0xe  }
0xd2: {  	s28 =	spop (v2sf)  }
0xd3: {  	p1 =	slt.s32 s28, $0xF4240  }
0xd4: {  	[sflag:s8] =	ssyncset.done @!p0 $0x0;
	s28 =	sshll.u32 @!p1 s28, $0x6  }
0xd5: {  	[sflag:s8] =	ssyncadd.s32 @!p0 $0xFFFFFFF8;
	s8 =	sadd.s32 @!p1 $0xFC2F7000, s28  }
0xd6: {  	s30 =	sshll.u32 @!p1 s1, $0x6;
	s28 =	sand.u32 @!p1 $0x1FFFFF80, s24;
	s8 =	sshrl.u32 @!p1 s8, $0x3  }
0xd7: {  	s30 =	sor.u32 @!p1 $0x1C05, s30;
	s28 =	sadd.s32 @!p1 s28, s20;
	s8 =	sadd.s32 @!p1 s7, s8  }
0xd8: {  	[hbm:s28], [sflag:s30] =	dma.local @!p1 [hbm:s8], $0x8  }
0xd9: {  	s8 =	simm.s32 @!p1 $0x5  }
0xda: {  	_ =	swait.ge @!p1 [sflag:s8], $0x8  }
0xdb: {  	(v2sf) =	vpush v0, $0xD;
	_ =	sdelay $0xe  }
0xdc: {  	s28 =	spop (v2sf)  }
0xdd: {  	p0 =	slt.s32 s28, $0xF4240  }
0xde: {  	[sflag:s8] =	ssyncset.done @!p1 $0x0;
	s28 =	sshll.u32 @!p0 s28, $0x6  }
0xdf: {  	[sflag:s8] =	ssyncadd.s32 @!p1 $0xFFFFFFF8;
	s8 =	sadd.s32 @!p0 $0xFC2F7000, s28  }
0xe0: {  	s30 =	sshll.u32 @!p0 s1, $0x6;
	s28 =	sand.u32 @!p0 $0x1FFFFF80, s24;
	s8 =	sshrl.u32 @!p0 s8, $0x3  }
0xe1: {  	s30 =	sor.u32 @!p0 $0x1C05, s30;
	s28 =	sadd.s32 @!p0 s28, s21;
	s8 =	sadd.s32 @!p0 s7, s8  }
0xe2: {  	[hbm:s28], [sflag:s30] =	dma.local @!p0 [hbm:s8], $0x8  }
0xe3: {  	s8 =	simm.s32 @!p0 $0x5  }
0xe4: {  	_ =	swait.ge @!p0 [sflag:s8], $0x8  }
0xe5: {  	(v2sf) =	vpush v0, $0xE;
	_ =	sdelay $0xe  }
0xe6: {  	s28 =	spop (v2sf)  }
0xe7: {  	p1 =	slt.s32 s28, $0xF4240  }
0xe8: {  	[sflag:s8] =	ssyncset.done @!p0 $0x0;
	s28 =	sshll.u32 @!p1 s28, $0x6  }
0xe9: {  	[sflag:s8] =	ssyncadd.s32 @!p0 $0xFFFFFFF8;
	s8 =	sadd.s32 @!p1 $0xFC2F7000, s28  }
0xea: {  	s30 =	sshll.u32 @!p1 s1, $0x6;
	s28 =	sand.u32 @!p1 $0x1FFFFF80, s24;
	s8 =	sshrl.u32 @!p1 s8, $0x3  }
0xeb: {  	s30 =	sor.u32 @!p1 $0x1C05, s30;
	s28 =	sadd.s32 @!p1 s28, s23;
	s8 =	sadd.s32 @!p1 s7, s8  }
0xec: {  	[hbm:s28], [sflag:s30] =	dma.local @!p1 [hbm:s8], $0x8  }
0xed: {  	s8 =	simm.s32 @!p1 $0x5  }
0xee: {  	_ =	swait.ge @!p1 [sflag:s8], $0x8  }
0xef: {  	(v2sf) =	vpush v0, $0xF;
	_ =	sdelay $0xe  }
0xf0: {  	s28 =	spop (v2sf)  }
0xf1: {  	p0 =	slt.s32 s28, $0xF4240  }
0xf2: {  	[sflag:s8] =	ssyncset.done @!p1 $0x0;
	s28 =	sshll.u32 @!p0 s28, $0x6  }
0xf3: {  	[sflag:s8] =	ssyncadd.s32 @!p1 $0xFFFFFFF8;
	s8 =	sadd.s32 @!p0 $0xFC2F7000, s28  }
0xf4: {  	s30 =	sshll.u32 @!p0 s1, $0x6;
	s28 =	sand.u32 @!p0 $0x1FFFFF80, s24;
	s8 =	sshrl.u32 @!p0 s8, $0x3  }
0xf5: {  	s30 =	sor.u32 @!p0 $0x1C05, s30;
	s28 =	sadd.s32 @!p0 s28, s26;
	s8 =	sadd.s32 @!p0 s7, s8  }
0xf6: {  	[hbm:s28], [sflag:s30] =	dma.local @!p0 [hbm:s8], $0x8  }
.Ltmp9:
0xf7: {  	_ = 	snop;
	(pc) =	sbr.rel .LBB2_8-.Ltmp9, $4  }
0xf8: {  	s8 =	simm.s32 @!p0 $0x5  }
0xf9: {  	_ =	swait.ge @!p0 [sflag:s8], $0x8  }
0xfa: {  	[sflag:s8] =	ssyncset.done @!p0 $0x0  }
0xfb: {  	[sflag:s8] =	ssyncadd.s32 @!p0 $0xFFFFFFF8  }
.LBB2_9:
0xfc: {  	s5 =	sshll.u32 s25, $0xA;
	s6 =	rddreg [dreg:$0x3]  }
0xfd: {  	s8 =	sadd.s32 s5, s6  }
0xfe: {  	s24 =	sadd.s32 $0x200, s8  }
0xff: {  	s31 =	rddreg [dreg:$0x4];
	s28 =	simm.s32 $0x0;
	s8 =	sshrl.u32 s24, $0x3  }
0x100: {  	s30 =	simm.s32 $0x200;
	s8 =	sadd.s32 s31, s8;
	s31 =	simm.s32 $0x6  }
0x101: {  	[tilespmem:s30], [sflag:$0x6] =	stream.linear.gather [hbm4b:s8+s28], $0x200, $0x38;
	[tilespmem:$0x10800] =	vst v63  }
0x102: {  	_ =	swait.ge [sflag:s31], $0x200  }
0x103: {  	[sflag:s31] =	ssyncset.done $0x0  }
0x104: {  	s8 =	simm.s32 $0x0;
	[sflag:s31] =	ssyncadd.s32 $0xFFFFFE00  }
0x105: {  	v0 =	vld [tilespmem:s8+$0x200]  }
0x106: {  	s28 =	simm.s32 $0x40  }
.LBB2_10:
0x107: {  	p0 =	sne.s32 s28, $0x7C0  }
.Ltmp10:
0x108: {  	_ = 	snop;
	(pc) =	sbr.rel @p0 .LBB2_10-.Ltmp10, $4  }
0x109: {  	_ = 	snop  }
0x10a: {  	s30 =	sshra.s32 s28, $0x2;
	s28 =	sadd.s32 $0x40, s28;
	vm0 =	vgt.s32 v0, $0xF423F  }
0x10b: {  	v1 =	vsel vm0, $0x0, v0;
	v0 =	vld [tilespmem:s30+$0x200]  }
0x10c: {  	[tilespmem:s8+$0x600] =	vst v1;
	s8 =	smov.u32 s30  }
0x10d: {  	_ =	sdelay $0x2  }
0x10e: {  	vm0 =	vgt.s32 v0, $0xF423F  }
0x10f: {  	s6 =	rddreg [dreg:$0x5];
	v0 =	vsel vm0, $0x0, v0  }
0x110: {  	s28 =	simm.s32 $0x600;
	s30 =	simm.s32 $0x8800;
	[tilespmem:s8+$0x600] =	vst v0;
	s8 =	simm.s32 $0x80  }
0x111: {  	[tilespmem:s30], [sflag:$0x2] =	stream.indirect.gather [hbm4b:s6+s8], $0x40, s28, s8, $0xb8;
	[tilespmem:$0x10800] =	vst v63  }
0x112: {  	s31 =	simm.s32 $0xA800;
	s28 =	simm.s32 $0x680  }
0x113: {  	[tilespmem:s31], [sflag:$0x2] =	stream.indirect.gather [hbm4b:s6+s8], $0x40, s28, s8, $0xb8;
	[tilespmem:$0x10800] =	vst v63  }
0x114: {  	s28 =	simm.s32 $0x700;
	s31 =	simm.s32 $0xC800  }
0x115: {  	[tilespmem:s31], [sflag:$0x2] =	stream.indirect.gather [hbm4b:s6+s8], $0x40, s28, s8, $0xb8;
	[tilespmem:$0x10800] =	vst v63  }
0x116: {  	s28 =	simm.s32 $0x780;
	s31 =	simm.s32 $0xE800  }
0x117: {  	[tilespmem:s31], [sflag:$0x2] =	stream.indirect.gather [hbm4b:s6+s8], $0x40, s28, s8, $0xb8;
	[tilespmem:$0x10800] =	vst v63  }
0x118: {  	_ =	swait.ge [sflag:s3], $0x2000  }
0x119: {  	[sflag:s3] =	ssyncset.done $0x0  }
0x11a: {  	[sflag:s3] =	ssyncadd.s32 $0xFFFFE000  }
0x11b: {  	_ =	swait.ge [sflag:s3], $0x2000  }
0x11c: {  	[sflag:s3] =	ssyncset.done $0x0  }
0x11d: {  	[sflag:s3] =	ssyncadd.s32 $0xFFFFE000  }
0x11e: {  	_ =	swait.ge [sflag:s3], $0x2000  }
0x11f: {  	[sflag:s3] =	ssyncset.done $0x0  }
0x120: {  	[sflag:s3] =	ssyncadd.s32 $0xFFFFE000  }
0x121: {  	_ =	swait.ge [sflag:s3], $0x2000  }
0x122: {  	s31 =	rddreg [dreg:$0x3]  }
0x123: {  	s30 =	simm.s32 $0x800;
	[sflag:s3] =	ssyncset.done $0x0;
	s6 =	sadd.s32 s31, s5  }
0x124: {  	s28 =	simm.s32 $0x0;
	[sflag:s3] =	ssyncadd.s32 $0xFFFFE000;
	s8 =	sshll.u32 s6, $0x3  }
.Ltmp11:
0x125: {  	s31 =	simm.s32 $0x3;
	s8 =	sadd.s32 s2, s8;
	(pc) =	sbr.rel .LBB2_12-.Ltmp11, $4  }
0x126: {  	[hbm4b:s8+s28] =	stream.linear.scatter [tilespmem:s30], [sflag:$0x3], $0x8000, $0x38;
	[tilespmem:$0x10800] =	vst v63  }
0x127: {  	_ =	swait.ge [sflag:s31], $0x8000  }
0x128: {  	[sflag:s31] =	ssyncset.done $0x0  }
0x129: {  	s8 =	smov.u32 s4;
	[sflag:s31] =	ssyncadd.s32 $0xFFFF8000  }
.LBB2_14:
0x12a: {  	s28 =	sadd.s32 $0x40, s28  }
0x12b: {  	p0 =	sne.s32 s28, $0x800  }
.Ltmp12:
0x12c: {  	_ = 	snop;
	(pc) =	sbr.rel @!p0 .LBB2_15-.Ltmp12, $2  }
0x12d: {  	_ =	sdelay $0x2  }
0x12e: {  	s8 =	sadd.s32 $0x80, s8  }
.LBB2_12:
0x12f: {  	s30 =	sshra.s32 s28, $0x2  }
0x130: {  	v0 =	vld [tilespmem:s30+$0x0];
	_ =	sdelay $0x4  }
0x131: {  	vm0 =	vgt.s32 v0, $0xF423F  }
0x132: {  	v1 =	vmpcnt.ones.xlane vm0;
	_ =	sdelay $0x1  }
0x133: {  	(v2sf) =	vpush v1, $0x0;
	_ =	sdelay $0xe  }
0x134: {  	s31 =	spop (v2sf)  }
0x135: {  	p0 =	slt.s32 s31, $0x1  }
.Ltmp13:
0x136: {  	_ = 	snop;
	(pc) =	sbr.rel @p0 .LBB2_14-.Ltmp13, $1  }
0x137: {  	_ =	sdelay $0x3  }
0x138: {  	(v2sf) =	vpush v0, $0x0;
	_ =	sdelay $0xe  }
0x139: {  	s30 =	spop (v2sf)  }
0x13a: {  	p1 =	slt.s32 s30, $0xF4240  }
0x13b: {  	s30 =	sshll.u32 @!p1 s30, $0x6  }
0x13c: {  	s30 =	sadd.s32 @!p1 $0xFC2F7000, s30  }
0x13d: {  	s31 =	sand.u32 @!p1 $0x1FFFEF80, s8;
	s6 =	sshll.u32 @!p1 s1, $0x6;
	s30 =	sshrl.u32 @!p1 s30, $0x3  }
0x13e: {  	s31 =	sadd.s32 @!p1 s2, s31;
	s6 =	sor.u32 @!p1 $0x1C05, s6;
	s30 =	sadd.s32 @!p1 s7, s30  }
0x13f: {  	[hbm:s31], [sflag:s6] =	dma.local @!p1 [hbm:s30], $0x8  }
0x140: {  	s6 =	simm.s32 @!p1 $0x5  }
0x141: {  	_ =	swait.ge @!p1 [sflag:s6], $0x8  }
0x142: {  	(v2sf) =	vpush v0, $0x1;
	_ =	sdelay $0xe  }
0x143: {  	s30 =	spop (v2sf)  }
0x144: {  	p0 =	slt.s32 s30, $0xF4240  }
0x145: {  	[sflag:s6] =	ssyncset.done @!p1 $0x0;
	s30 =	sshll.u32 @!p0 s30, $0x6  }
0x146: {  	[sflag:s6] =	ssyncadd.s32 @!p1 $0xFFFFFFF8;
	s6 =	sadd.s32 @!p0 $0xFC2F7000, s30  }
0x147: {  	s31 =	sshll.u32 @!p0 s1, $0x6;
	s30 =	sand.u32 @!p0 $0x1FFFEF80, s8;
	s6 =	sshrl.u32 @!p0 s6, $0x3  }
0x148: {  	s31 =	sor.u32 @!p0 $0x1C05, s31;
	s30 =	sadd.s32 @!p0 s30, s9;
	s6 =	sadd.s32 @!p0 s7, s6  }
0x149: {  	[hbm:s30], [sflag:s31] =	dma.local @!p0 [hbm:s6], $0x8  }
0x14a: {  	s6 =	simm.s32 @!p0 $0x5  }
0x14b: {  	_ =	swait.ge @!p0 [sflag:s6], $0x8  }
0x14c: {  	(v2sf) =	vpush v0, $0x2;
	_ =	sdelay $0xe  }
0x14d: {  	s30 =	spop (v2sf)  }
0x14e: {  	p1 =	slt.s32 s30, $0xF4240  }
0x14f: {  	[sflag:s6] =	ssyncset.done @!p0 $0x0;
	s30 =	sshll.u32 @!p1 s30, $0x6  }
0x150: {  	[sflag:s6] =	ssyncadd.s32 @!p0 $0xFFFFFFF8;
	s6 =	sadd.s32 @!p1 $0xFC2F7000, s30  }
0x151: {  	s31 =	sshll.u32 @!p1 s1, $0x6;
	s30 =	sand.u32 @!p1 $0x1FFFEF80, s8;
	s6 =	sshrl.u32 @!p1 s6, $0x3  }
0x152: {  	s31 =	sor.u32 @!p1 $0x1C05, s31;
	s30 =	sadd.s32 @!p1 s30, s10;
	s6 =	sadd.s32 @!p1 s7, s6  }
0x153: {  	[hbm:s30], [sflag:s31] =	dma.local @!p1 [hbm:s6], $0x8  }
0x154: {  	s6 =	simm.s32 @!p1 $0x5  }
0x155: {  	_ =	swait.ge @!p1 [sflag:s6], $0x8  }
0x156: {  	(v2sf) =	vpush v0, $0x3;
	_ =	sdelay $0xe  }
0x157: {  	s30 =	spop (v2sf)  }
0x158: {  	p0 =	slt.s32 s30, $0xF4240  }
0x159: {  	[sflag:s6] =	ssyncset.done @!p1 $0x0;
	s30 =	sshll.u32 @!p0 s30, $0x6  }
0x15a: {  	[sflag:s6] =	ssyncadd.s32 @!p1 $0xFFFFFFF8;
	s6 =	sadd.s32 @!p0 $0xFC2F7000, s30  }
0x15b: {  	s31 =	sshll.u32 @!p0 s1, $0x6;
	s30 =	sand.u32 @!p0 $0x1FFFEF80, s8;
	s6 =	sshrl.u32 @!p0 s6, $0x3  }
0x15c: {  	s31 =	sor.u32 @!p0 $0x1C05, s31;
	s30 =	sadd.s32 @!p0 s30, s11;
	s6 =	sadd.s32 @!p0 s7, s6  }
0x15d: {  	[hbm:s30], [sflag:s31] =	dma.local @!p0 [hbm:s6], $0x8  }
0x15e: {  	s6 =	simm.s32 @!p0 $0x5  }
0x15f: {  	_ =	swait.ge @!p0 [sflag:s6], $0x8  }
0x160: {  	(v2sf) =	vpush v0, $0x4;
	_ =	sdelay $0xe  }
0x161: {  	s30 =	spop (v2sf)  }
0x162: {  	p1 =	slt.s32 s30, $0xF4240  }
0x163: {  	[sflag:s6] =	ssyncset.done @!p0 $0x0;
	s30 =	sshll.u32 @!p1 s30, $0x6  }
0x164: {  	[sflag:s6] =	ssyncadd.s32 @!p0 $0xFFFFFFF8;
	s6 =	sadd.s32 @!p1 $0xFC2F7000, s30  }
0x165: {  	s31 =	sshll.u32 @!p1 s1, $0x6;
	s30 =	sand.u32 @!p1 $0x1FFFEF80, s8;
	s6 =	sshrl.u32 @!p1 s6, $0x3  }
0x166: {  	s31 =	sor.u32 @!p1 $0x1C05, s31;
	s30 =	sadd.s32 @!p1 s30, s12;
	s6 =	sadd.s32 @!p1 s7, s6  }
0x167: {  	[hbm:s30], [sflag:s31] =	dma.local @!p1 [hbm:s6], $0x8  }
0x168: {  	s6 =	simm.s32 @!p1 $0x5  }
0x169: {  	_ =	swait.ge @!p1 [sflag:s6], $0x8  }
0x16a: {  	(v2sf) =	vpush v0, $0x5;
	_ =	sdelay $0xe  }
0x16b: {  	s30 =	spop (v2sf)  }
0x16c: {  	p0 =	slt.s32 s30, $0xF4240  }
0x16d: {  	[sflag:s6] =	ssyncset.done @!p1 $0x0;
	s30 =	sshll.u32 @!p0 s30, $0x6  }
0x16e: {  	[sflag:s6] =	ssyncadd.s32 @!p1 $0xFFFFFFF8;
	s6 =	sadd.s32 @!p0 $0xFC2F7000, s30  }
0x16f: {  	s31 =	sshll.u32 @!p0 s1, $0x6;
	s30 =	sand.u32 @!p0 $0x1FFFEF80, s8;
	s6 =	sshrl.u32 @!p0 s6, $0x3  }
0x170: {  	s31 =	sor.u32 @!p0 $0x1C05, s31;
	s30 =	sadd.s32 @!p0 s30, s13;
	s6 =	sadd.s32 @!p0 s7, s6  }
0x171: {  	[hbm:s30], [sflag:s31] =	dma.local @!p0 [hbm:s6], $0x8  }
0x172: {  	s6 =	simm.s32 @!p0 $0x5  }
0x173: {  	_ =	swait.ge @!p0 [sflag:s6], $0x8  }
0x174: {  	(v2sf) =	vpush v0, $0x6;
	_ =	sdelay $0xe  }
0x175: {  	s30 =	spop (v2sf)  }
0x176: {  	p1 =	slt.s32 s30, $0xF4240  }
0x177: {  	[sflag:s6] =	ssyncset.done @!p0 $0x0;
	s30 =	sshll.u32 @!p1 s30, $0x6  }
0x178: {  	[sflag:s6] =	ssyncadd.s32 @!p0 $0xFFFFFFF8;
	s6 =	sadd.s32 @!p1 $0xFC2F7000, s30  }
0x179: {  	s31 =	sshll.u32 @!p1 s1, $0x6;
	s30 =	sand.u32 @!p1 $0x1FFFEF80, s8;
	s6 =	sshrl.u32 @!p1 s6, $0x3  }
0x17a: {  	s31 =	sor.u32 @!p1 $0x1C05, s31;
	s30 =	sadd.s32 @!p1 s30, s14;
	s6 =	sadd.s32 @!p1 s7, s6  }
0x17b: {  	[hbm:s30], [sflag:s31] =	dma.local @!p1 [hbm:s6], $0x8  }
0x17c: {  	s6 =	simm.s32 @!p1 $0x5  }
0x17d: {  	_ =	swait.ge @!p1 [sflag:s6], $0x8  }
0x17e: {  	(v2sf) =	vpush v0, $0x7;
	_ =	sdelay $0xe  }
0x17f: {  	s30 =	spop (v2sf)  }
0x180: {  	p0 =	slt.s32 s30, $0xF4240  }
0x181: {  	[sflag:s6] =	ssyncset.done @!p1 $0x0;
	s30 =	sshll.u32 @!p0 s30, $0x6  }
0x182: {  	[sflag:s6] =	ssyncadd.s32 @!p1 $0xFFFFFFF8;
	s6 =	sadd.s32 @!p0 $0xFC2F7000, s30  }
0x183: {  	s31 =	sshll.u32 @!p0 s1, $0x6;
	s30 =	sand.u32 @!p0 $0x1FFFEF80, s8;
	s6 =	sshrl.u32 @!p0 s6, $0x3  }
0x184: {  	s31 =	sor.u32 @!p0 $0x1C05, s31;
	s30 =	sadd.s32 @!p0 s30, s15;
	s6 =	sadd.s32 @!p0 s7, s6  }
0x185: {  	[hbm:s30], [sflag:s31] =	dma.local @!p0 [hbm:s6], $0x8  }
0x186: {  	s6 =	simm.s32 @!p0 $0x5  }
0x187: {  	_ =	swait.ge @!p0 [sflag:s6], $0x8  }
0x188: {  	(v2sf) =	vpush v0, $0x8;
	_ =	sdelay $0xe  }
0x189: {  	s30 =	spop (v2sf)  }
0x18a: {  	p1 =	slt.s32 s30, $0xF4240  }
0x18b: {  	[sflag:s6] =	ssyncset.done @!p0 $0x0;
	s30 =	sshll.u32 @!p1 s30, $0x6  }
0x18c: {  	[sflag:s6] =	ssyncadd.s32 @!p0 $0xFFFFFFF8;
	s6 =	sadd.s32 @!p1 $0xFC2F7000, s30  }
0x18d: {  	s31 =	sshll.u32 @!p1 s1, $0x6;
	s30 =	sand.u32 @!p1 $0x1FFFEF80, s8;
	s6 =	sshrl.u32 @!p1 s6, $0x3  }
0x18e: {  	s31 =	sor.u32 @!p1 $0x1C05, s31;
	s30 =	sadd.s32 @!p1 s30, s16;
	s6 =	sadd.s32 @!p1 s7, s6  }
0x18f: {  	[hbm:s30], [sflag:s31] =	dma.local @!p1 [hbm:s6], $0x8  }
0x190: {  	s6 =	simm.s32 @!p1 $0x5  }
0x191: {  	_ =	swait.ge @!p1 [sflag:s6], $0x8  }
0x192: {  	(v2sf) =	vpush v0, $0x9;
	_ =	sdelay $0xe  }
0x193: {  	s30 =	spop (v2sf)  }
0x194: {  	p0 =	slt.s32 s30, $0xF4240  }
0x195: {  	[sflag:s6] =	ssyncset.done @!p1 $0x0;
	s30 =	sshll.u32 @!p0 s30, $0x6  }
0x196: {  	[sflag:s6] =	ssyncadd.s32 @!p1 $0xFFFFFFF8;
	s6 =	sadd.s32 @!p0 $0xFC2F7000, s30  }
0x197: {  	s31 =	sshll.u32 @!p0 s1, $0x6;
	s30 =	sand.u32 @!p0 $0x1FFFEF80, s8;
	s6 =	sshrl.u32 @!p0 s6, $0x3  }
0x198: {  	s31 =	sor.u32 @!p0 $0x1C05, s31;
	s30 =	sadd.s32 @!p0 s30, s17;
	s6 =	sadd.s32 @!p0 s7, s6  }
0x199: {  	[hbm:s30], [sflag:s31] =	dma.local @!p0 [hbm:s6], $0x8  }
0x19a: {  	s6 =	simm.s32 @!p0 $0x5  }
0x19b: {  	_ =	swait.ge @!p0 [sflag:s6], $0x8  }
0x19c: {  	(v2sf) =	vpush v0, $0xA;
	_ =	sdelay $0xe  }
0x19d: {  	s30 =	spop (v2sf)  }
0x19e: {  	p1 =	slt.s32 s30, $0xF4240  }
0x19f: {  	[sflag:s6] =	ssyncset.done @!p0 $0x0;
	s30 =	sshll.u32 @!p1 s30, $0x6  }
0x1a0: {  	[sflag:s6] =	ssyncadd.s32 @!p0 $0xFFFFFFF8;
	s6 =	sadd.s32 @!p1 $0xFC2F7000, s30  }
0x1a1: {  	s31 =	sshll.u32 @!p1 s1, $0x6;
	s30 =	sand.u32 @!p1 $0x1FFFEF80, s8;
	s6 =	sshrl.u32 @!p1 s6, $0x3  }
0x1a2: {  	s31 =	sor.u32 @!p1 $0x1C05, s31;
	s30 =	sadd.s32 @!p1 s30, s18;
	s6 =	sadd.s32 @!p1 s7, s6  }
0x1a3: {  	[hbm:s30], [sflag:s31] =	dma.local @!p1 [hbm:s6], $0x8  }
0x1a4: {  	s6 =	simm.s32 @!p1 $0x5  }
0x1a5: {  	_ =	swait.ge @!p1 [sflag:s6], $0x8  }
0x1a6: {  	(v2sf) =	vpush v0, $0xB;
	_ =	sdelay $0xe  }
0x1a7: {  	s30 =	spop (v2sf)  }
0x1a8: {  	p0 =	slt.s32 s30, $0xF4240  }
0x1a9: {  	[sflag:s6] =	ssyncset.done @!p1 $0x0;
	s30 =	sshll.u32 @!p0 s30, $0x6  }
0x1aa: {  	[sflag:s6] =	ssyncadd.s32 @!p1 $0xFFFFFFF8;
	s6 =	sadd.s32 @!p0 $0xFC2F7000, s30  }
0x1ab: {  	s31 =	sshll.u32 @!p0 s1, $0x6;
	s30 =	sand.u32 @!p0 $0x1FFFEF80, s8;
	s6 =	sshrl.u32 @!p0 s6, $0x3  }
0x1ac: {  	s31 =	sor.u32 @!p0 $0x1C05, s31;
	s30 =	sadd.s32 @!p0 s30, s19;
	s6 =	sadd.s32 @!p0 s7, s6  }
0x1ad: {  	[hbm:s30], [sflag:s31] =	dma.local @!p0 [hbm:s6], $0x8  }
0x1ae: {  	s6 =	simm.s32 @!p0 $0x5  }
0x1af: {  	_ =	swait.ge @!p0 [sflag:s6], $0x8  }
0x1b0: {  	(v2sf) =	vpush v0, $0xC;
	_ =	sdelay $0xe  }
0x1b1: {  	s30 =	spop (v2sf)  }
0x1b2: {  	p1 =	slt.s32 s30, $0xF4240  }
0x1b3: {  	[sflag:s6] =	ssyncset.done @!p0 $0x0;
	s30 =	sshll.u32 @!p1 s30, $0x6  }
0x1b4: {  	[sflag:s6] =	ssyncadd.s32 @!p0 $0xFFFFFFF8;
	s6 =	sadd.s32 @!p1 $0xFC2F7000, s30  }
0x1b5: {  	s31 =	sshll.u32 @!p1 s1, $0x6;
	s30 =	sand.u32 @!p1 $0x1FFFEF80, s8;
	s6 =	sshrl.u32 @!p1 s6, $0x3  }
0x1b6: {  	s31 =	sor.u32 @!p1 $0x1C05, s31;
	s30 =	sadd.s32 @!p1 s30, s20;
	s6 =	sadd.s32 @!p1 s7, s6  }
0x1b7: {  	[hbm:s30], [sflag:s31] =	dma.local @!p1 [hbm:s6], $0x8  }
0x1b8: {  	s6 =	simm.s32 @!p1 $0x5  }
0x1b9: {  	_ =	swait.ge @!p1 [sflag:s6], $0x8  }
0x1ba: {  	(v2sf) =	vpush v0, $0xD;
	_ =	sdelay $0xe  }
0x1bb: {  	s30 =	spop (v2sf)  }
0x1bc: {  	p0 =	slt.s32 s30, $0xF4240  }
0x1bd: {  	[sflag:s6] =	ssyncset.done @!p1 $0x0;
	s30 =	sshll.u32 @!p0 s30, $0x6  }
0x1be: {  	[sflag:s6] =	ssyncadd.s32 @!p1 $0xFFFFFFF8;
	s6 =	sadd.s32 @!p0 $0xFC2F7000, s30  }
0x1bf: {  	s31 =	sshll.u32 @!p0 s1, $0x6;
	s30 =	sand.u32 @!p0 $0x1FFFEF80, s8;
	s6 =	sshrl.u32 @!p0 s6, $0x3  }
0x1c0: {  	s31 =	sor.u32 @!p0 $0x1C05, s31;
	s30 =	sadd.s32 @!p0 s30, s21;
	s6 =	sadd.s32 @!p0 s7, s6  }
0x1c1: {  	[hbm:s30], [sflag:s31] =	dma.local @!p0 [hbm:s6], $0x8  }
0x1c2: {  	s6 =	simm.s32 @!p0 $0x5  }
0x1c3: {  	_ =	swait.ge @!p0 [sflag:s6], $0x8  }
0x1c4: {  	(v2sf) =	vpush v0, $0xE;
	_ =	sdelay $0xe  }
0x1c5: {  	s30 =	spop (v2sf)  }
0x1c6: {  	p1 =	slt.s32 s30, $0xF4240  }
0x1c7: {  	[sflag:s6] =	ssyncset.done @!p0 $0x0;
	s30 =	sshll.u32 @!p1 s30, $0x6  }
0x1c8: {  	[sflag:s6] =	ssyncadd.s32 @!p0 $0xFFFFFFF8;
	s6 =	sadd.s32 @!p1 $0xFC2F7000, s30  }
0x1c9: {  	s31 =	sshll.u32 @!p1 s1, $0x6;
	s30 =	sand.u32 @!p1 $0x1FFFEF80, s8;
	s6 =	sshrl.u32 @!p1 s6, $0x3  }
0x1ca: {  	s31 =	sor.u32 @!p1 $0x1C05, s31;
	s30 =	sadd.s32 @!p1 s30, s23;
	s6 =	sadd.s32 @!p1 s7, s6  }
0x1cb: {  	[hbm:s30], [sflag:s31] =	dma.local @!p1 [hbm:s6], $0x8  }
0x1cc: {  	s6 =	simm.s32 @!p1 $0x5  }
0x1cd: {  	_ =	swait.ge @!p1 [sflag:s6], $0x8  }
0x1ce: {  	(v2sf) =	vpush v0, $0xF;
	_ =	sdelay $0xe  }
0x1cf: {  	s30 =	spop (v2sf)  }
0x1d0: {  	p0 =	slt.s32 s30, $0xF4240  }
0x1d1: {  	[sflag:s6] =	ssyncset.done @!p1 $0x0;
	s30 =	sshll.u32 @!p0 s30, $0x6  }
0x1d2: {  	[sflag:s6] =	ssyncadd.s32 @!p1 $0xFFFFFFF8;
	s6 =	sadd.s32 @!p0 $0xFC2F7000, s30  }
0x1d3: {  	s31 =	sshll.u32 @!p0 s1, $0x6;
	s30 =	sand.u32 @!p0 $0x1FFFEF80, s8;
	s6 =	sshrl.u32 @!p0 s6, $0x3  }
0x1d4: {  	s31 =	sor.u32 @!p0 $0x1C05, s31;
	s30 =	sadd.s32 @!p0 s30, s26;
	s6 =	sadd.s32 @!p0 s7, s6  }
0x1d5: {  	[hbm:s30], [sflag:s31] =	dma.local @!p0 [hbm:s6], $0x8  }
.Ltmp14:
0x1d6: {  	_ = 	snop;
	(pc) =	sbr.rel .LBB2_14-.Ltmp14, $4  }
0x1d7: {  	s6 =	simm.s32 @!p0 $0x5  }
0x1d8: {  	_ =	swait.ge @!p0 [sflag:s6], $0x8  }
0x1d9: {  	[sflag:s6] =	ssyncset.done @!p0 $0x0  }
0x1da: {  	[sflag:s6] =	ssyncadd.s32 @!p0 $0xFFFFFFF8  }
.LBB2_15:
0x1db: {  	p0 =	seq.s32 s25, $0x18  }
.Ltmp15:
0x1dc: {  	_ = 	snop;
	(pc) =	sbr.rel @p0 .LBB2_19-.Ltmp15, $1  }
0x1dd: {  	_ =	sdelay $0x3  }
0x1de: {  	s6 =	rddreg [dreg:$0xa]  }
0x1df: {  	s5 =	sadd.s32 s5, s6  }
0x1e0: {  	s28 =	rddreg [dreg:$0x4];
	s5 =	sshrl.u32 s5, $0x3  }
0x1e1: {  	s30 =	simm.s32 $0x0;
	s31 =	simm.s32 $0x6;
	s5 =	sadd.s32 s28, s5  }
0x1e2: {  	[tilespmem:s30], [sflag:$0x6] =	stream.linear.gather [hbm4b:s5+s30], $0x200, $0x38;
	[tilespmem:$0x10800] =	vst v63  }
0x1e3: {  	_ =	swait.ge [sflag:s31], $0x200  }
0x1e4: {  	[sflag:s31] =	ssyncset.done $0x0  }
0x1e5: {  	s5 =	simm.s32 $0x0;
	[sflag:s31] =	ssyncadd.s32 $0xFFFFFE00  }
0x1e6: {  	v0 =	vld [tilespmem:s5+$0x0]  }
0x1e7: {  	s8 =	simm.s32 $0x40  }
.LBB2_17:
0x1e8: {  	p0 =	sne.s32 s8, $0x7C0  }
.Ltmp16:
0x1e9: {  	_ = 	snop;
	(pc) =	sbr.rel @p0 .LBB2_17-.Ltmp16, $4  }
0x1ea: {  	_ = 	snop  }
0x1eb: {  	s6 =	sshra.s32 s8, $0x2;
	s8 =	sadd.s32 $0x40, s8;
	vm0 =	vgt.s32 v0, $0xF423F  }
0x1ec: {  	v1 =	vsel vm0, $0x0, v0;
	v0 =	vld [tilespmem:s6+$0x0]  }
0x1ed: {  	[tilespmem:s5+$0x400] =	vst v1;
	s5 =	smov.u32 s6  }
0x1ee: {  	_ =	sdelay $0x2  }
0x1ef: {  	vm0 =	vgt.s32 v0, $0xF423F  }
0x1f0: {  	s6 =	simm.s32 $0x80;
	v0 =	vsel vm0, $0x0, v0  }
0x1f1: {  	s8 =	simm.s32 $0x400;
	s28 =	simm.s32 $0x800;
	[tilespmem:s5+$0x400] =	vst v0;
	s5 =	rddreg [dreg:$0x5]  }
0x1f2: {  	[tilespmem:s28], [sflag:$0x1] =	stream.indirect.gather [hbm4b:s5+s6], $0x40, s8, s6, $0xb8;
	[tilespmem:$0x10800] =	vst v63  }
0x1f3: {  	s30 =	simm.s32 $0x480;
	s31 =	simm.s32 $0x2800  }
0x1f4: {  	[tilespmem:s31], [sflag:$0x1] =	stream.indirect.gather [hbm4b:s5+s6], $0x40, s30, s6, $0xb8;
	[tilespmem:$0x10800] =	vst v63  }
.Ltmp17:
0x1f5: {  	_ = 	snop;
	(pc) =	sbr.rel .LBB2_19-.Ltmp17, $4  }
0x1f6: {  	s30 =	simm.s32 $0x500;
	s31 =	simm.s32 $0x4800  }
0x1f7: {  	[tilespmem:s31], [sflag:$0x1] =	stream.indirect.gather [hbm4b:s5+s6], $0x40, s30, s6, $0xb8;
	[tilespmem:$0x10800] =	vst v63  }
0x1f8: {  	s30 =	simm.s32 $0x580;
	s31 =	simm.s32 $0x6800  }
0x1f9: {  	[tilespmem:s31], [sflag:$0x1] =	stream.indirect.gather [hbm4b:s5+s6], $0x40, s30, s6, $0xb8;
	[tilespmem:$0x10800] =	vst v63  }
.LBB2_20:
.Ltmp18:
0x1fa: {  	(pc) =	sbr.rel .LBB2_21-.Ltmp18, $4  }
0x1fb: {  	s0 =	simm.s32 $0x4  }
0x1fc: {  	_ =	swait.ge [sflag:s0], $0x8000  }
0x1fd: {  	[sflag:s0] =	ssyncset.done $0x0  }
0x1fe: {  	s4 =	simm.s32 $0x200;
	[sflag:s0] =	ssyncadd.s32 $0xFFFF8000;
	s0 =	simm.s32 $0x0  }
.LBB2_23:
0x1ff: {  	s0 =	sadd.s32 $0x80, s0  }
0x200: {  	p0 =	sne.s32 s0, $0x1000  }
.Ltmp19:
0x201: {  	_ = 	snop;
	(pc) =	sbr.rel @!p0 .LBB2_24-.Ltmp19, $2  }
0x202: {  	_ =	sdelay $0x2  }
0x203: {  	s4 =	sadd.s32 $0x10, s4  }
.LBB2_21:
0x204: {  	v0 =	vld [tilespmem:s4+$0x0];
	_ =	sdelay $0x4  }
0x205: {  	vm0 =	vgt.s32 v0, $0xF423F  }
0x206: {  	v1 =	vmpcnt.ones.xlane vm0;
	_ =	sdelay $0x1  }
0x207: {  	(v2sf) =	vpush v1, $0x0;
	_ =	sdelay $0xe  }
0x208: {  	s5 =	spop (v2sf)  }
0x209: {  	p0 =	slt.s32 s5, $0x1  }
.Ltmp20:
0x20a: {  	_ = 	snop;
	(pc) =	sbr.rel @p0 .LBB2_23-.Ltmp20, $1  }
0x20b: {  	_ =	sdelay $0x3  }
0x20c: {  	(v2sf) =	vpush v0, $0x0;
	_ =	sdelay $0xe  }
0x20d: {  	s5 =	spop (v2sf)  }
0x20e: {  	p1 =	slt.s32 s5, $0xF4240  }
0x20f: {  	s5 =	sshll.u32 @!p1 s5, $0x6  }
0x210: {  	s5 =	sadd.s32 @!p1 $0xFC2F7000, s5  }
0x211: {  	s6 =	sadd.s32 @!p1 s0, s29;
	s8 =	sshll.u32 @!p1 s1, $0x6;
	s5 =	sshrl.u32 @!p1 s5, $0x3  }
0x212: {  	s6 =	sadd.s32 @!p1 $0x31000, s6;
	s8 =	sor.u32 @!p1 $0x1C05, s8;
	s5 =	sadd.s32 @!p1 s7, s5  }
0x213: {  	[hbm:s6], [sflag:s8] =	dma.local @!p1 [hbm:s5], $0x8  }
0x214: {  	s5 =	simm.s32 @!p1 $0x5  }
0x215: {  	_ =	swait.ge @!p1 [sflag:s5], $0x8  }
0x216: {  	(v2sf) =	vpush v0, $0x1;
	_ =	sdelay $0xe  }
0x217: {  	s6 =	spop (v2sf)  }
0x218: {  	p0 =	slt.s32 s6, $0xF4240  }
0x219: {  	[sflag:s5] =	ssyncset.done @!p1 $0x0;
	s6 =	sshll.u32 @!p0 s6, $0x6  }
0x21a: {  	[sflag:s5] =	ssyncadd.s32 @!p1 $0xFFFFFFF8;
	s5 =	sadd.s32 @!p0 $0xFC2F7000, s6  }
0x21b: {  	s8 =	sshll.u32 @!p0 s1, $0x6;
	s6 =	sadd.s32 @!p0 s0, s29;
	s5 =	sshrl.u32 @!p0 s5, $0x3  }
0x21c: {  	s8 =	sor.u32 @!p0 $0x1C05, s8;
	s6 =	sadd.s32 @!p0 $0x31008, s6;
	s5 =	sadd.s32 @!p0 s7, s5  }
0x21d: {  	[hbm:s6], [sflag:s8] =	dma.local @!p0 [hbm:s5], $0x8  }
0x21e: {  	s5 =	simm.s32 @!p0 $0x5  }
0x21f: {  	_ =	swait.ge @!p0 [sflag:s5], $0x8  }
0x220: {  	(v2sf) =	vpush v0, $0x2;
	_ =	sdelay $0xe  }
0x221: {  	s6 =	spop (v2sf)  }
0x222: {  	p1 =	slt.s32 s6, $0xF4240  }
0x223: {  	[sflag:s5] =	ssyncset.done @!p0 $0x0;
	s6 =	sshll.u32 @!p1 s6, $0x6  }
0x224: {  	[sflag:s5] =	ssyncadd.s32 @!p0 $0xFFFFFFF8;
	s5 =	sadd.s32 @!p1 $0xFC2F7000, s6  }
0x225: {  	s8 =	sshll.u32 @!p1 s1, $0x6;
	s6 =	sadd.s32 @!p1 s0, s29;
	s5 =	sshrl.u32 @!p1 s5, $0x3  }
0x226: {  	s8 =	sor.u32 @!p1 $0x1C05, s8;
	s6 =	sadd.s32 @!p1 $0x31010, s6;
	s5 =	sadd.s32 @!p1 s7, s5  }
0x227: {  	[hbm:s6], [sflag:s8] =	dma.local @!p1 [hbm:s5], $0x8  }
0x228: {  	s5 =	simm.s32 @!p1 $0x5  }
0x229: {  	_ =	swait.ge @!p1 [sflag:s5], $0x8  }
0x22a: {  	(v2sf) =	vpush v0, $0x3;
	_ =	sdelay $0xe  }
0x22b: {  	s6 =	spop (v2sf)  }
0x22c: {  	p0 =	slt.s32 s6, $0xF4240  }
0x22d: {  	[sflag:s5] =	ssyncset.done @!p1 $0x0;
	s6 =	sshll.u32 @!p0 s6, $0x6  }
0x22e: {  	[sflag:s5] =	ssyncadd.s32 @!p1 $0xFFFFFFF8;
	s5 =	sadd.s32 @!p0 $0xFC2F7000, s6  }
0x22f: {  	s8 =	sshll.u32 @!p0 s1, $0x6;
	s6 =	sadd.s32 @!p0 s0, s29;
	s5 =	sshrl.u32 @!p0 s5, $0x3  }
0x230: {  	s8 =	sor.u32 @!p0 $0x1C05, s8;
	s6 =	sadd.s32 @!p0 $0x31018, s6;
	s5 =	sadd.s32 @!p0 s7, s5  }
0x231: {  	[hbm:s6], [sflag:s8] =	dma.local @!p0 [hbm:s5], $0x8  }
0x232: {  	s5 =	simm.s32 @!p0 $0x5  }
0x233: {  	_ =	swait.ge @!p0 [sflag:s5], $0x8  }
0x234: {  	(v2sf) =	vpush v0, $0x4;
	_ =	sdelay $0xe  }
0x235: {  	s6 =	spop (v2sf)  }
0x236: {  	p1 =	slt.s32 s6, $0xF4240  }
0x237: {  	[sflag:s5] =	ssyncset.done @!p0 $0x0;
	s6 =	sshll.u32 @!p1 s6, $0x6  }
0x238: {  	[sflag:s5] =	ssyncadd.s32 @!p0 $0xFFFFFFF8;
	s5 =	sadd.s32 @!p1 $0xFC2F7000, s6  }
0x239: {  	s8 =	sshll.u32 @!p1 s1, $0x6;
	s6 =	sadd.s32 @!p1 s0, s29;
	s5 =	sshrl.u32 @!p1 s5, $0x3  }
0x23a: {  	s8 =	sor.u32 @!p1 $0x1C05, s8;
	s6 =	sadd.s32 @!p1 $0x31020, s6;
	s5 =	sadd.s32 @!p1 s7, s5  }
0x23b: {  	[hbm:s6], [sflag:s8] =	dma.local @!p1 [hbm:s5], $0x8  }
0x23c: {  	s5 =	simm.s32 @!p1 $0x5  }
0x23d: {  	_ =	swait.ge @!p1 [sflag:s5], $0x8  }
0x23e: {  	(v2sf) =	vpush v0, $0x5;
	_ =	sdelay $0xe  }
0x23f: {  	s6 =	spop (v2sf)  }
0x240: {  	p0 =	slt.s32 s6, $0xF4240  }
0x241: {  	[sflag:s5] =	ssyncset.done @!p1 $0x0;
	s6 =	sshll.u32 @!p0 s6, $0x6  }
0x242: {  	[sflag:s5] =	ssyncadd.s32 @!p1 $0xFFFFFFF8;
	s5 =	sadd.s32 @!p0 $0xFC2F7000, s6  }
0x243: {  	s8 =	sshll.u32 @!p0 s1, $0x6;
	s6 =	sadd.s32 @!p0 s0, s29;
	s5 =	sshrl.u32 @!p0 s5, $0x3  }
0x244: {  	s8 =	sor.u32 @!p0 $0x1C05, s8;
	s6 =	sadd.s32 @!p0 $0x31028, s6;
	s5 =	sadd.s32 @!p0 s7, s5  }
0x245: {  	[hbm:s6], [sflag:s8] =	dma.local @!p0 [hbm:s5], $0x8  }
0x246: {  	s5 =	simm.s32 @!p0 $0x5  }
0x247: {  	_ =	swait.ge @!p0 [sflag:s5], $0x8  }
0x248: {  	(v2sf) =	vpush v0, $0x6;
	_ =	sdelay $0xe  }
0x249: {  	s6 =	spop (v2sf)  }
0x24a: {  	p1 =	slt.s32 s6, $0xF4240  }
0x24b: {  	[sflag:s5] =	ssyncset.done @!p0 $0x0;
	s6 =	sshll.u32 @!p1 s6, $0x6  }
0x24c: {  	[sflag:s5] =	ssyncadd.s32 @!p0 $0xFFFFFFF8;
	s5 =	sadd.s32 @!p1 $0xFC2F7000, s6  }
0x24d: {  	s8 =	sshll.u32 @!p1 s1, $0x6;
	s6 =	sadd.s32 @!p1 s0, s29;
	s5 =	sshrl.u32 @!p1 s5, $0x3  }
0x24e: {  	s8 =	sor.u32 @!p1 $0x1C05, s8;
	s6 =	sadd.s32 @!p1 $0x31030, s6;
	s5 =	sadd.s32 @!p1 s7, s5  }
0x24f: {  	[hbm:s6], [sflag:s8] =	dma.local @!p1 [hbm:s5], $0x8  }
0x250: {  	s5 =	simm.s32 @!p1 $0x5  }
0x251: {  	_ =	swait.ge @!p1 [sflag:s5], $0x8  }
0x252: {  	(v2sf) =	vpush v0, $0x7;
	_ =	sdelay $0xe  }
0x253: {  	s6 =	spop (v2sf)  }
0x254: {  	p0 =	slt.s32 s6, $0xF4240  }
0x255: {  	[sflag:s5] =	ssyncset.done @!p1 $0x0;
	s6 =	sshll.u32 @!p0 s6, $0x6  }
0x256: {  	[sflag:s5] =	ssyncadd.s32 @!p1 $0xFFFFFFF8;
	s5 =	sadd.s32 @!p0 $0xFC2F7000, s6  }
0x257: {  	s8 =	sshll.u32 @!p0 s1, $0x6;
	s6 =	sadd.s32 @!p0 s0, s29;
	s5 =	sshrl.u32 @!p0 s5, $0x3  }
0x258: {  	s8 =	sor.u32 @!p0 $0x1C05, s8;
	s6 =	sadd.s32 @!p0 $0x31038, s6;
	s5 =	sadd.s32 @!p0 s7, s5  }
0x259: {  	[hbm:s6], [sflag:s8] =	dma.local @!p0 [hbm:s5], $0x8  }
0x25a: {  	s5 =	simm.s32 @!p0 $0x5  }
0x25b: {  	_ =	swait.ge @!p0 [sflag:s5], $0x8  }
0x25c: {  	(v2sf) =	vpush v0, $0x8;
	_ =	sdelay $0xe  }
0x25d: {  	s6 =	spop (v2sf)  }
0x25e: {  	p1 =	slt.s32 s6, $0xF4240  }
0x25f: {  	[sflag:s5] =	ssyncset.done @!p0 $0x0;
	s6 =	sshll.u32 @!p1 s6, $0x6  }
0x260: {  	[sflag:s5] =	ssyncadd.s32 @!p0 $0xFFFFFFF8;
	s5 =	sadd.s32 @!p1 $0xFC2F7000, s6  }
0x261: {  	s8 =	sshll.u32 @!p1 s1, $0x6;
	s6 =	sadd.s32 @!p1 s0, s29;
	s5 =	sshrl.u32 @!p1 s5, $0x3  }
0x262: {  	s8 =	sor.u32 @!p1 $0x1C05, s8;
	s6 =	sadd.s32 @!p1 $0x31040, s6;
	s5 =	sadd.s32 @!p1 s7, s5  }
0x263: {  	[hbm:s6], [sflag:s8] =	dma.local @!p1 [hbm:s5], $0x8  }
0x264: {  	s5 =	simm.s32 @!p1 $0x5  }
0x265: {  	_ =	swait.ge @!p1 [sflag:s5], $0x8  }
0x266: {  	(v2sf) =	vpush v0, $0x9;
	_ =	sdelay $0xe  }
0x267: {  	s6 =	spop (v2sf)  }
0x268: {  	p0 =	slt.s32 s6, $0xF4240  }
0x269: {  	[sflag:s5] =	ssyncset.done @!p1 $0x0;
	s6 =	sshll.u32 @!p0 s6, $0x6  }
0x26a: {  	[sflag:s5] =	ssyncadd.s32 @!p1 $0xFFFFFFF8;
	s5 =	sadd.s32 @!p0 $0xFC2F7000, s6  }
0x26b: {  	s8 =	sshll.u32 @!p0 s1, $0x6;
	s6 =	sadd.s32 @!p0 s0, s29;
	s5 =	sshrl.u32 @!p0 s5, $0x3  }
0x26c: {  	s8 =	sor.u32 @!p0 $0x1C05, s8;
	s6 =	sadd.s32 @!p0 $0x31048, s6;
	s5 =	sadd.s32 @!p0 s7, s5  }
0x26d: {  	[hbm:s6], [sflag:s8] =	dma.local @!p0 [hbm:s5], $0x8  }
0x26e: {  	s5 =	simm.s32 @!p0 $0x5  }
0x26f: {  	_ =	swait.ge @!p0 [sflag:s5], $0x8  }
0x270: {  	(v2sf) =	vpush v0, $0xA;
	_ =	sdelay $0xe  }
0x271: {  	s6 =	spop (v2sf)  }
0x272: {  	p1 =	slt.s32 s6, $0xF4240  }
0x273: {  	[sflag:s5] =	ssyncset.done @!p0 $0x0;
	s6 =	sshll.u32 @!p1 s6, $0x6  }
0x274: {  	[sflag:s5] =	ssyncadd.s32 @!p0 $0xFFFFFFF8;
	s5 =	sadd.s32 @!p1 $0xFC2F7000, s6  }
0x275: {  	s8 =	sshll.u32 @!p1 s1, $0x6;
	s6 =	sadd.s32 @!p1 s0, s29;
	s5 =	sshrl.u32 @!p1 s5, $0x3  }
0x276: {  	s8 =	sor.u32 @!p1 $0x1C05, s8;
	s6 =	sadd.s32 @!p1 $0x31050, s6;
	s5 =	sadd.s32 @!p1 s7, s5  }
0x277: {  	[hbm:s6], [sflag:s8] =	dma.local @!p1 [hbm:s5], $0x8  }
0x278: {  	s5 =	simm.s32 @!p1 $0x5  }
0x279: {  	_ =	swait.ge @!p1 [sflag:s5], $0x8  }
0x27a: {  	(v2sf) =	vpush v0, $0xB;
	_ =	sdelay $0xe  }
0x27b: {  	s6 =	spop (v2sf)  }
0x27c: {  	p0 =	slt.s32 s6, $0xF4240  }
0x27d: {  	[sflag:s5] =	ssyncset.done @!p1 $0x0;
	s6 =	sshll.u32 @!p0 s6, $0x6  }
0x27e: {  	[sflag:s5] =	ssyncadd.s32 @!p1 $0xFFFFFFF8;
	s5 =	sadd.s32 @!p0 $0xFC2F7000, s6  }
0x27f: {  	s8 =	sshll.u32 @!p0 s1, $0x6;
	s6 =	sadd.s32 @!p0 s0, s29;
	s5 =	sshrl.u32 @!p0 s5, $0x3  }
0x280: {  	s8 =	sor.u32 @!p0 $0x1C05, s8;
	s6 =	sadd.s32 @!p0 $0x31058, s6;
	s5 =	sadd.s32 @!p0 s7, s5  }
0x281: {  	[hbm:s6], [sflag:s8] =	dma.local @!p0 [hbm:s5], $0x8  }
0x282: {  	s5 =	simm.s32 @!p0 $0x5  }
0x283: {  	_ =	swait.ge @!p0 [sflag:s5], $0x8  }
0x284: {  	(v2sf) =	vpush v0, $0xC;
	_ =	sdelay $0xe  }
0x285: {  	s6 =	spop (v2sf)  }
0x286: {  	p1 =	slt.s32 s6, $0xF4240  }
0x287: {  	[sflag:s5] =	ssyncset.done @!p0 $0x0;
	s6 =	sshll.u32 @!p1 s6, $0x6  }
0x288: {  	[sflag:s5] =	ssyncadd.s32 @!p0 $0xFFFFFFF8;
	s5 =	sadd.s32 @!p1 $0xFC2F7000, s6  }
0x289: {  	s8 =	sshll.u32 @!p1 s1, $0x6;
	s6 =	sadd.s32 @!p1 s0, s29;
	s5 =	sshrl.u32 @!p1 s5, $0x3  }
0x28a: {  	s8 =	sor.u32 @!p1 $0x1C05, s8;
	s6 =	sadd.s32 @!p1 $0x31060, s6;
	s5 =	sadd.s32 @!p1 s7, s5  }
0x28b: {  	[hbm:s6], [sflag:s8] =	dma.local @!p1 [hbm:s5], $0x8  }
0x28c: {  	s5 =	simm.s32 @!p1 $0x5  }
0x28d: {  	_ =	swait.ge @!p1 [sflag:s5], $0x8  }
0x28e: {  	(v2sf) =	vpush v0, $0xD;
	_ =	sdelay $0xe  }
0x28f: {  	s6 =	spop (v2sf)  }
0x290: {  	p0 =	slt.s32 s6, $0xF4240  }
0x291: {  	[sflag:s5] =	ssyncset.done @!p1 $0x0;
	s6 =	sshll.u32 @!p0 s6, $0x6  }
0x292: {  	[sflag:s5] =	ssyncadd.s32 @!p1 $0xFFFFFFF8;
	s5 =	sadd.s32 @!p0 $0xFC2F7000, s6  }
0x293: {  	s8 =	sshll.u32 @!p0 s1, $0x6;
	s6 =	sadd.s32 @!p0 s0, s29;
	s5 =	sshrl.u32 @!p0 s5, $0x3  }
0x294: {  	s8 =	sor.u32 @!p0 $0x1C05, s8;
	s6 =	sadd.s32 @!p0 $0x31068, s6;
	s5 =	sadd.s32 @!p0 s7, s5  }
0x295: {  	[hbm:s6], [sflag:s8] =	dma.local @!p0 [hbm:s5], $0x8  }
0x296: {  	s5 =	simm.s32 @!p0 $0x5  }
0x297: {  	_ =	swait.ge @!p0 [sflag:s5], $0x8  }
0x298: {  	(v2sf) =	vpush v0, $0xE;
	_ =	sdelay $0xe  }
0x299: {  	s6 =	spop (v2sf)  }
0x29a: {  	p1 =	slt.s32 s6, $0xF4240  }
0x29b: {  	[sflag:s5] =	ssyncset.done @!p0 $0x0;
	s6 =	sshll.u32 @!p1 s6, $0x6  }
0x29c: {  	[sflag:s5] =	ssyncadd.s32 @!p0 $0xFFFFFFF8;
	s5 =	sadd.s32 @!p1 $0xFC2F7000, s6  }
0x29d: {  	s8 =	sshll.u32 @!p1 s1, $0x6;
	s6 =	sadd.s32 @!p1 s0, s29;
	s5 =	sshrl.u32 @!p1 s5, $0x3  }
0x29e: {  	s8 =	sor.u32 @!p1 $0x1C05, s8;
	s6 =	sadd.s32 @!p1 $0x31070, s6;
	s5 =	sadd.s32 @!p1 s7, s5  }
0x29f: {  	[hbm:s6], [sflag:s8] =	dma.local @!p1 [hbm:s5], $0x8  }
0x2a0: {  	s5 =	simm.s32 @!p1 $0x5  }
0x2a1: {  	_ =	swait.ge @!p1 [sflag:s5], $0x8  }
0x2a2: {  	(v2sf) =	vpush v0, $0xF;
	_ =	sdelay $0xe  }
0x2a3: {  	s6 =	spop (v2sf)  }
0x2a4: {  	p0 =	slt.s32 s6, $0xF4240  }
0x2a5: {  	[sflag:s5] =	ssyncset.done @!p1 $0x0;
	s6 =	sshll.u32 @!p0 s6, $0x6  }
0x2a6: {  	[sflag:s5] =	ssyncadd.s32 @!p1 $0xFFFFFFF8;
	s5 =	sadd.s32 @!p0 $0xFC2F7000, s6  }
0x2a7: {  	s8 =	sshll.u32 @!p0 s1, $0x6;
	s6 =	sadd.s32 @!p0 s0, s29;
	s5 =	sshrl.u32 @!p0 s5, $0x3  }
0x2a8: {  	s8 =	sor.u32 @!p0 $0x1C05, s8;
	s6 =	sadd.s32 @!p0 $0x31078, s6;
	s5 =	sadd.s32 @!p0 s7, s5  }
0x2a9: {  	[hbm:s6], [sflag:s8] =	dma.local @!p0 [hbm:s5], $0x8  }
.Ltmp21:
0x2aa: {  	_ = 	snop;
	(pc) =	sbr.rel .LBB2_23-.Ltmp21, $4  }
0x2ab: {  	s5 =	simm.s32 @!p0 $0x5  }
0x2ac: {  	_ =	swait.ge @!p0 [sflag:s5], $0x8  }
0x2ad: {  	[sflag:s5] =	ssyncset.done @!p0 $0x0  }
0x2ae: {  	[sflag:s5] =	ssyncadd.s32 @!p0 $0xFFFFFFF8  }
.LBB2_25:
0x2af: {  	_ =	sfence.sel $0x180000  }
0x2b0: {  	[bflag:$0x0] =	sbarrier.arrive $0xFFFF  }
0x2b1: {  	_ =	strace $0x90000047  }
0x2b2: {  	[bflag:$0x2] =	sbarrier.arrive $0xFFFF  }
0x2b3: {  	p0 =	sne.s32 s1, $0x0;
	s0 =	rddreg [dreg:$0x2]  }
0x2b4: {  	s0 =	sadd.s32 @!p0 $0x100000, s0  }
0x2b5: {  	[sflag:s0] =	ssyncadd.tile.s32 @!p0 $0x1;
	_ =	shalt  }
.Lfunc_end2:
_tile_overlayer_lowered:
.L_overlay_start_2:
0x2b6: {  	(tag) =	ssettag $0x2  }
0x2b7: {  	s0 =	rddreg [dreg:$0x0];
	s2 =	stileid.u32  }
0x2b8: {  	s1 =	rddreg [dreg:$0x1];
	p0 =	sne.s32 s2, $0x0  }
0x2b9: {  	s3 =	rddreg [dreg:$0x2];
	[bflag:$0x3] =	sbarrier.arrive $0xFFFF;
	s2 =	simm.s32 @!p0 $0x1C06  }
0x2ba: {  	[timem:s3], [sflag:s2] =	dma.local @!p0 [hbm:s0], s1  }
0x2bb: {  	s0 =	simm.s32 @!p0 $0x6  }
0x2bc: {  	_ =	swait.ge @!p0 [sflag:s0], s1  }
0x2bd: {  	s1 =	ssub.s32 @!p0 $0x0, s1;
	[sflag:s0] =	ssyncset.done @!p0 $0x0  }
0x2be: {  	[sflag:s0] =	ssyncadd.s32 @!p0 s1  }
0x2bf: {  	[bflag:$0x3] =	sbarrier.arrive $0xFFFF  }
0x2c0: {  	_ =	shalt  }

// kernel: sparse-core-data-format-call.cloned.1.call-start
scs
called_computation_lowered:
.L_overlay_start_0:
0x0: {  	s2 =	sld [smem:$0x3FD9]  }
0x1: {  	s3 =	sld [smem:$0x3FFE];
	_ =	sdelay $0x1  }
0x2: {  	s1 =	srdreg.scid  }
0x3: {  	s0 =	sand.u32 $0x1, s1  }
0x4: {  	s18 =	sshll.u32 s0, $0xA;
	s2 =	sadd.s32 s3, s2  }
0x5: {  	s2 =	sadd.s32 s2, s18  }
0x6: {  	[smem:$0x3FC5] =	sst s2  }
0x7: {  	_ = 	snop  }
0x8: {  	s2 =	sld [smem:$0x3FD0];
	(tm) =	ssettm $0x1  }
0x9: {  	s19 =	sld [smem:$0x3FFB];
	_ =	sdelay $0x3  }
0xa: {  	_ =	strace s19  }
0xb: {  	s3 =	sld [smem:$0x3FFC];
	_ =	sdelay $0x3  }
0xc: {  	_ =	strace s3  }
0xd: {  	s3 =	sld [smem:$0x3FFD];
	_ =	sdelay $0x3  }
0xe: {  	_ =	strace s3  }
0xf: {  	_ =	strace $0x8FFFFFFF  }
0x10: {  	s20 =	sld [smem:$0x3FDB];
	_ =	sdelay $0x1  }
0x11: {  	s4 =	simm.s32 $_scs_section_size  }
0x12: {  	s5 =	simm.s32 $_size__tile_overlayer_lowered;
	s6 =	simm.s32 $_tile_overlayer_lowered  }
0x13: {  	s23 =	simm.s32 $0x1BFF;
	s22 =	sshll.u32 s6, $0x1;
	s3 =	sadd.s32 s4, s20  }
0x14: {  	s7 =	simm.s32 $0x0;
	s21 =	sshll.u32 s5, $0x1;
	s5 =	sadd.s32 s22, s3  }
0x15: {  	[timem:s7], [sflag:s23] =	dma.local [hbm:s5], s21  }
0x16: {  	_ =	swait.ge [sflag:s23], s21  }
0x17: {  	s4 =	ssub.s32 $0x0, s21;
	[sflag:s23] =	ssyncset.done $0x0  }
0x18: {  	[sflag:s23] =	ssyncadd.s32 s4;
	_ =	sdelay $0x1  }
0x19: {  	s24 =	simm.s32 $0x1B8B  }
0x1a: {  	_ =	swait.ge [sflag:s24], $0x1  }
0x1b: {  	[sflag:s24] =	ssyncset.done $0x0  }
0x1c: {  	s26 =	simm.s32 $0x1B8E;
	s25 =	sld [smem:$0x3FFE];
	[sflag:s24] =	ssyncadd.s32 $0xFFFFFFFF  }
0x1d: {  	s27 =	simm.s32 $execute0_lowered;
	[smem:$0x3FD2] =	sst s26  }
0x1e: {  	s5 =	sshll.u32 s27, $0x1;
	_ =	strace $0x80000049;
	[dreg:$0x1] =	wrdreg $0xFFFFFFFF  }
0x1f: {  	s28 =	simm.s32 $_size_execute0_lowered;
	s3 =	sadd.s32 s3, s5;
	[dreg:$0x0] =	wrdreg $0x0  }
0x20: {  	s5 =	sshll.u32 s28, $0x1;
	[dreg:$0x2] =	wrdreg s3  }
0x21: {  	[dreg:$0x3] =	wrdreg s5  }
0x22: {  	[dreg:$0x4] =	wrdreg $0xC0  }
0x23: {  	_ =	task [dreg:s7], $0x5FFFF  }
0x24: {  	[dreg:$0x1] =	wrdreg $0xFFFFFFFF  }
0x25: {  	[dreg:$0x0] =	wrdreg $0x60  }
0x26: {  	[dreg:$0x2] =	wrdreg s25  }
0x27: {  	[dreg:$0x3] =	wrdreg s2  }
0x28: {  	[dreg:$0x4] =	wrdreg $0x9  }
0x29: {  	_ =	task.clear_ibuf [dreg:s7], $0x5FFFF;
	_ =	strace $0x90000049  }
0x2a: {  	s29 =	simm.s32 $0x9;
	_ =	strace $0x8000004B  }
0x2b: {  	_ =	swait.ge [sflag:s29], $0x1  }
0x2c: {  	[sflag:s29] =	ssyncadd.s32 $0xFFFFFFFF  }
0x2d: {  	_ =	strace $0x9000004B  }
0x2e: {  	_ =	sfence  }
0x2f: {  	s30 =	sld [smem:$0x0];
	_ =	sdelay $0x2  }
0x30: {  	s31 =	sshll.u32 s1, $0xD;
	s1 =	sshrl.u32 s1, $0x2  }
0x31: {  	s3 =	sand.u32 $0x4000, s31;
	s1 =	sadd.s32 s1, s30  }
0x32: {  	s0 =	sor.u32 s3, s0;
	s1 =	sshll.u32 s1, $0x11  }
0x33: {  	s0 =	sor.u32 s1, s0  }
0x34: {  	s0 =	sadd.s32 $0x8F2B, s0  }
0x35: {  	[sflag:s0] =	ssyncadd.remote.s32 $0x1  }
0x36: {  	_ =	sfence.sel $0xFFFF  }
0x37: {  	[dreg:$0x0] =	wrdreg $0xFFFFFFFF;
	(pc) =	sbr.abs _section_cstart, $3  }
0x38: {  	[dreg:$0x1] =	wrdreg $0xFFFFFFFF  }
0x39: {  	_ =	task.clear_ibuf [dreg:s7], $0x2FFFF;
	_ =	strace $0x9FFFFFFF  }
0x3a: {  	(tm) =	ssettm $0x7FFFFFFF  }
0x3b: {  	_ =	shalt  }
tec
execute0_lowered:
.L_overlay_start_1:
0x0: {  	(tag) =	ssettag $0x1  }
0x1: {  	s0 =	srdreg.scid  }
0x2: {  	s1 =	sshll.u32 s0, $0x4  }
0x3: {  	s0 =	stileid.u32;
	s1 =	sand.u32 $0x10, s1  }
0x4: {  	s1 =	sor.u32 s0, s1  }
0x5: {  	s6 =	rddreg [dreg:$0x0];
	s4 =	simm.s32 $0x1;
	s2 =	sshll.u32 s1, $0x7  }
0x6: {  	s7 =	simm.s32 $0x2;
	s12 =	simm.s32 $0x0;
	s1 =	ssub.s32 $0x4000, s2  }
0x7: {  	s8 =	simm.s32 $0x20000;
	s13 =	simm.s32 $0x0;
	s3 =	sand.u32 $0xF80, s1  }
0x8: {  	s9 =	simm.s32 $0x0;
	s5 =	sshrl.u32 s1, $0xC;
	p0 =	sne.s32 s3, $0x0  }
.Ltmp0:
0x9: {  	s1 =	rddreg [dreg:$0x2];
	s4 =	simm.s32 @!p0 $0x0;
	(pc) =	sbr.rel .LBB1_1-.Ltmp0, $4  }
0xa: {  	s11 =	simm.s32 $0x0;
	s3 =	rddreg [dreg:$0x1];
	s5 =	sadd.s32 s4, s5  }
0xb: {  	_ =	strace $0x8000004A;
	s4 =	simm.s32 $0x1;
	s5 =	smul.u32 $0x32, s5  }
0xc: {  	s6 =	sadd.s32 $0xC00, s6;
	s10 =	smov.u32 s2;
	[sflag:s4] =	ssyncpa.u1 $0x0  }
0xd: {  	p0 =	por $0x0, $0x0;
	[sflag:s7] =	ssyncpa.u1 $0x0;
	s7 =	sor.u32 $0x1, s5  }
.LBB1_4:
0xe: {  	s16 =	sshll.u32 s13, $0x3;
	s17 =	sand.u32 $0x78, s13  }
0xf: {  	s30 =	sand.u32 $0x1F800, s13;
	s12 =	sshll.u32 s12, $0x11;
	s16 =	sand.u32 $0x3C00, s16  }
0x10: {  	[tilespmem:s15+$0x810 ss:$0x81] =	vst.msk $0xffff, v2;
	s31 =	sand.u32 $0x7, s13;
	s16 =	sor.u32 s17, s16;
	s17 =	sadd.s32 s3, s30  }
0x11: {  	[tilespmem:s15+$0x1020 ss:$0x81] =	vst.msk $0xffff, v0;
	s13 =	sshll.u32 s31, $0x12;
	s12 =	sadd.s32 s12, s17;
	s16 =	sshrl.u32 s16, $0x3  }
0x12: {  	[tilespmem:s15+$0x0 ss:$0x81] =	vst.msk $0xffff, v1;
	s13 =	sor.u32 $0x400, s13;
	s12 =	sadd.s32 s16, s12  }
0x13: {  	[hbm4b:s12+s13] =	stream.strided.scatter [tilespmem:s14], [sflag:$0x2], $0x2000, s8, s13, $0x20;
	[tilespmem:$0x8080] =	vst v63  }
.LBB1_5:
0x14: {  	s14 =	sadd.s32 $0x1, s9  }
0x15: {  	s12 =	sadd.s32 $0x1000, s10;
	s16 =	smov.u32 s10;
	p2 =	sgt.s32 s14, $0x31  }
0x16: {  	s16 =	smov.u32 @p2 s12  }
0x17: {  	s14 =	simm.s32 @p2 $0x0;
	p2 =	sgt.s32 s16, $0x3FFF  }
0x18: {  	s16 =	smov.u32 @p2 s2;
	p2 =	sne.s32 s11, s7  }
.Ltmp1:
0x19: {  	p1 =	slt.u32 s11, $0x2;
	(pc) =	sbr.rel @!p2 .LBB1_6-.Ltmp1, $4  }
0x1a: {  	s15 =	simm.s32 @!p1 $0x2  }
0x1b: {  	s13 =	smov.u32 s10;
	p0 =	por !p0, !p0;
	_ =	swait.ge @!p1 [sflag:s15], $0x2000  }
0x1c: {  	s12 =	smov.u32 s9;
	[sflag:s15] =	ssyncset.done @!p1 $0x0;
	s9 =	smov.u32 s14  }
0x1d: {  	s11 =	sadd.s32 $0x1, s11;
	[sflag:s15] =	ssyncadd.s32 @!p1 $0xFFFFE000;
	s10 =	smov.u32 s16  }
.LBB1_1:
0x1e: {  	p1 =	sge.u32 s11, s5  }
0x1f: {  	s14 =	sand.u32 @!p1 $0x1FFFFFF, s9  }
0x20: {  	s15 =	smulhi.u32 @!p1 $0x4924925, s14;
	_ =	sdelay $0x1  }
0x21: {  	s15 =	smul.u32 @!p1 $0x38, s15  }
0x22: {  	s16 =	sxor.u32 @!p1 $0xFFFFFFFF, s11;
	s17 =	smul.u32 @!p1 $0x380, s10  }
0x23: {  	s31 =	sadd.s32 $0xFFFFFFFF, s11;
	s16 =	sshll.u32 @!p1 s16, $0xD;
	s14 =	ssub.s32 @!p1 s14, s15  }
0x24: {  	s15 =	sand.u32 @!p1 $0x2000, s16;
	s16 =	sadd.s32 @!p1 s6, s17;
	s14 =	sshll.u32 @!p1 s14, $0x4  }
0x25: {  	s17 =	simm.s32 @!p1 $0x1C00;
	s14 =	sadd.s32 @!p1 s14, s16;
	s16 =	simm.s32 @!p1 $0x40  }
0x26: {  	[tilespmem:s15], [sflag:$0x1] =	stream.strided.gather @!p1 [hbm4b:s14+s16], $0x2000, s17, s16, $0x38;
	[tilespmem:$0x8080] =	vst v63  }
0x27: {  	p1 =	sge.u32 s31, s5  }
.Ltmp2:
0x28: {  	_ = 	snop;
	(pc) =	sbr.rel @p1 .LBB1_5-.Ltmp2, $1  }
0x29: {  	_ =	sdelay $0x3  }
0x2a: {  	s14 =	simm.s32 $0x1  }
0x2b: {  	_ =	swait.ge [sflag:s4], $0x2000;
	s14 =	simm.s32 @!p0 $0x0  }
0x2c: {  	[sflag:s4] =	ssyncset.done $0x0;
	s15 =	sshll.u32 s14, $0xD  }
0x2d: {  	[sflag:s4] =	ssyncadd.s32 $0xFFFFE000;
	s18 =	sor.u32 $0x20, s15  }
0x2e: {  	s14 =	smul.u32 $0x8100, s14;
	v3 =	vld [tilespmem:s18+$0x10]  }
0x2f: {  	s30 =	sand.u32 $0x1, s11;
	v2 =	vld [tilespmem:s18+$0xFFFFFFF0]  }
0x30: {  	s15 =	smul.u32 $0x8100, s30;
	s14 =	sshrl.u32 s14, $0x2;
	v0 =	vld [tilespmem:s18+$0x0]  }
0x31: {  	v1 =	vld [tilespmem:s18+$0xFFFFFFE0];
	s16 =	sor.u32 $0x4000, s14  }
0x32: {  	s31 =	sshrl.u32 s15, $0x2;
	s15 =	sadd.s32 $0x0, s16  }
0x33: {  	s17 =	simm.s32 $0x4;
	s18 =	sadd.s32 $0x40, s18;
	s14 =	sor.u32 $0x4000, s31;
	[tilespmem:s15+$0x1830 ss:$0x81] =	vst.msk $0xffff, v3  }
.LBB1_3:
0x34: {  	v3 =	vld [tilespmem:s18+$0x10];
	p1 =	sne.s32 s17, $0x1FC;
	[tilespmem:s15+$0x810 ss:$0x81] =	vst.msk $0xffff, v2;
	s19 =	smov.u32 s17;
	s17 =	sadd.s32 $0x4, s17  }
.Ltmp3:
0x35: {  	v2 =	vld [tilespmem:s18+$0xFFFFFFF0];
	[tilespmem:s15+$0x1020 ss:$0x81] =	vst.msk $0xffff, v0;
	(pc) =	sbr.rel @p1 .LBB1_3-.Ltmp3, $4  }
0x36: {  	v0 =	vld [tilespmem:s18+$0x0];
	[tilespmem:s15+$0x0 ss:$0x81] =	vst.msk $0xffff, v1  }
0x37: {  	s15 =	sshra.s32 s19, $0x2;
	v1 =	vld [tilespmem:s18+$0xFFFFFFE0]  }
0x38: {  	s15 =	sadd.s32 s15, s16  }
0x39: {  	s18 =	sadd.s32 $0x40, s18;
	[tilespmem:s15+$0x1830 ss:$0x81] =	vst.msk $0xffff, v3  }
.Ltmp4:
0x3a: {  	_ = 	snop;
	(pc) =	sbr.rel .LBB1_4-.Ltmp4, $1  }
0x3b: {  	_ =	sdelay $0x3  }
.LBB1_6:
0x3c: {  	_ =	sfence.sel $0x180000  }
0x3d: {  	s2 =	simm.s32 $0x1;
	[bflag:$0x0] =	sbarrier.arrive $0xFFFF  }
0x3e: {  	s31 =	simm.s32 $0x2;
	[sflag:s2] =	ssyncpa.u1 $0x1  }
0x3f: {  	[sflag:s31] =	ssyncpa.u1 $0x1  }
0x40: {  	p0 =	sne.s32 s0, $0x0;
	_ =	strace $0x9000004A  }
0x41: {  	s0 =	sadd.s32 @!p0 $0x100000, s1;
	[bflag:$0x2] =	sbarrier.arrive $0xFFFF  }
0x42: {  	[sflag:s0] =	ssyncadd.tile.s32 @!p0 $0x1;
	_ =	shalt  }
.Lfunc_end1:
_tile_overlayer_lowered:
.L_overlay_start_2:
0x43: {  	(tag) =	ssettag $0x2  }
0x44: {  	s0 =	rddreg [dreg:$0x0];
	s2 =	stileid.u32  }
0x45: {  	s1 =	rddreg [dreg:$0x1];
	p0 =	sne.s32 s2, $0x0  }
0x46: {  	s3 =	rddreg [dreg:$0x2];
	[bflag:$0x3] =	sbarrier.arrive $0xFFFF;
	s2 =	simm.s32 @!p0 $0x1C01  }
0x47: {  	[timem:s3], [sflag:s2] =	dma.local @!p0 [hbm:s0], s1  }
0x48: {  	s0 =	simm.s32 @!p0 $0x1  }
0x49: {  	_ =	swait.ge @!p0 [sflag:s0], s1  }
0x4a: {  	s1 =	ssub.s32 @!p0 $0x0, s1;
	[sflag:s0] =	ssyncset.done @!p0 $0x0  }
0x4b: {  	[sflag:s0] =	ssyncadd.s32 @!p0 s1  }
0x4c: {  	[bflag:$0x3] =	sbarrier.arrive $0xFFFF  }
0x4d: {  	_ =	shalt  }

</sc_bundles>
